<compile_context>
chip_gen: v7x
topology: tpu7x:2x2x1
jax: 0.10.2.dev20260603
libtpu: 0.0.44.dev20260713+nightly
codegen_flags: <defaults>
</compile_context>

<pallas_src>
import functools

import jax
import jax.numpy as jnp
from jax import lax
from jax.experimental import pallas as pl
from jax.experimental.pallas import tpu as pltpu
from jax.experimental.pallas import tpu_sc as plsc

N = 10000
N_PAD = 10240
D = 128
H = 256
L = 32
E = 320000
E_PAD = 327680
CH = 128
NS = 16
NC = 2
ROWS_PER_TILE = N_PAD // NS
EC = E_PAD // CH


def _sc_mesh():
    return plsc.VectorSubcoreMesh(core_axis_name="c", subcore_axis_name="s")


_SC_PARAMS = pltpu.CompilerParams(use_tc_tiling_on_sc=False)


def _deg_body(dst_hbm, out0, out1, dst2d, ones_v, zrow_v, acc, *sems):
    c = lax.axis_index("c")
    s = lax.axis_index("s")
    row0 = s * ROWS_PER_TILE
    nit = EC // (NS * NC)
    U = 4

    def fill_zero(i, _):
        zrow_v[i, :] = jnp.zeros((16,), jnp.float32)
        return ()

    lax.fori_loop(0, ROWS_PER_TILE, fill_zero, ())

    def fill_ones(i, _):
        ones_v[i, :] = jnp.ones((16,), jnp.float32)
        return ()

    lax.fori_loop(0, CH, fill_ones, ())

    pltpu.sync_copy(zrow_v, acc.at[pl.ds(row0, ROWS_PER_TILE)])
    plsc.subcore_barrier()

    chunk0 = (c * NS + s) * nit

    def body(g, _):
        pltpu.sync_copy(dst_hbm.at[pl.ds(chunk0 + g * U, U)], dst2d)
        descs = [pltpu.async_copy(ones_v, acc.at[dst2d.at[u]], sems[u],
                                  add=True) for u in range(U)]
        for d in descs:
            d.wait()
        return ()

    lax.fori_loop(0, nit // U, body, ())
    plsc.subcore_barrier()

    @pl.when(c == 0)
    def _():
        pltpu.sync_copy(acc.at[pl.ds(row0, ROWS_PER_TILE)],
                        out0.at[pl.ds(row0, ROWS_PER_TILE)])

    @pl.when(c == 1)
    def _():
        pltpu.sync_copy(acc.at[pl.ds(row0, ROWS_PER_TILE)],
                        out1.at[pl.ds(row0, ROWS_PER_TILE)])


_deg_call = functools.partial(
    pl.kernel,
    out_type=(jax.ShapeDtypeStruct((N_PAD, 16), jnp.float32),
              jax.ShapeDtypeStruct((N_PAD, 16), jnp.float32)),
    mesh=_sc_mesh(),
    scratch_types=[
        pltpu.VMEM((4, CH), jnp.int32),
        pltpu.VMEM((CH, 16), jnp.float32),
        pltpu.VMEM((ROWS_PER_TILE, 16), jnp.float32),
        pltpu.VMEM_SHARED((N_PAD, 16), jnp.float32),
    ] + [pltpu.SemaphoreType.DMA] * 4,
    compiler_params=_SC_PARAMS,
)(_deg_body)


def _make_agg(w, row_split):
    niter = (EC // (NS * NC)) if row_split else (EC // NS)
    nbuf = 2 if w >= 128 else 4
    assert niter % nbuf == 0

    def body(*refs):
        if row_split:
            (m0m, srcv, dstv, out0, out1, *rest) = refs
            m1m = m0m
        else:
            (m0m, m1m, srcv, dstv, out0, out1, *rest) = refs
        src2d = rest[0]
        dst2d = rest[1]
        rows = rest[2:2 + nbuf]
        acc = rest[2 + nbuf]
        gsem = rest[3 + nbuf:3 + 2 * nbuf]
        ssem = rest[3 + 2 * nbuf:3 + 3 * nbuf]

        c = lax.axis_index("c")
        s = lax.axis_index("s")
        row0 = s * ROWS_PER_TILE
        chunk0 = ((c * NS + s) * niter) if row_split else (s * niter)

        def fill_zero(i, _):
            for j in range(w // 16):
                rows[0][i, pl.ds(16 * j, 16)] = jnp.zeros((16,), jnp.float32)
            return ()

        lax.fori_loop(0, CH, fill_zero, ())
        for r in range(ROWS_PER_TILE // CH):
            pltpu.sync_copy(rows[0], acc.at[pl.ds(row0 + r * CH, CH)])
        plsc.subcore_barrier()

        def block(m):
            def run(g, _):
                base = chunk0 + g * nbuf
                pltpu.sync_copy(srcv.at[pl.ds(base, nbuf)], src2d)
                pltpu.sync_copy(dstv.at[pl.ds(base, nbuf)], dst2d)
                gd = [pltpu.async_copy(m.at[src2d.at[u]], rows[u], gsem[u])
                      for u in range(nbuf)]
                sd = []
                for u in range(nbuf):
                    gd[u].wait()
                    sd.append(pltpu.async_copy(rows[u], acc.at[dst2d.at[u]],
                                               ssem[u], add=True))
                for d in sd:
                    d.wait()
                return ()

            lax.fori_loop(0, niter // nbuf, run, ())

        if row_split:
            block(m0m)
        else:
            @pl.when(c == 0)
            def _():
                block(m0m)

            @pl.when(c == 1)
            def _():
                block(m1m)

        plsc.subcore_barrier()

        @pl.when(c == 0)
        def _():
            pltpu.sync_copy(acc.at[pl.ds(row0, ROWS_PER_TILE)],
                            out0.at[pl.ds(row0, ROWS_PER_TILE)])

        @pl.when(c == 1)
        def _():
            pltpu.sync_copy(acc.at[pl.ds(row0, ROWS_PER_TILE)],
                            out1.at[pl.ds(row0, ROWS_PER_TILE)])

    scratch = [
        pltpu.VMEM((nbuf, CH), jnp.int32),
        pltpu.VMEM((nbuf, CH), jnp.int32),
    ]
    scratch += [pltpu.VMEM((CH, w), jnp.float32) for _ in range(nbuf)]
    scratch += [pltpu.VMEM_SHARED((N_PAD, w), jnp.float32)]
    scratch += [pltpu.SemaphoreType.DMA for _ in range(2 * nbuf)]

    return pl.kernel(
        body,
        out_type=(jax.ShapeDtypeStruct((N_PAD, w), jnp.float32),
                  jax.ShapeDtypeStruct((N_PAD, w), jnp.float32)),
        mesh=_sc_mesh(),
        scratch_types=scratch,
        compiler_params=_SC_PARAMS,
    )


_agg_row128 = _make_agg(128, row_split=True)
_agg_col128 = _make_agg(128, row_split=False)
_agg_row64 = _make_agg(64, row_split=True)


def _norm_from(d0, d1):
    deg = d0[:, 0:1] + d1[:, 0:1] + 1.0
    return lax.rsqrt(deg)


def _tcA_body(d0, d1, x, o):
    n = _norm_from(d0[...], d1[...])
    o[...] = n * x[...]


def _tcB_body(d0, d1, p0, p1, xs, w1, b1, o0, o1):
    n = _norm_from(d0[...], d1[...])
    u = n * (p0[...] + p1[...] + xs[...])
    h = jnp.maximum(jnp.dot(u, w1[...], preferred_element_type=jnp.float32)
                    + b1[...], 0.0)
    hp = n * h
    o0[...] = hp[:, :128]
    o1[...] = hp[:, 128:]


def _tcC_body(d0, d1, q0, q1, h0, h1, w2, b2, wmulv, o):
    n = _norm_from(d0[...], d1[...])
    qm = jnp.concatenate([q0[...], q1[...]], axis=1)
    hp = jnp.concatenate([h0[...], h1[...]], axis=1)
    u = n * (qm + hp)
    h2 = jnp.maximum(jnp.dot(u, w2[...], preferred_element_type=jnp.float32)
                     + b2[...], 0.0)
    o[...] = n * jnp.dot(h2, wmulv[...], preferred_element_type=jnp.float32)


def _tcD_body(d0, d1, r0, r1, cp, bmulv, eps, wbil, zo, zwo):
    n = _norm_from(d0[...], d1[...])
    mulv = n * (r0[...] + r1[...] + cp[...]) + bmulv[...]
    mu = mulv[:, :L]
    logvar = mulv[:, L:]
    z = mu + jnp.exp(0.5 * logvar) * eps[...]
    zo[...] = z
    zwo[...] = jnp.dot(z, wbil[...], preferred_element_type=jnp.float32)


def _tcE_body(zw, z, out):
    acc = lax.dot_general(zw[...], z[...], (((1,), (1,)), ((), ())),
                          preferred_element_type=jnp.float32)
    out[...] = jax.nn.sigmoid(acc)


def _row_spec(bm, w):
    return pl.BlockSpec((bm, w), lambda i: (i, 0))


def _full_spec(shape):
    return pl.BlockSpec(shape, lambda i: tuple(0 for _ in shape))


def kernel(x, edge_index, W1, b1, W2, b2, Wmu, bmu, Wlv, blv, Wbil):
    f32 = jnp.float32
    src = edge_index[0]
    dst = edge_index[1]
    pad_e = N + (jnp.arange(E_PAD - E, dtype=jnp.int32) % (N_PAD - N))
    src_p = jnp.concatenate([src, pad_e]).reshape(EC, CH)
    dst_p = jnp.concatenate([dst, pad_e]).reshape(EC, CH)
    x_p = jnp.pad(x, ((0, N_PAD - N), (0, 0)))

    Wmulv = jnp.concatenate([Wmu, Wlv], axis=1)
    bmulv = jnp.concatenate([bmu, blv]).reshape(1, 2 * L)
    b1r = b1.reshape(1, H)
    b2r = b2.reshape(1, H)
    eps = jax.random.normal(jax.random.key(42), (N, L), dtype=f32)
    eps_p = jnp.pad(eps, ((0, N_PAD - N), (0, 0)))

    d0, d1 = _deg_call(dst_p)

    bm = 1024
    grid = (N_PAD // bm,)

    xs = pl.pallas_call(
        _tcA_body,
        grid=grid,
        in_specs=[_row_spec(bm, 16), _row_spec(bm, 16), _row_spec(bm, D)],
        out_specs=_row_spec(bm, D),
        out_shape=jax.ShapeDtypeStruct((N_PAD, D), f32),
    )(d0, d1, x_p)

    p0, p1 = _agg_row128(xs, src_p, dst_p)

    h10, h11 = pl.pallas_call(
        _tcB_body,
        grid=grid,
        in_specs=[_row_spec(bm, 16), _row_spec(bm, 16),
                  _row_spec(bm, D), _row_spec(bm, D), _row_spec(bm, D),
                  _full_spec((D, H)), _full_spec((1, H))],
        out_specs=(_row_spec(bm, 128), _row_spec(bm, 128)),
        out_shape=(jax.ShapeDtypeStruct((N_PAD, 128), f32),
                   jax.ShapeDtypeStruct((N_PAD, 128), f32)),
    )(d0, d1, p0, p1, xs, W1, b1r)

    q0, q1 = _agg_col128(h10, h11, src_p, dst_p)

    cc = pl.pallas_call(
        _tcC_body,
        grid=grid,
        in_specs=[_row_spec(bm, 16), _row_spec(bm, 16),
                  _row_spec(bm, 128), _row_spec(bm, 128),
                  _row_spec(bm, 128), _row_spec(bm, 128),
                  _full_spec((H, H)), _full_spec((1, H)),
                  _full_spec((H, 2 * L))],
        out_specs=_row_spec(bm, 2 * L),
        out_shape=jax.ShapeDtypeStruct((N_PAD, 2 * L), f32),
    )(d0, d1, q0, q1, h10, h11, W2, b2r, Wmulv)

    r0, r1 = _agg_row64(cc, src_p, dst_p)

    z, zw = pl.pallas_call(
        _tcD_body,
        grid=grid,
        in_specs=[_row_spec(bm, 16), _row_spec(bm, 16),
                  _row_spec(bm, 2 * L), _row_spec(bm, 2 * L),
                  _row_spec(bm, 2 * L),
                  _full_spec((1, 2 * L)), _row_spec(bm, L),
                  _full_spec((L, L))],
        out_specs=(_row_spec(bm, L), _row_spec(bm, L)),
        out_shape=(jax.ShapeDtypeStruct((N_PAD, L), f32),
                   jax.ShapeDtypeStruct((N_PAD, L), f32)),
    )(d0, d1, r0, r1, cc, bmulv, eps_p, Wbil)

    bme, bne = 512, 1024
    adj = pl.pallas_call(
        _tcE_body,
        grid=(N // bme + (1 if N % bme else 0), N // bne + (1 if N % bne else 0)),
        in_specs=[pl.BlockSpec((bme, L), lambda i, j: (i, 0)),
                  pl.BlockSpec((bne, L), lambda i, j: (j, 0))],
        out_specs=pl.BlockSpec((bme, bne), lambda i, j: (i, j)),
        out_shape=jax.ShapeDtypeStruct((N, N), f32),
    )(zw, z)

    return adj

# --- scband reference (transcript-rebuilt; emitter-appended) ---
"""Pipeline reference for scband-graph-vae-41300405518366 (READ-ONLY COPY).

The authoritative reference and input builder live on the scoring server;
editing this copy changes nothing except your own understanding.
"""

import jax, jax.numpy as jnp
import numpy as np

N = 10000
D = 128
H = 256
L = 32
E = 320000

def setup_inputs(seed: int = 0):
    key = jax.random.key(seed)
    ks = jax.random.split(key, 12)
    x = jax.random.normal(ks[0], (N, D), dtype=jnp.float32)
    edge_index = jax.random.randint(ks[1], (2, E), 0, N, dtype=jnp.int32)
    W1 = jax.random.normal(ks[2], (D, H), dtype=jnp.float32) * (1.0 / np.sqrt(D))
    b1 = jnp.zeros((H,), dtype=jnp.float32)
    W2 = jax.random.normal(ks[3], (H, H), dtype=jnp.float32) * (1.0 / np.sqrt(H))
    b2 = jnp.zeros((H,), dtype=jnp.float32)
    Wmu = jax.random.normal(ks[4], (H, L), dtype=jnp.float32) * (1.0 / np.sqrt(H))
    bmu = jnp.zeros((L,), dtype=jnp.float32)
    Wlv = jax.random.normal(ks[5], (H, L), dtype=jnp.float32) * (1.0 / np.sqrt(H))
    blv = jnp.zeros((L,), dtype=jnp.float32)
    Wbil = jax.random.normal(ks[6], (L, L), dtype=jnp.float32) * (1.0 / np.sqrt(L))
    return {"x": x, "edge_index": edge_index, "W1": W1, "b1": b1, "W2": W2, "b2": b2,
            "Wmu": Wmu, "bmu": bmu, "Wlv": Wlv, "blv": blv, "Wbil": Wbil}

def _gcn(x, src, dst, W, b):
    # GCNConv: D^{-1/2} (A + I) D^{-1/2} X W + b
    xw = x @ W
    deg = jnp.zeros((N,), dtype=xw.dtype).at[dst].add(1.0) + 1.0  # +1 for self-loop
    norm = jax.lax.rsqrt(deg)
    coef = (norm[src] * norm[dst])[:, None]
    agg = jnp.zeros_like(xw).at[dst].add(xw[src] * coef)
    agg = agg + xw * (norm * norm)[:, None]  # self-loop contribution
    return agg + b

def reference(x, edge_index, W1, b1, W2, b2, Wmu, bmu, Wlv, blv, Wbil):
    src = edge_index[0]
    dst = edge_index[1]
    # GraphEncoder (GCN, hidden_layers=2; BatchNorm in eval with init running stats ~ identity; dropout eval = identity)
    h = jax.nn.relu(_gcn(x, src, dst, W1, b1))
    h = jax.nn.relu(_gcn(h, src, dst, W2, b2))
    mu = _gcn(h, src, dst, Wmu, bmu)
    logvar = _gcn(h, src, dst, Wlv, blv)
    # reparameterization with fixed eps for determinism
    eps = jax.random.normal(jax.random.key(42), mu.shape, dtype=mu.dtype)
    z = mu + jnp.exp(0.5 * logvar) * eps
    # BilinearDecoder: sigmoid(z W z^T)
    adj_recon = jax.nn.sigmoid((z @ Wbil) @ z.T)
    return adj_recon

if __name__ == "__main__":
    import jax
    _d = setup_inputs()
    print(jax.jit(kernel)(*tuple(_d.values())))

</pallas_src>

<mosaic_0001>
#map = affine_map<(d0, d1) -> (0, 0)>
module attributes {stable_mosaic.version = 14 : i64} {
  func.func @body(%arg0: i32, %arg1: i32, %arg2: memref<10240x64xf32, #tpu.memory_space<hbm>>, %arg3: memref<2560x128xi32, #tpu.memory_space<hbm>>, %arg4: memref<2560x128xi32, #tpu.memory_space<hbm>>, %arg5: memref<10240x64xf32, #tpu.memory_space<hbm>>, %arg6: memref<10240x64xf32, #tpu.memory_space<hbm>>, %arg7: memref<4x128xi32, #tpu.memory_space<vmem>>, %arg8: memref<4x128xi32, #tpu.memory_space<vmem>>, %arg9: memref<128x64xf32, #tpu.memory_space<vmem>>, %arg10: memref<128x64xf32, #tpu.memory_space<vmem>>, %arg11: memref<128x64xf32, #tpu.memory_space<vmem>>, %arg12: memref<128x64xf32, #tpu.memory_space<vmem>>, %arg13: memref<10240x64xf32, #tpu.memory_space<vmem_shared>>, %arg14: memref<!tpu.dma_semaphore, #tpu.memory_space<semaphore_mem>>, %arg15: memref<!tpu.dma_semaphore, #tpu.memory_space<semaphore_mem>>, %arg16: memref<!tpu.dma_semaphore, #tpu.memory_space<semaphore_mem>>, %arg17: memref<!tpu.dma_semaphore, #tpu.memory_space<semaphore_mem>>, %arg18: memref<!tpu.dma_semaphore, #tpu.memory_space<semaphore_mem>>, %arg19: memref<!tpu.dma_semaphore, #tpu.memory_space<semaphore_mem>>, %arg20: memref<!tpu.dma_semaphore, #tpu.memory_space<semaphore_mem>>, %arg21: memref<!tpu.dma_semaphore, #tpu.memory_space<semaphore_mem>>) attributes {dimension_semantics = [#tpu.dimension_semantics<core_parallel>, #tpu.dimension_semantics<subcore_parallel>], iteration_bounds = array<i64: 2, 16>, scalar_prefetch = 0 : i64, scratch_operands = 15 : i64, tpu.core_type = #tpu.core_type<sc_vector_subcore>, window_params = [{transform_indices = #map}, {transform_indices = #map}, {transform_indices = #map}, {transform_indices = #map}, {transform_indices = #map}]} {
    %mul3A = arith.constant 640 : i32
    %mul3A_0 = arith.muli %arg1, %mul3A : i32
    %mul3A_1 = arith.constant 16 : i32
    %mul3A_2 = arith.muli %arg0, %mul3A_1 : i32
    %add3A = arith.addi %mul3A_2, %arg1 : i32
    %mul3A_3 = arith.constant 80 : i32
    %mul3A_4 = arith.muli %add3A, %mul3A_3 : i32
    %scan3A = arith.constant 0 : i32
    %scan3A_5 = arith.constant 128 : i32
    %scan3A_6 = arith.addi %scan3A, %scan3A_5 : i32
    %scan3A_7 = arith.constant 1 : i32
    scf.for %scan3A_32 = %scan3A to %scan3A_6 step %scan3A_7  : i32 {
      %broadcast_in_dim3A = arith.constant 0.000000e+00 : f32
      %broadcast_in_dim3A_33 = vector.broadcast %broadcast_in_dim3A : f32 to vector<16xf32>
      %swap3A = arith.index_cast %scan3A_32 : i32 to index
      %swap3A_34 = arith.constant 0 : index
      %swap3A_35 = tpu.vector_load %arg9[%swap3A, %swap3A_34] {strides = array<i32>} : memref<128x64xf32, #tpu.memory_space<vmem>>, vector<1x16xf32>,
      %swap3A_36 = vector.shape_cast %swap3A_35 : vector<1x16xf32> to vector<16xf32>
      %swap3A_37 = vector.shape_cast %broadcast_in_dim3A_33 : vector<16xf32> to vector<1x16xf32>
      tpu.vector_store %arg9[%swap3A, %swap3A_34], %swap3A_37 {strides = array<i32>} : memref<128x64xf32, #tpu.memory_space<vmem>>, vector<1x16xf32>,
      %broadcast_in_dim3A_38 = arith.constant 0.000000e+00 : f32
      %broadcast_in_dim3A_39 = vector.broadcast %broadcast_in_dim3A_38 : f32 to vector<16xf32>
      %swap3A_40 = arith.index_cast %scan3A_32 : i32 to index
      %swap3A_41 = arith.constant 16 : index
      %swap3A_42 = tpu.vector_load %arg9[%swap3A_40, %swap3A_41] {strides = array<i32>} : memref<128x64xf32, #tpu.memory_space<vmem>>, vector<1x16xf32>,
      %swap3A_43 = vector.shape_cast %swap3A_42 : vector<1x16xf32> to vector<16xf32>
      %swap3A_44 = vector.shape_cast %broadcast_in_dim3A_39 : vector<16xf32> to vector<1x16xf32>
      tpu.vector_store %arg9[%swap3A_40, %swap3A_41], %swap3A_44 {strides = array<i32>} : memref<128x64xf32, #tpu.memory_space<vmem>>, vector<1x16xf32>,
      %broadcast_in_dim3A_45 = arith.constant 0.000000e+00 : f32
      %broadcast_in_dim3A_46 = vector.broadcast %broadcast_in_dim3A_45 : f32 to vector<16xf32>
      %swap3A_47 = arith.index_cast %scan3A_32 : i32 to index
      %swap3A_48 = arith.constant 32 : index
      %swap3A_49 = tpu.vector_load %arg9[%swap3A_47, %swap3A_48] {strides = array<i32>} : memref<128x64xf32, #tpu.memory_space<vmem>>, vector<1x16xf32>,
      %swap3A_50 = vector.shape_cast %swap3A_49 : vector<1x16xf32> to vector<16xf32>
      %swap3A_51 = vector.shape_cast %broadcast_in_dim3A_46 : vector<16xf32> to vector<1x16xf32>
      tpu.vector_store %arg9[%swap3A_47, %swap3A_48], %swap3A_51 {strides = array<i32>} : memref<128x64xf32, #tpu.memory_space<vmem>>, vector<1x16xf32>,
      %broadcast_in_dim3A_52 = arith.constant 0.000000e+00 : f32
      %broadcast_in_dim3A_53 = vector.broadcast %broadcast_in_dim3A_52 : f32 to vector<16xf32>
      %swap3A_54 = arith.index_cast %scan3A_32 : i32 to index
      %swap3A_55 = arith.constant 48 : index
      %swap3A_56 = tpu.vector_load %arg9[%swap3A_54, %swap3A_55] {strides = array<i32>} : memref<128x64xf32, #tpu.memory_space<vmem>>, vector<1x16xf32>,
      %swap3A_57 = vector.shape_cast %swap3A_56 : vector<1x16xf32> to vector<16xf32>
      %swap3A_58 = vector.shape_cast %broadcast_in_dim3A_53 : vector<16xf32> to vector<1x16xf32>
      tpu.vector_store %arg9[%swap3A_54, %swap3A_55], %swap3A_58 {strides = array<i32>} : memref<128x64xf32, #tpu.memory_space<vmem>>, vector<1x16xf32>,
    }
    %scan3A_8 = arith.constant 128 : i32
    %add3A_9 = arith.constant 0 : i32
    %add3A_10 = arith.addi %mul3A_0, %add3A_9 : i32
    "tpu.region"() ({
      %run_scoped3A = tpu.sem_alloc : memref<!tpu.dma_semaphore, #tpu.memory_space<semaphore_mem>>
      %dma_start3A = arith.constant 0 : i32
      %dma_start3A_32 = tpu.memref_slice %arg13[%add3A_10, %dma_start3A] : memref<10240x64xf32, #tpu.memory_space<vmem_shared>> -> memref<128x64xf32, #tpu.memory_space<vmem_shared>>
      %dma_start3A_33 = arith.constant 0 : i32
      %dma_start3A_34 = tpu.memref_slice %arg13[%add3A_10, %dma_start3A_33] : memref<10240x64xf32, #tpu.memory_space<vmem_shared>> -> memref<128x64xf32, #tpu.memory_space<vmem_shared>>
      tpu.enqueue_dma source(%arg9 : memref<128x64xf32, #tpu.memory_space<vmem>>) target(%dma_start3A_34 : memref<128x64xf32, #tpu.memory_space<vmem_shared>>) target_semaphore(%run_scoped3A : memref<!tpu.dma_semaphore, #tpu.memory_space<semaphore_mem>>)
      %dma_wait3A = arith.constant 0 : i32
      %dma_wait3A_35 = tpu.memref_slice %arg13[%add3A_10, %dma_wait3A] : memref<10240x64xf32, #tpu.memory_space<vmem_shared>> -> memref<128x64xf32, #tpu.memory_space<vmem_shared>>
      %dma_wait3A_36 = arith.constant 0 : i32
      %dma_wait3A_37 = tpu.memref_slice %arg13[%add3A_10, %dma_wait3A_36] : memref<10240x64xf32, #tpu.memory_space<vmem_shared>> -> memref<128x64xf32, #tpu.memory_space<vmem_shared>>
      tpu.wait_dma2 semaphore(%run_scoped3A : memref<!tpu.dma_semaphore, #tpu.memory_space<semaphore_mem>>) src(%arg9 : memref<128x64xf32, #tpu.memory_space<vmem>>) dst(%dma_wait3A_37 : memref<128x64xf32, #tpu.memory_space<vmem_shared>>)
      tpu.yield
    }) : () -> ()
    %add3A_11 = arith.constant 128 : i32
    %add3A_12 = arith.addi %mul3A_0, %add3A_11 : i32
    "tpu.region"() ({
      %run_scoped3A = tpu.sem_alloc : memref<!tpu.dma_semaphore, #tpu.memory_space<semaphore_mem>>
      %dma_start3A = arith.constant 0 : i32
      %dma_start3A_32 = tpu.memref_slice %arg13[%add3A_12, %dma_start3A] : memref<10240x64xf32, #tpu.memory_space<vmem_shared>> -> memref<128x64xf32, #tpu.memory_space<vmem_shared>>
      %dma_start3A_33 = arith.constant 0 : i32
      %dma_start3A_34 = tpu.memref_slice %arg13[%add3A_12, %dma_start3A_33] : memref<10240x64xf32, #tpu.memory_space<vmem_shared>> -> memref<128x64xf32, #tpu.memory_space<vmem_shared>>
      tpu.enqueue_dma source(%arg9 : memref<128x64xf32, #tpu.memory_space<vmem>>) target(%dma_start3A_34 : memref<128x64xf32, #tpu.memory_space<vmem_shared>>) target_semaphore(%run_scoped3A : memref<!tpu.dma_semaphore, #tpu.memory_space<semaphore_mem>>)
      %dma_wait3A = arith.constant 0 : i32
      %dma_wait3A_35 = tpu.memref_slice %arg13[%add3A_12, %dma_wait3A] : memref<10240x64xf32, #tpu.memory_space<vmem_shared>> -> memref<128x64xf32, #tpu.memory_space<vmem_shared>>
      %dma_wait3A_36 = arith.constant 0 : i32
      %dma_wait3A_37 = tpu.memref_slice %arg13[%add3A_12, %dma_wait3A_36] : memref<10240x64xf32, #tpu.memory_space<vmem_shared>> -> memref<128x64xf32, #tpu.memory_space<vmem_shared>>
      tpu.wait_dma2 semaphore(%run_scoped3A : memref<!tpu.dma_semaphore, #tpu.memory_space<semaphore_mem>>) src(%arg9 : memref<128x64xf32, #tpu.memory_space<vmem>>) dst(%dma_wait3A_37 : memref<128x64xf32, #tpu.memory_space<vmem_shared>>)
      tpu.yield
    }) : () -> ()
    %add3A_13 = arith.constant 256 : i32
    %add3A_14 = arith.addi %mul3A_0, %add3A_13 : i32
    "tpu.region"() ({
      %run_scoped3A = tpu.sem_alloc : memref<!tpu.dma_semaphore, #tpu.memory_space<semaphore_mem>>
      %dma_start3A = arith.constant 0 : i32
      %dma_start3A_32 = tpu.memref_slice %arg13[%add3A_14, %dma_start3A] : memref<10240x64xf32, #tpu.memory_space<vmem_shared>> -> memref<128x64xf32, #tpu.memory_space<vmem_shared>>
      %dma_start3A_33 = arith.constant 0 : i32
      %dma_start3A_34 = tpu.memref_slice %arg13[%add3A_14, %dma_start3A_33] : memref<10240x64xf32, #tpu.memory_space<vmem_shared>> -> memref<128x64xf32, #tpu.memory_space<vmem_shared>>
      tpu.enqueue_dma source(%arg9 : memref<128x64xf32, #tpu.memory_space<vmem>>) target(%dma_start3A_34 : memref<128x64xf32, #tpu.memory_space<vmem_shared>>) target_semaphore(%run_scoped3A : memref<!tpu.dma_semaphore, #tpu.memory_space<semaphore_mem>>)
      %dma_wait3A = arith.constant 0 : i32
      %dma_wait3A_35 = tpu.memref_slice %arg13[%add3A_14, %dma_wait3A] : memref<10240x64xf32, #tpu.memory_space<vmem_shared>> -> memref<128x64xf32, #tpu.memory_space<vmem_shared>>
      %dma_wait3A_36 = arith.constant 0 : i32
      %dma_wait3A_37 = tpu.memref_slice %arg13[%add3A_14, %dma_wait3A_36] : memref<10240x64xf32, #tpu.memory_space<vmem_shared>> -> memref<128x64xf32, #tpu.memory_space<vmem_shared>>
      tpu.wait_dma2 semaphore(%run_scoped3A : memref<!tpu.dma_semaphore, #tpu.memory_space<semaphore_mem>>) src(%arg9 : memref<128x64xf32, #tpu.memory_space<vmem>>) dst(%dma_wait3A_37 : memref<128x64xf32, #tpu.memory_space<vmem_shared>>)
      tpu.yield
    }) : () -> ()
    %add3A_15 = arith.constant 384 : i32
    %add3A_16 = arith.addi %mul3A_0, %add3A_15 : i32
    "tpu.region"() ({
      %run_scoped3A = tpu.sem_alloc : memref<!tpu.dma_semaphore, #tpu.memory_space<semaphore_mem>>
      %dma_start3A = arith.constant 0 : i32
      %dma_start3A_32 = tpu.memref_slice %arg13[%add3A_16, %dma_start3A] : memref<10240x64xf32, #tpu.memory_space<vmem_shared>> -> memref<128x64xf32, #tpu.memory_space<vmem_shared>>
      %dma_start3A_33 = arith.constant 0 : i32
      %dma_start3A_34 = tpu.memref_slice %arg13[%add3A_16, %dma_start3A_33] : memref<10240x64xf32, #tpu.memory_space<vmem_shared>> -> memref<128x64xf32, #tpu.memory_space<vmem_shared>>
      tpu.enqueue_dma source(%arg9 : memref<128x64xf32, #tpu.memory_space<vmem>>) target(%dma_start3A_34 : memref<128x64xf32, #tpu.memory_space<vmem_shared>>) target_semaphore(%run_scoped3A : memref<!tpu.dma_semaphore, #tpu.memory_space<semaphore_mem>>)
      %dma_wait3A = arith.constant 0 : i32
      %dma_wait3A_35 = tpu.memref_slice %arg13[%add3A_16, %dma_wait3A] : memref<10240x64xf32, #tpu.memory_space<vmem_shared>> -> memref<128x64xf32, #tpu.memory_space<vmem_shared>>
      %dma_wait3A_36 = arith.constant 0 : i32
      %dma_wait3A_37 = tpu.memref_slice %arg13[%add3A_16, %dma_wait3A_36] : memref<10240x64xf32, #tpu.memory_space<vmem_shared>> -> memref<128x64xf32, #tpu.memory_space<vmem_shared>>
      tpu.wait_dma2 semaphore(%run_scoped3A : memref<!tpu.dma_semaphore, #tpu.memory_space<semaphore_mem>>) src(%arg9 : memref<128x64xf32, #tpu.memory_space<vmem>>) dst(%dma_wait3A_37 : memref<128x64xf32, #tpu.memory_space<vmem_shared>>)
      tpu.yield
    }) : () -> ()
    %add3A_17 = arith.constant 512 : i32
    %add3A_18 = arith.addi %mul3A_0, %add3A_17 : i32
    "tpu.region"() ({
      %run_scoped3A = tpu.sem_alloc : memref<!tpu.dma_semaphore, #tpu.memory_space<semaphore_mem>>
      %dma_start3A = arith.constant 0 : i32
      %dma_start3A_32 = tpu.memref_slice %arg13[%add3A_18, %dma_start3A] : memref<10240x64xf32, #tpu.memory_space<vmem_shared>> -> memref<128x64xf32, #tpu.memory_space<vmem_shared>>
      %dma_start3A_33 = arith.constant 0 : i32
      %dma_start3A_34 = tpu.memref_slice %arg13[%add3A_18, %dma_start3A_33] : memref<10240x64xf32, #tpu.memory_space<vmem_shared>> -> memref<128x64xf32, #tpu.memory_space<vmem_shared>>
      tpu.enqueue_dma source(%arg9 : memref<128x64xf32, #tpu.memory_space<vmem>>) target(%dma_start3A_34 : memref<128x64xf32, #tpu.memory_space<vmem_shared>>) target_semaphore(%run_scoped3A : memref<!tpu.dma_semaphore, #tpu.memory_space<semaphore_mem>>)
      %dma_wait3A = arith.constant 0 : i32
      %dma_wait3A_35 = tpu.memref_slice %arg13[%add3A_18, %dma_wait3A] : memref<10240x64xf32, #tpu.memory_space<vmem_shared>> -> memref<128x64xf32, #tpu.memory_space<vmem_shared>>
      %dma_wait3A_36 = arith.constant 0 : i32
      %dma_wait3A_37 = tpu.memref_slice %arg13[%add3A_18, %dma_wait3A_36] : memref<10240x64xf32, #tpu.memory_space<vmem_shared>> -> memref<128x64xf32, #tpu.memory_space<vmem_shared>>
      tpu.wait_dma2 semaphore(%run_scoped3A : memref<!tpu.dma_semaphore, #tpu.memory_space<semaphore_mem>>) src(%arg9 : memref<128x64xf32, #tpu.memory_space<vmem>>) dst(%dma_wait3A_37 : memref<128x64xf32, #tpu.memory_space<vmem_shared>>)
      tpu.yield
    }) : () -> ()
    %barrier3A = arith.constant 0 : index
    tpu.barrier barrier_id(%barrier3A)
    %scan3A_19 = arith.constant 0 : i32
    %scan3A_20 = arith.constant 20 : i32
    %scan3A_21 = arith.addi %scan3A_19, %scan3A_20 : i32
    %scan3A_22 = arith.constant 1 : i32
    scf.for %scan3A_32 = %scan3A_19 to %scan3A_21 step %scan3A_22  : i32 {
      %mul3A_33 = arith.constant 4 : i32
      %mul3A_34 = arith.muli %scan3A_32, %mul3A_33 : i32
      %add3A_35 = arith.addi %mul3A_4, %mul3A_34 : i32
      "tpu.region"() ({
        %run_scoped3A = tpu.sem_alloc : memref<!tpu.dma_semaphore, #tpu.memory_space<semaphore_mem>>
        %dma_start3A_146 = arith.constant 0 : i32
        %dma_start3A_147 = tpu.memref_slice %arg3[%add3A_35, %dma_start3A_146] : memref<2560x128xi32, #tpu.memory_space<hbm>> -> memref<4x128xi32, #tpu.memory_space<hbm>>
        %dma_start3A_148 = arith.constant 0 : i32
        %dma_start3A_149 = tpu.memref_slice %arg3[%add3A_35, %dma_start3A_148] : memref<2560x128xi32, #tpu.memory_space<hbm>> -> memref<4x128xi32, #tpu.memory_space<hbm>>
        tpu.enqueue_dma source(%dma_start3A_149 : memref<4x128xi32, #tpu.memory_space<hbm>>) target(%arg7 : memref<4x128xi32, #tpu.memory_space<vmem>>) target_semaphore(%run_scoped3A : memref<!tpu.dma_semaphore, #tpu.memory_space<semaphore_mem>>)
        %dma_wait3A_150 = arith.constant 0 : i32
        %dma_wait3A_151 = tpu.memref_slice %arg3[%add3A_35, %dma_wait3A_150] : memref<2560x128xi32, #tpu.memory_space<hbm>> -> memref<4x128xi32, #tpu.memory_space<hbm>>
        %dma_wait3A_152 = arith.constant 0 : i32
        %dma_wait3A_153 = tpu.memref_slice %arg3[%add3A_35, %dma_wait3A_152] : memref<2560x128xi32, #tpu.memory_space<hbm>> -> memref<4x128xi32, #tpu.memory_space<hbm>>
        tpu.wait_dma2 semaphore(%run_scoped3A : memref<!tpu.dma_semaphore, #tpu.memory_space<semaphore_mem>>) src(%dma_wait3A_153 : memref<4x128xi32, #tpu.memory_space<hbm>>) dst(%arg7 : memref<4x128xi32, #tpu.memory_space<vmem>>)
        tpu.yield
      }) : () -> ()
      "tpu.region"() ({
        %run_scoped3A = tpu.sem_alloc : memref<!tpu.dma_semaphore, #tpu.memory_space<semaphore_mem>>
        %dma_start3A_146 = arith.constant 0 : i32
        %dma_start3A_147 = tpu.memref_slice %arg4[%add3A_35, %dma_start3A_146] : memref<2560x128xi32, #tpu.memory_space<hbm>> -> memref<4x128xi32, #tpu.memory_space<hbm>>
        %dma_start3A_148 = arith.constant 0 : i32
        %dma_start3A_149 = tpu.memref_slice %arg4[%add3A_35, %dma_start3A_148] : memref<2560x128xi32, #tpu.memory_space<hbm>> -> memref<4x128xi32, #tpu.memory_space<hbm>>
        tpu.enqueue_dma source(%dma_start3A_149 : memref<4x128xi32, #tpu.memory_space<hbm>>) target(%arg8 : memref<4x128xi32, #tpu.memory_space<vmem>>) target_semaphore(%run_scoped3A : memref<!tpu.dma_semaphore, #tpu.memory_space<semaphore_mem>>)
        %dma_wait3A_150 = arith.constant 0 : i32
        %dma_wait3A_151 = tpu.memref_slice %arg4[%add3A_35, %dma_wait3A_150] : memref<2560x128xi32, #tpu.memory_space<hbm>> -> memref<4x128xi32, #tpu.memory_space<hbm>>
        %dma_wait3A_152 = arith.constant 0 : i32
        %dma_wait3A_153 = tpu.memref_slice %arg4[%add3A_35, %dma_wait3A_152] : memref<2560x128xi32, #tpu.memory_space<hbm>> -> memref<4x128xi32, #tpu.memory_space<hbm>>
        tpu.wait_dma2 semaphore(%run_scoped3A : memref<!tpu.dma_semaphore, #tpu.memory_space<semaphore_mem>>) src(%dma_wait3A_153 : memref<4x128xi32, #tpu.memory_space<hbm>>) dst(%arg8 : memref<4x128xi32, #tpu.memory_space<vmem>>)
        tpu.yield
      }) : () -> ()
      %dma_start3A = arith.constant 0 : i32
      %dma_start3A_36 = arith.constant 0 : i32
      %dma_start3A_37 = tpu.memref_slice %arg7[%dma_start3A, %dma_start3A_36] : memref<4x128xi32, #tpu.memory_space<vmem>> -> memref<1x128xi32, #tpu.memory_space<vmem>>
      %dma_start3A_38 = tpu.memref_squeeze %dma_start3A_37 : memref<1x128xi32, #tpu.memory_space<vmem>> -> memref<128xi32, #tpu.memory_space<vmem>>
      %dma_start3A_39 = arith.constant 0 : i32
      %dma_start3A_40 = arith.constant 0 : i32
      %dma_start3A_41 = tpu.memref_slice %arg2[%dma_start3A_39, %dma_start3A_40] : memref<10240x64xf32, #tpu.memory_space<hbm>> -> memref<10240x64xf32, #tpu.memory_space<hbm>>
      tpu.enqueue_indirect_dma source(%dma_start3A_41 : memref<10240x64xf32, #tpu.memory_space<hbm>>) target(%arg9 : memref<128x64xf32, #tpu.memory_space<vmem>>) offsets(%dma_start3A_38 : memref<128xi32, #tpu.memory_space<vmem>>) semaphore(%arg14 : memref<!tpu.dma_semaphore, #tpu.memory_space<semaphore_mem>>)
      %dma_start3A_42 = arith.constant 1 : i32
      %dma_start3A_43 = arith.constant 0 : i32
      %dma_start3A_44 = tpu.memref_slice %arg7[%dma_start3A_42, %dma_start3A_43] : memref<4x128xi32, #tpu.memory_space<vmem>> -> memref<1x128xi32, #tpu.memory_space<vmem>>
      %dma_start3A_45 = tpu.memref_squeeze %dma_start3A_44 : memref<1x128xi32, #tpu.memory_space<vmem>> -> memref<128xi32, #tpu.memory_space<vmem>>
      %dma_start3A_46 = arith.constant 0 : i32
      %dma_start3A_47 = arith.constant 0 : i32
      %dma_start3A_48 = tpu.memref_slice %arg2[%dma_start3A_46, %dma_start3A_47] : memref<10240x64xf32, #tpu.memory_space<hbm>> -> memref<10240x64xf32, #tpu.memory_space<hbm>>
      tpu.enqueue_indirect_dma source(%dma_start3A_48 : memref<10240x64xf32, #tpu.memory_space<hbm>>) target(%arg10 : memref<128x64xf32, #tpu.memory_space<vmem>>) offsets(%dma_start3A_45 : memref<128xi32, #tpu.memory_space<vmem>>) semaphore(%arg15 : memref<!tpu.dma_semaphore, #tpu.memory_space<semaphore_mem>>)
      %dma_start3A_49 = arith.constant 2 : i32
      %dma_start3A_50 = arith.constant 0 : i32
      %dma_start3A_51 = tpu.memref_slice %arg7[%dma_start3A_49, %dma_start3A_50] : memref<4x128xi32, #tpu.memory_space<vmem>> -> memref<1x128xi32, #tpu.memory_space<vmem>>
      %dma_start3A_52 = tpu.memref_squeeze %dma_start3A_51 : memref<1x128xi32, #tpu.memory_space<vmem>> -> memref<128xi32, #tpu.memory_space<vmem>>
      %dma_start3A_53 = arith.constant 0 : i32
      %dma_start3A_54 = arith.constant 0 : i32
      %dma_start3A_55 = tpu.memref_slice %arg2[%dma_start3A_53, %dma_start3A_54] : memref<10240x64xf32, #tpu.memory_space<hbm>> -> memref<10240x64xf32, #tpu.memory_space<hbm>>
      tpu.enqueue_indirect_dma source(%dma_start3A_55 : memref<10240x64xf32, #tpu.memory_space<hbm>>) target(%arg11 : memref<128x64xf32, #tpu.memory_space<vmem>>) offsets(%dma_start3A_52 : memref<128xi32, #tpu.memory_space<vmem>>) semaphore(%arg16 : memref<!tpu.dma_semaphore, #tpu.memory_space<semaphore_mem>>)
      %dma_start3A_56 = arith.constant 3 : i32
      %dma_start3A_57 = arith.constant 0 : i32
      %dma_start3A_58 = tpu.memref_slice %arg7[%dma_start3A_56, %dma_start3A_57] : memref<4x128xi32, #tpu.memory_space<vmem>> -> memref<1x128xi32, #tpu.memory_space<vmem>>
      %dma_start3A_59 = tpu.memref_squeeze %dma_start3A_58 : memref<1x128xi32, #tpu.memory_space<vmem>> -> memref<128xi32, #tpu.memory_space<vmem>>
      %dma_start3A_60 = arith.constant 0 : i32
      %dma_start3A_61 = arith.constant 0 : i32
      %dma_start3A_62 = tpu.memref_slice %arg2[%dma_start3A_60, %dma_start3A_61] : memref<10240x64xf32, #tpu.memory_space<hbm>> -> memref<10240x64xf32, #tpu.memory_space<hbm>>
      tpu.enqueue_indirect_dma source(%dma_start3A_62 : memref<10240x64xf32, #tpu.memory_space<hbm>>) target(%arg12 : memref<128x64xf32, #tpu.memory_space<vmem>>) offsets(%dma_start3A_59 : memref<128xi32, #tpu.memory_space<vmem>>) semaphore(%arg17 : memref<!tpu.dma_semaphore, #tpu.memory_space<semaphore_mem>>)
      %dma_wait3A = arith.constant 0 : i32
      %dma_wait3A_63 = arith.constant 0 : i32
      %dma_wait3A_64 = tpu.memref_slice %arg7[%dma_wait3A, %dma_wait3A_63] : memref<4x128xi32, #tpu.memory_space<vmem>> -> memref<1x128xi32, #tpu.memory_space<vmem>>
      %dma_wait3A_65 = tpu.memref_squeeze %dma_wait3A_64 : memref<1x128xi32, #tpu.memory_space<vmem>> -> memref<128xi32, #tpu.memory_space<vmem>>
      %dma_wait3A_66 = arith.constant 0 : i32
      %dma_wait3A_67 = arith.constant 0 : i32
      %dma_wait3A_68 = tpu.memref_slice %arg2[%dma_wait3A_66, %dma_wait3A_67] : memref<10240x64xf32, #tpu.memory_space<hbm>> -> memref<10240x64xf32, #tpu.memory_space<hbm>>
      tpu.wait_indirect_dma semaphore(%arg14 : memref<!tpu.dma_semaphore, #tpu.memory_space<semaphore_mem>>) src(%dma_wait3A_68 : memref<10240x64xf32, #tpu.memory_space<hbm>>) dst(%arg9 : memref<128x64xf32, #tpu.memory_space<vmem>>)
      %dma_start3A_69 = arith.constant 0 : i32
      %dma_start3A_70 = arith.constant 0 : i32
      %dma_start3A_71 = tpu.memref_slice %arg8[%dma_start3A_69, %dma_start3A_70] : memref<4x128xi32, #tpu.memory_space<vmem>> -> memref<1x128xi32, #tpu.memory_space<vmem>>
      %dma_start3A_72 = tpu.memref_squeeze %dma_start3A_71 : memref<1x128xi32, #tpu.memory_space<vmem>> -> memref<128xi32, #tpu.memory_space<vmem>>
      %dma_start3A_73 = arith.constant 0 : i32
      %dma_start3A_74 = arith.constant 0 : i32
      %dma_start3A_75 = tpu.memref_slice %arg13[%dma_start3A_73, %dma_start3A_74] : memref<10240x64xf32, #tpu.memory_space<vmem_shared>> -> memref<10240x64xf32, #tpu.memory_space<vmem_shared>>
      tpu.enqueue_indirect_dma source(%arg9 : memref<128x64xf32, #tpu.memory_space<vmem>>) target(%dma_start3A_75 : memref<10240x64xf32, #tpu.memory_space<vmem_shared>>) offsets(%dma_start3A_72 : memref<128xi32, #tpu.memory_space<vmem>>) semaphore(%arg18 : memref<!tpu.dma_semaphore, #tpu.memory_space<semaphore_mem>>) {add = true}
      %dma_wait3A_76 = arith.constant 1 : i32
      %dma_wait3A_77 = arith.constant 0 : i32
      %dma_wait3A_78 = tpu.memref_slice %arg7[%dma_wait3A_76, %dma_wait3A_77] : memref<4x128xi32, #tpu.memory_space<vmem>> -> memref<1x128xi32, #tpu.memory_space<vmem>>
      %dma_wait3A_79 = tpu.memref_squeeze %dma_wait3A_78 : memref<1x128xi32, #tpu.memory_space<vmem>> -> memref<128xi32, #tpu.memory_space<vmem>>
      %dma_wait3A_80 = arith.constant 0 : i32
      %dma_wait3A_81 = arith.constant 0 : i32
      %dma_wait3A_82 = tpu.memref_slice %arg2[%dma_wait3A_80, %dma_wait3A_81] : memref<10240x64xf32, #tpu.memory_space<hbm>> -> memref<10240x64xf32, #tpu.memory_space<hbm>>
      tpu.wait_indirect_dma semaphore(%arg15 : memref<!tpu.dma_semaphore, #tpu.memory_space<semaphore_mem>>) src(%dma_wait3A_82 : memref<10240x64xf32, #tpu.memory_space<hbm>>) dst(%arg10 : memref<128x64xf32, #tpu.memory_space<vmem>>)
      %dma_start3A_83 = arith.constant 1 : i32
      %dma_start3A_84 = arith.constant 0 : i32
      %dma_start3A_85 = tpu.memref_slice %arg8[%dma_start3A_83, %dma_start3A_84] : memref<4x128xi32, #tpu.memory_space<vmem>> -> memref<1x128xi32, #tpu.memory_space<vmem>>
      %dma_start3A_86 = tpu.memref_squeeze %dma_start3A_85 : memref<1x128xi32, #tpu.memory_space<vmem>> -> memref<128xi32, #tpu.memory_space<vmem>>
      %dma_start3A_87 = arith.constant 0 : i32
      %dma_start3A_88 = arith.constant 0 : i32
      %dma_start3A_89 = tpu.memref_slice %arg13[%dma_start3A_87, %dma_start3A_88] : memref<10240x64xf32, #tpu.memory_space<vmem_shared>> -> memref<10240x64xf32, #tpu.memory_space<vmem_shared>>
      tpu.enqueue_indirect_dma source(%arg10 : memref<128x64xf32, #tpu.memory_space<vmem>>) target(%dma_start3A_89 : memref<10240x64xf32, #tpu.memory_space<vmem_shared>>) offsets(%dma_start3A_86 : memref<128xi32, #tpu.memory_space<vmem>>) semaphore(%arg19 : memref<!tpu.dma_semaphore, #tpu.memory_space<semaphore_mem>>) {add = true}
      %dma_wait3A_90 = arith.constant 2 : i32
      %dma_wait3A_91 = arith.constant 0 : i32
      %dma_wait3A_92 = tpu.memref_slice %arg7[%dma_wait3A_90, %dma_wait3A_91] : memref<4x128xi32, #tpu.memory_space<vmem>> -> memref<1x128xi32, #tpu.memory_space<vmem>>
      %dma_wait3A_93 = tpu.memref_squeeze %dma_wait3A_92 : memref<1x128xi32, #tpu.memory_space<vmem>> -> memref<128xi32, #tpu.memory_space<vmem>>
      %dma_wait3A_94 = arith.constant 0 : i32
      %dma_wait3A_95 = arith.constant 0 : i32
      %dma_wait3A_96 = tpu.memref_slice %arg2[%dma_wait3A_94, %dma_wait3A_95] : memref<10240x64xf32, #tpu.memory_space<hbm>> -> memref<10240x64xf32, #tpu.memory_space<hbm>>
      tpu.wait_indirect_dma semaphore(%arg16 : memref<!tpu.dma_semaphore, #tpu.memory_space<semaphore_mem>>) src(%dma_wait3A_96 : memref<10240x64xf32, #tpu.memory_space<hbm>>) dst(%arg11 : memref<128x64xf32, #tpu.memory_space<vmem>>)
      %dma_start3A_97 = arith.constant 2 : i32
      %dma_start3A_98 = arith.constant 0 : i32
      %dma_start3A_99 = tpu.memref_slice %arg8[%dma_start3A_97, %dma_start3A_98] : memref<4x128xi32, #tpu.memory_space<vmem>> -> memref<1x128xi32, #tpu.memory_space<vmem>>
      %dma_start3A_100 = tpu.memref_squeeze %dma_start3A_99 : memref<1x128xi32, #tpu.memory_space<vmem>> -> memref<128xi32, #tpu.memory_space<vmem>>
      %dma_start3A_101 = arith.constant 0 : i32
      %dma_start3A_102 = arith.constant 0 : i32
      %dma_start3A_103 = tpu.memref_slice %arg13[%dma_start3A_101, %dma_start3A_102] : memref<10240x64xf32, #tpu.memory_space<vmem_shared>> -> memref<10240x64xf32, #tpu.memory_space<vmem_shared>>
      tpu.enqueue_indirect_dma source(%arg11 : memref<128x64xf32, #tpu.memory_space<vmem>>) target(%dma_start3A_103 : memref<10240x64xf32, #tpu.memory_space<vmem_shared>>) offsets(%dma_start3A_100 : memref<128xi32, #tpu.memory_space<vmem>>) semaphore(%arg20 : memref<!tpu.dma_semaphore, #tpu.memory_space<semaphore_mem>>) {add = true}
      %dma_wait3A_104 = arith.constant 3 : i32
      %dma_wait3A_105 = arith.constant 0 : i32
      %dma_wait3A_106 = tpu.memref_slice %arg7[%dma_wait3A_104, %dma_wait3A_105] : memref<4x128xi32, #tpu.memory_space<vmem>> -> memref<1x128xi32, #tpu.memory_space<vmem>>
      %dma_wait3A_107 = tpu.memref_squeeze %dma_wait3A_106 : memref<1x128xi32, #tpu.memory_space<vmem>> -> memref<128xi32, #tpu.memory_space<vmem>>
      %dma_wait3A_108 = arith.constant 0 : i32
      %dma_wait3A_109 = arith.constant 0 : i32
      %dma_wait3A_110 = tpu.memref_slice %arg2[%dma_wait3A_108, %dma_wait3A_109] : memref<10240x64xf32, #tpu.memory_space<hbm>> -> memref<10240x64xf32, #tpu.memory_space<hbm>>
      tpu.wait_indirect_dma semaphore(%arg17 : memref<!tpu.dma_semaphore, #tpu.memory_space<semaphore_mem>>) src(%dma_wait3A_110 : memref<10240x64xf32, #tpu.memory_space<hbm>>) dst(%arg12 : memref<128x64xf32, #tpu.memory_space<vmem>>)
      %dma_start3A_111 = arith.constant 3 : i32
      %dma_start3A_112 = arith.constant 0 : i32
      %dma_start3A_113 = tpu.memref_slice %arg8[%dma_start3A_111, %dma_start3A_112] : memref<4x128xi32, #tpu.memory_space<vmem>> -> memref<1x128xi32, #tpu.memory_space<vmem>>
      %dma_start3A_114 = tpu.memref_squeeze %dma_start3A_113 : memref<1x128xi32, #tpu.memory_space<vmem>> -> memref<128xi32, #tpu.memory_space<vmem>>
      %dma_start3A_115 = arith.constant 0 : i32
      %dma_start3A_116 = arith.constant 0 : i32
      %dma_start3A_117 = tpu.memref_slice %arg13[%dma_start3A_115, %dma_start3A_116] : memref<10240x64xf32, #tpu.memory_space<vmem_shared>> -> memref<10240x64xf32, #tpu.memory_space<vmem_shared>>
      tpu.enqueue_indirect_dma source(%arg12 : memref<128x64xf32, #tpu.memory_space<vmem>>) target(%dma_start3A_117 : memref<10240x64xf32, #tpu.memory_space<vmem_shared>>) offsets(%dma_start3A_114 : memref<128xi32, #tpu.memory_space<vmem>>) semaphore(%arg21 : memref<!tpu.dma_semaphore, #tpu.memory_space<semaphore_mem>>) {add = true}
      %dma_wait3A_118 = arith.constant 0 : i32
      %dma_wait3A_119 = arith.constant 0 : i32
      %dma_wait3A_120 = tpu.memref_slice %arg8[%dma_wait3A_118, %dma_wait3A_119] : memref<4x128xi32, #tpu.memory_space<vmem>> -> memref<1x128xi32, #tpu.memory_space<vmem>>
      %dma_wait3A_121 = tpu.memref_squeeze %dma_wait3A_120 : memref<1x128xi32, #tpu.memory_space<vmem>> -> memref<128xi32, #tpu.memory_space<vmem>>
      %dma_wait3A_122 = arith.constant 0 : i32
      %dma_wait3A_123 = arith.constant 0 : i32
      %dma_wait3A_124 = tpu.memref_slice %arg13[%dma_wait3A_122, %dma_wait3A_123] : memref<10240x64xf32, #tpu.memory_space<vmem_shared>> -> memref<10240x64xf32, #tpu.memory_space<vmem_shared>>
      tpu.wait_indirect_dma semaphore(%arg18 : memref<!tpu.dma_semaphore, #tpu.memory_space<semaphore_mem>>) src(%arg9 : memref<128x64xf32, #tpu.memory_space<vmem>>) dst(%dma_wait3A_124 : memref<10240x64xf32, #tpu.memory_space<vmem_shared>>)
      %dma_wait3A_125 = arith.constant 1 : i32
      %dma_wait3A_126 = arith.constant 0 : i32
      %dma_wait3A_127 = tpu.memref_slice %arg8[%dma_wait3A_125, %dma_wait3A_126] : memref<4x128xi32, #tpu.memory_space<vmem>> -> memref<1x128xi32, #tpu.memory_space<vmem>>
      %dma_wait3A_128 = tpu.memref_squeeze %dma_wait3A_127 : memref<1x128xi32, #tpu.memory_space<vmem>> -> memref<128xi32, #tpu.memory_space<vmem>>
      %dma_wait3A_129 = arith.constant 0 : i32
      %dma_wait3A_130 = arith.constant 0 : i32
      %dma_wait3A_131 = tpu.memref_slice %arg13[%dma_wait3A_129, %dma_wait3A_130] : memref<10240x64xf32, #tpu.memory_space<vmem_shared>> -> memref<10240x64xf32, #tpu.memory_space<vmem_shared>>
      tpu.wait_indirect_dma semaphore(%arg19 : memref<!tpu.dma_semaphore, #tpu.memory_space<semaphore_mem>>) src(%arg10 : memref<128x64xf32, #tpu.memory_space<vmem>>) dst(%dma_wait3A_131 : memref<10240x64xf32, #tpu.memory_space<vmem_shared>>)
      %dma_wait3A_132 = arith.constant 2 : i32
      %dma_wait3A_133 = arith.constant 0 : i32
      %dma_wait3A_134 = tpu.memref_slice %arg8[%dma_wait3A_132, %dma_wait3A_133] : memref<4x128xi32, #tpu.memory_space<vmem>> -> memref<1x128xi32, #tpu.memory_space<vmem>>
      %dma_wait3A_135 = tpu.memref_squeeze %dma_wait3A_134 : memref<1x128xi32, #tpu.memory_space<vmem>> -> memref<128xi32, #tpu.memory_space<vmem>>
      %dma_wait3A_136 = arith.constant 0 : i32
      %dma_wait3A_137 = arith.constant 0 : i32
      %dma_wait3A_138 = tpu.memref_slice %arg13[%dma_wait3A_136, %dma_wait3A_137] : memref<10240x64xf32, #tpu.memory_space<vmem_shared>> -> memref<10240x64xf32, #tpu.memory_space<vmem_shared>>
      tpu.wait_indirect_dma semaphore(%arg20 : memref<!tpu.dma_semaphore, #tpu.memory_space<semaphore_mem>>) src(%arg11 : memref<128x64xf32, #tpu.memory_space<vmem>>) dst(%dma_wait3A_138 : memref<10240x64xf32, #tpu.memory_space<vmem_shared>>)
      %dma_wait3A_139 = arith.constant 3 : i32
      %dma_wait3A_140 = arith.constant 0 : i32
      %dma_wait3A_141 = tpu.memref_slice %arg8[%dma_wait3A_139, %dma_wait3A_140] : memref<4x128xi32, #tpu.memory_space<vmem>> -> memref<1x128xi32, #tpu.memory_space<vmem>>
      %dma_wait3A_142 = tpu.memref_squeeze %dma_wait3A_141 : memref<1x128xi32, #tpu.memory_space<vmem>> -> memref<128xi32, #tpu.memory_space<vmem>>
      %dma_wait3A_143 = arith.constant 0 : i32
      %dma_wait3A_144 = arith.constant 0 : i32
      %dma_wait3A_145 = tpu.memref_slice %arg13[%dma_wait3A_143, %dma_wait3A_144] : memref<10240x64xf32, #tpu.memory_space<vmem_shared>> -> memref<10240x64xf32, #tpu.memory_space<vmem_shared>>
      tpu.wait_indirect_dma semaphore(%arg21 : memref<!tpu.dma_semaphore, #tpu.memory_space<semaphore_mem>>) src(%arg12 : memref<128x64xf32, #tpu.memory_space<vmem>>) dst(%dma_wait3A_145 : memref<10240x64xf32, #tpu.memory_space<vmem_shared>>)
    }
    %scan3A_23 = arith.constant 20 : i32
    %barrier3A_24 = arith.constant 0 : index
    tpu.barrier barrier_id(%barrier3A_24)
    %eq3A = arith.constant 0 : i32
    %eq3A_25 = arith.cmpi eq, %arg0, %eq3A : i32
    %convert_element_type3A = arith.extui %eq3A_25 : i1 to i32
    %cond3A = arith.constant 0 : i32
    %cond3A_26 = arith.cmpi ne, %convert_element_type3A, %cond3A : i32
    scf.if %cond3A_26 {
      "tpu.region"() ({
        %run_scoped3A = tpu.sem_alloc : memref<!tpu.dma_semaphore, #tpu.memory_space<semaphore_mem>>
        %dma_start3A = arith.constant 0 : i32
        %dma_start3A_32 = tpu.memref_slice %arg5[%mul3A_0, %dma_start3A] : memref<10240x64xf32, #tpu.memory_space<hbm>> -> memref<640x64xf32, #tpu.memory_space<hbm>>
        %dma_start3A_33 = arith.constant 0 : i32
        %dma_start3A_34 = tpu.memref_slice %arg13[%mul3A_0, %dma_start3A_33] : memref<10240x64xf32, #tpu.memory_space<vmem_shared>> -> memref<640x64xf32, #tpu.memory_space<vmem_shared>>
        tpu.enqueue_dma source(%dma_start3A_34 : memref<640x64xf32, #tpu.memory_space<vmem_shared>>) target(%dma_start3A_32 : memref<640x64xf32, #tpu.memory_space<hbm>>) target_semaphore(%run_scoped3A : memref<!tpu.dma_semaphore, #tpu.memory_space<semaphore_mem>>)
        %dma_wait3A = arith.constant 0 : i32
        %dma_wait3A_35 = tpu.memref_slice %arg5[%mul3A_0, %dma_wait3A] : memref<10240x64xf32, #tpu.memory_space<hbm>> -> memref<640x64xf32, #tpu.memory_space<hbm>>
        %dma_wait3A_36 = arith.constant 0 : i32
        %dma_wait3A_37 = tpu.memref_slice %arg13[%mul3A_0, %dma_wait3A_36] : memref<10240x64xf32, #tpu.memory_space<vmem_shared>> -> memref<640x64xf32, #tpu.memory_space<vmem_shared>>
        tpu.wait_dma2 semaphore(%run_scoped3A : memref<!tpu.dma_semaphore, #tpu.memory_space<semaphore_mem>>) src(%dma_wait3A_37 : memref<640x64xf32, #tpu.memory_space<vmem_shared>>) dst(%dma_wait3A_35 : memref<640x64xf32, #tpu.memory_space<hbm>>)
        tpu.yield
      }) : () -> ()
    } else {
    }
    %eq3A_27 = arith.constant 1 : i32
    %eq3A_28 = arith.cmpi eq, %arg0, %eq3A_27 : i32
    %convert_element_type3A_29 = arith.extui %eq3A_28 : i1 to i32
    %cond3A_30 = arith.constant 0 : i32
    %cond3A_31 = arith.cmpi ne, %convert_element_type3A_29, %cond3A_30 : i32
    scf.if %cond3A_31 {
      "tpu.region"() ({
        %run_scoped3A = tpu.sem_alloc : memref<!tpu.dma_semaphore, #tpu.memory_space<semaphore_mem>>
        %dma_start3A = arith.constant 0 : i32
        %dma_start3A_32 = tpu.memref_slice %arg6[%mul3A_0, %dma_start3A] : memref<10240x64xf32, #tpu.memory_space<hbm>> -> memref<640x64xf32, #tpu.memory_space<hbm>>
        %dma_start3A_33 = arith.constant 0 : i32
        %dma_start3A_34 = tpu.memref_slice %arg13[%mul3A_0, %dma_start3A_33] : memref<10240x64xf32, #tpu.memory_space<vmem_shared>> -> memref<640x64xf32, #tpu.memory_space<vmem_shared>>
        tpu.enqueue_dma source(%dma_start3A_34 : memref<640x64xf32, #tpu.memory_space<vmem_shared>>) target(%dma_start3A_32 : memref<640x64xf32, #tpu.memory_space<hbm>>) target_semaphore(%run_scoped3A : memref<!tpu.dma_semaphore, #tpu.memory_space<semaphore_mem>>)
        %dma_wait3A = arith.constant 0 : i32
        %dma_wait3A_35 = tpu.memref_slice %arg6[%mul3A_0, %dma_wait3A] : memref<10240x64xf32, #tpu.memory_space<hbm>> -> memref<640x64xf32, #tpu.memory_space<hbm>>
        %dma_wait3A_36 = arith.constant 0 : i32
        %dma_wait3A_37 = tpu.memref_slice %arg13[%mul3A_0, %dma_wait3A_36] : memref<10240x64xf32, #tpu.memory_space<vmem_shared>> -> memref<640x64xf32, #tpu.memory_space<vmem_shared>>
        tpu.wait_dma2 semaphore(%run_scoped3A : memref<!tpu.dma_semaphore, #tpu.memory_space<semaphore_mem>>) src(%dma_wait3A_37 : memref<640x64xf32, #tpu.memory_space<vmem_shared>>) dst(%dma_wait3A_35 : memref<640x64xf32, #tpu.memory_space<hbm>>)
        tpu.yield
      }) : () -> ()
    } else {
    }
    return
  }
}

#map = affine_map<(d0, d1) -> (0, 0)>
module attributes {stable_mosaic.version = 14 : i64} {
  func.func @body(%arg0: i32, %arg1: i32, %arg2: memref<10240x128xf32, #tpu.memory_space<hbm>>, %arg3: memref<10240x128xf32, #tpu.memory_space<hbm>>, %arg4: memref<2560x128xi32, #tpu.memory_space<hbm>>, %arg5: memref<2560x128xi32, #tpu.memory_space<hbm>>, %arg6: memref<10240x128xf32, #tpu.memory_space<hbm>>, %arg7: memref<10240x128xf32, #tpu.memory_space<hbm>>, %arg8: memref<2x128xi32, #tpu.memory_space<vmem>>, %arg9: memref<2x128xi32, #tpu.memory_space<vmem>>, %arg10: memref<128x128xf32, #tpu.memory_space<vmem>>, %arg11: memref<128x128xf32, #tpu.memory_space<vmem>>, %arg12: memref<10240x128xf32, #tpu.memory_space<vmem_shared>>, %arg13: memref<!tpu.dma_semaphore, #tpu.memory_space<semaphore_mem>>, %arg14: memref<!tpu.dma_semaphore, #tpu.memory_space<semaphore_mem>>, %arg15: memref<!tpu.dma_semaphore, #tpu.memory_space<semaphore_mem>>, %arg16: memref<!tpu.dma_semaphore, #tpu.memory_space<semaphore_mem>>) attributes {dimension_semantics = [#tpu.dimension_semantics<core_parallel>, #tpu.dimension_semantics<subcore_parallel>], iteration_bounds = array<i64: 2, 16>, scalar_prefetch = 0 : i64, scratch_operands = 9 : i64, tpu.core_type = #tpu.core_type<sc_vector_subcore>, window_params = [{transform_indices = #map}, {transform_indices = #map}, {transform_indices = #map}, {transform_indices = #map}, {transform_indices = #map}, {transform_indices = #map}]} {
    %mul3A = arith.constant 640 : i32
    %mul3A_0 = arith.muli %arg1, %mul3A : i32
    %mul3A_1 = arith.constant 160 : i32
    %mul3A_2 = arith.muli %arg1, %mul3A_1 : i32
    %scan3A = arith.constant 0 : i32
    %scan3A_3 = arith.constant 128 : i32
    %scan3A_4 = arith.addi %scan3A, %scan3A_3 : i32
    %scan3A_5 = arith.constant 1 : i32
    scf.for %scan3A_34 = %scan3A to %scan3A_4 step %scan3A_5  : i32 {
      %broadcast_in_dim3A = arith.constant 0.000000e+00 : f32
      %broadcast_in_dim3A_35 = vector.broadcast %broadcast_in_dim3A : f32 to vector<16xf32>
      %swap3A = arith.index_cast %scan3A_34 : i32 to index
      %swap3A_36 = arith.constant 0 : index
      %swap3A_37 = tpu.vector_load %arg10[%swap3A, %swap3A_36] {strides = array<i32>} : memref<128x128xf32, #tpu.memory_space<vmem>>, vector<1x16xf32>,
      %swap3A_38 = vector.shape_cast %swap3A_37 : vector<1x16xf32> to vector<16xf32>
      %swap3A_39 = vector.shape_cast %broadcast_in_dim3A_35 : vector<16xf32> to vector<1x16xf32>
      tpu.vector_store %arg10[%swap3A, %swap3A_36], %swap3A_39 {strides = array<i32>} : memref<128x128xf32, #tpu.memory_space<vmem>>, vector<1x16xf32>,
      %broadcast_in_dim3A_40 = arith.constant 0.000000e+00 : f32
      %broadcast_in_dim3A_41 = vector.broadcast %broadcast_in_dim3A_40 : f32 to vector<16xf32>
      %swap3A_42 = arith.index_cast %scan3A_34 : i32 to index
      %swap3A_43 = arith.constant 16 : index
      %swap3A_44 = tpu.vector_load %arg10[%swap3A_42, %swap3A_43] {strides = array<i32>} : memref<128x128xf32, #tpu.memory_space<vmem>>, vector<1x16xf32>,
      %swap3A_45 = vector.shape_cast %swap3A_44 : vector<1x16xf32> to vector<16xf32>
      %swap3A_46 = vector.shape_cast %broadcast_in_dim3A_41 : vector<16xf32> to vector<1x16xf32>
      tpu.vector_store %arg10[%swap3A_42, %swap3A_43], %swap3A_46 {strides = array<i32>} : memref<128x128xf32, #tpu.memory_space<vmem>>, vector<1x16xf32>,
      %broadcast_in_dim3A_47 = arith.constant 0.000000e+00 : f32
      %broadcast_in_dim3A_48 = vector.broadcast %broadcast_in_dim3A_47 : f32 to vector<16xf32>
      %swap3A_49 = arith.index_cast %scan3A_34 : i32 to index
      %swap3A_50 = arith.constant 32 : index
      %swap3A_51 = tpu.vector_load %arg10[%swap3A_49, %swap3A_50] {strides = array<i32>} : memref<128x128xf32, #tpu.memory_space<vmem>>, vector<1x16xf32>,
      %swap3A_52 = vector.shape_cast %swap3A_51 : vector<1x16xf32> to vector<16xf32>
      %swap3A_53 = vector.shape_cast %broadcast_in_dim3A_48 : vector<16xf32> to vector<1x16xf32>
      tpu.vector_store %arg10[%swap3A_49, %swap3A_50], %swap3A_53 {strides = array<i32>} : memref<128x128xf32, #tpu.memory_space<vmem>>, vector<1x16xf32>,
      %broadcast_in_dim3A_54 = arith.constant 0.000000e+00 : f32
      %broadcast_in_dim3A_55 = vector.broadcast %broadcast_in_dim3A_54 : f32 to vector<16xf32>
      %swap3A_56 = arith.index_cast %scan3A_34 : i32 to index
      %swap3A_57 = arith.constant 48 : index
      %swap3A_58 = tpu.vector_load %arg10[%swap3A_56, %swap3A_57] {strides = array<i32>} : memref<128x128xf32, #tpu.memory_space<vmem>>, vector<1x16xf32>,
      %swap3A_59 = vector.shape_cast %swap3A_58 : vector<1x16xf32> to vector<16xf32>
      %swap3A_60 = vector.shape_cast %broadcast_in_dim3A_55 : vector<16xf32> to vector<1x16xf32>
      tpu.vector_store %arg10[%swap3A_56, %swap3A_57], %swap3A_60 {strides = array<i32>} : memref<128x128xf32, #tpu.memory_space<vmem>>, vector<1x16xf32>,
      %broadcast_in_dim3A_61 = arith.constant 0.000000e+00 : f32
      %broadcast_in_dim3A_62 = vector.broadcast %broadcast_in_dim3A_61 : f32 to vector<16xf32>
      %swap3A_63 = arith.index_cast %scan3A_34 : i32 to index
      %swap3A_64 = arith.constant 64 : index
      %swap3A_65 = tpu.vector_load %arg10[%swap3A_63, %swap3A_64] {strides = array<i32>} : memref<128x128xf32, #tpu.memory_space<vmem>>, vector<1x16xf32>,
      %swap3A_66 = vector.shape_cast %swap3A_65 : vector<1x16xf32> to vector<16xf32>
      %swap3A_67 = vector.shape_cast %broadcast_in_dim3A_62 : vector<16xf32> to vector<1x16xf32>
      tpu.vector_store %arg10[%swap3A_63, %swap3A_64], %swap3A_67 {strides = array<i32>} : memref<128x128xf32, #tpu.memory_space<vmem>>, vector<1x16xf32>,
      %broadcast_in_dim3A_68 = arith.constant 0.000000e+00 : f32
      %broadcast_in_dim3A_69 = vector.broadcast %broadcast_in_dim3A_68 : f32 to vector<16xf32>
      %swap3A_70 = arith.index_cast %scan3A_34 : i32 to index
      %swap3A_71 = arith.constant 80 : index
      %swap3A_72 = tpu.vector_load %arg10[%swap3A_70, %swap3A_71] {strides = array<i32>} : memref<128x128xf32, #tpu.memory_space<vmem>>, vector<1x16xf32>,
      %swap3A_73 = vector.shape_cast %swap3A_72 : vector<1x16xf32> to vector<16xf32>
      %swap3A_74 = vector.shape_cast %broadcast_in_dim3A_69 : vector<16xf32> to vector<1x16xf32>
      tpu.vector_store %arg10[%swap3A_70, %swap3A_71], %swap3A_74 {strides = array<i32>} : memref<128x128xf32, #tpu.memory_space<vmem>>, vector<1x16xf32>,
      %broadcast_in_dim3A_75 = arith.constant 0.000000e+00 : f32
      %broadcast_in_dim3A_76 = vector.broadcast %broadcast_in_dim3A_75 : f32 to vector<16xf32>
      %swap3A_77 = arith.index_cast %scan3A_34 : i32 to index
      %swap3A_78 = arith.constant 96 : index
      %swap3A_79 = tpu.vector_load %arg10[%swap3A_77, %swap3A_78] {strides = array<i32>} : memref<128x128xf32, #tpu.memory_space<vmem>>, vector<1x16xf32>,
      %swap3A_80 = vector.shape_cast %swap3A_79 : vector<1x16xf32> to vector<16xf32>
      %swap3A_81 = vector.shape_cast %broadcast_in_dim3A_76 : vector<16xf32> to vector<1x16xf32>
      tpu.vector_store %arg10[%swap3A_77, %swap3A_78], %swap3A_81 {strides = array<i32>} : memref<128x128xf32, #tpu.memory_space<vmem>>, vector<1x16xf32>,
      %broadcast_in_dim3A_82 = arith.constant 0.000000e+00 : f32
      %broadcast_in_dim3A_83 = vector.broadcast %broadcast_in_dim3A_82 : f32 to vector<16xf32>
      %swap3A_84 = arith.index_cast %scan3A_34 : i32 to index
      %swap3A_85 = arith.constant 112 : index
      %swap3A_86 = tpu.vector_load %arg10[%swap3A_84, %swap3A_85] {strides = array<i32>} : memref<128x128xf32, #tpu.memory_space<vmem>>, vector<1x16xf32>,
      %swap3A_87 = vector.shape_cast %swap3A_86 : vector<1x16xf32> to vector<16xf32>
      %swap3A_88 = vector.shape_cast %broadcast_in_dim3A_83 : vector<16xf32> to vector<1x16xf32>
      tpu.vector_store %arg10[%swap3A_84, %swap3A_85], %swap3A_88 {strides = array<i32>} : memref<128x128xf32, #tpu.memory_space<vmem>>, vector<1x16xf32>,
    }
    %scan3A_6 = arith.constant 128 : i32
    %add3A = arith.constant 0 : i32
    %add3A_7 = arith.addi %mul3A_0, %add3A : i32
    "tpu.region"() ({
      %run_scoped3A = tpu.sem_alloc : memref<!tpu.dma_semaphore, #tpu.memory_space<semaphore_mem>>
      %dma_start3A = arith.constant 0 : i32
      %dma_start3A_34 = tpu.memref_slice %arg12[%add3A_7, %dma_start3A] : memref<10240x128xf32, #tpu.memory_space<vmem_shared>> -> memref<128x128xf32, #tpu.memory_space<vmem_shared>>
      %dma_start3A_35 = arith.constant 0 : i32
      %dma_start3A_36 = tpu.memref_slice %arg12[%add3A_7, %dma_start3A_35] : memref<10240x128xf32, #tpu.memory_space<vmem_shared>> -> memref<128x128xf32, #tpu.memory_space<vmem_shared>>
      tpu.enqueue_dma source(%arg10 : memref<128x128xf32, #tpu.memory_space<vmem>>) target(%dma_start3A_36 : memref<128x128xf32, #tpu.memory_space<vmem_shared>>) target_semaphore(%run_scoped3A : memref<!tpu.dma_semaphore, #tpu.memory_space<semaphore_mem>>)
      %dma_wait3A = arith.constant 0 : i32
      %dma_wait3A_37 = tpu.memref_slice %arg12[%add3A_7, %dma_wait3A] : memref<10240x128xf32, #tpu.memory_space<vmem_shared>> -> memref<128x128xf32, #tpu.memory_space<vmem_shared>>
      %dma_wait3A_38 = arith.constant 0 : i32
      %dma_wait3A_39 = tpu.memref_slice %arg12[%add3A_7, %dma_wait3A_38] : memref<10240x128xf32, #tpu.memory_space<vmem_shared>> -> memref<128x128xf32, #tpu.memory_space<vmem_shared>>
      tpu.wait_dma2 semaphore(%run_scoped3A : memref<!tpu.dma_semaphore, #tpu.memory_space<semaphore_mem>>) src(%arg10 : memref<128x128xf32, #tpu.memory_space<vmem>>) dst(%dma_wait3A_39 : memref<128x128xf32, #tpu.memory_space<vmem_shared>>)
      tpu.yield
    }) : () -> ()
    %add3A_8 = arith.constant 128 : i32
    %add3A_9 = arith.addi %mul3A_0, %add3A_8 : i32
    "tpu.region"() ({
      %run_scoped3A = tpu.sem_alloc : memref<!tpu.dma_semaphore, #tpu.memory_space<semaphore_mem>>
      %dma_start3A = arith.constant 0 : i32
      %dma_start3A_34 = tpu.memref_slice %arg12[%add3A_9, %dma_start3A] : memref<10240x128xf32, #tpu.memory_space<vmem_shared>> -> memref<128x128xf32, #tpu.memory_space<vmem_shared>>
      %dma_start3A_35 = arith.constant 0 : i32
      %dma_start3A_36 = tpu.memref_slice %arg12[%add3A_9, %dma_start3A_35] : memref<10240x128xf32, #tpu.memory_space<vmem_shared>> -> memref<128x128xf32, #tpu.memory_space<vmem_shared>>
      tpu.enqueue_dma source(%arg10 : memref<128x128xf32, #tpu.memory_space<vmem>>) target(%dma_start3A_36 : memref<128x128xf32, #tpu.memory_space<vmem_shared>>) target_semaphore(%run_scoped3A : memref<!tpu.dma_semaphore, #tpu.memory_space<semaphore_mem>>)
      %dma_wait3A = arith.constant 0 : i32
      %dma_wait3A_37 = tpu.memref_slice %arg12[%add3A_9, %dma_wait3A] : memref<10240x128xf32, #tpu.memory_space<vmem_shared>> -> memref<128x128xf32, #tpu.memory_space<vmem_shared>>
      %dma_wait3A_38 = arith.constant 0 : i32
      %dma_wait3A_39 = tpu.memref_slice %arg12[%add3A_9, %dma_wait3A_38] : memref<10240x128xf32, #tpu.memory_space<vmem_shared>> -> memref<128x128xf32, #tpu.memory_space<vmem_shared>>
      tpu.wait_dma2 semaphore(%run_scoped3A : memref<!tpu.dma_semaphore, #tpu.memory_space<semaphore_mem>>) src(%arg10 : memref<128x128xf32, #tpu.memory_space<vmem>>) dst(%dma_wait3A_39 : memref<128x128xf32, #tpu.memory_space<vmem_shared>>)
      tpu.yield
    }) : () -> ()
    %add3A_10 = arith.constant 256 : i32
    %add3A_11 = arith.addi %mul3A_0, %add3A_10 : i32
    "tpu.region"() ({
      %run_scoped3A = tpu.sem_alloc : memref<!tpu.dma_semaphore, #tpu.memory_space<semaphore_mem>>
      %dma_start3A = arith.constant 0 : i32
      %dma_start3A_34 = tpu.memref_slice %arg12[%add3A_11, %dma_start3A] : memref<10240x128xf32, #tpu.memory_space<vmem_shared>> -> memref<128x128xf32, #tpu.memory_space<vmem_shared>>
      %dma_start3A_35 = arith.constant 0 : i32
      %dma_start3A_36 = tpu.memref_slice %arg12[%add3A_11, %dma_start3A_35] : memref<10240x128xf32, #tpu.memory_space<vmem_shared>> -> memref<128x128xf32, #tpu.memory_space<vmem_shared>>
      tpu.enqueue_dma source(%arg10 : memref<128x128xf32, #tpu.memory_space<vmem>>) target(%dma_start3A_36 : memref<128x128xf32, #tpu.memory_space<vmem_shared>>) target_semaphore(%run_scoped3A : memref<!tpu.dma_semaphore, #tpu.memory_space<semaphore_mem>>)
      %dma_wait3A = arith.constant 0 : i32
      %dma_wait3A_37 = tpu.memref_slice %arg12[%add3A_11, %dma_wait3A] : memref<10240x128xf32, #tpu.memory_space<vmem_shared>> -> memref<128x128xf32, #tpu.memory_space<vmem_shared>>
      %dma_wait3A_38 = arith.constant 0 : i32
      %dma_wait3A_39 = tpu.memref_slice %arg12[%add3A_11, %dma_wait3A_38] : memref<10240x128xf32, #tpu.memory_space<vmem_shared>> -> memref<128x128xf32, #tpu.memory_space<vmem_shared>>
      tpu.wait_dma2 semaphore(%run_scoped3A : memref<!tpu.dma_semaphore, #tpu.memory_space<semaphore_mem>>) src(%arg10 : memref<128x128xf32, #tpu.memory_space<vmem>>) dst(%dma_wait3A_39 : memref<128x128xf32, #tpu.memory_space<vmem_shared>>)
      tpu.yield
    }) : () -> ()
    %add3A_12 = arith.constant 384 : i32
    %add3A_13 = arith.addi %mul3A_0, %add3A_12 : i32
    "tpu.region"() ({
      %run_scoped3A = tpu.sem_alloc : memref<!tpu.dma_semaphore, #tpu.memory_space<semaphore_mem>>
      %dma_start3A = arith.constant 0 : i32
      %dma_start3A_34 = tpu.memref_slice %arg12[%add3A_13, %dma_start3A] : memref<10240x128xf32, #tpu.memory_space<vmem_shared>> -> memref<128x128xf32, #tpu.memory_space<vmem_shared>>
      %dma_start3A_35 = arith.constant 0 : i32
      %dma_start3A_36 = tpu.memref_slice %arg12[%add3A_13, %dma_start3A_35] : memref<10240x128xf32, #tpu.memory_space<vmem_shared>> -> memref<128x128xf32, #tpu.memory_space<vmem_shared>>
      tpu.enqueue_dma source(%arg10 : memref<128x128xf32, #tpu.memory_space<vmem>>) target(%dma_start3A_36 : memref<128x128xf32, #tpu.memory_space<vmem_shared>>) target_semaphore(%run_scoped3A : memref<!tpu.dma_semaphore, #tpu.memory_space<semaphore_mem>>)
      %dma_wait3A = arith.constant 0 : i32
      %dma_wait3A_37 = tpu.memref_slice %arg12[%add3A_13, %dma_wait3A] : memref<10240x128xf32, #tpu.memory_space<vmem_shared>> -> memref<128x128xf32, #tpu.memory_space<vmem_shared>>
      %dma_wait3A_38 = arith.constant 0 : i32
      %dma_wait3A_39 = tpu.memref_slice %arg12[%add3A_13, %dma_wait3A_38] : memref<10240x128xf32, #tpu.memory_space<vmem_shared>> -> memref<128x128xf32, #tpu.memory_space<vmem_shared>>
      tpu.wait_dma2 semaphore(%run_scoped3A : memref<!tpu.dma_semaphore, #tpu.memory_space<semaphore_mem>>) src(%arg10 : memref<128x128xf32, #tpu.memory_space<vmem>>) dst(%dma_wait3A_39 : memref<128x128xf32, #tpu.memory_space<vmem_shared>>)
      tpu.yield
    }) : () -> ()
    %add3A_14 = arith.constant 512 : i32
    %add3A_15 = arith.addi %mul3A_0, %add3A_14 : i32
    "tpu.region"() ({
      %run_scoped3A = tpu.sem_alloc : memref<!tpu.dma_semaphore, #tpu.memory_space<semaphore_mem>>
      %dma_start3A = arith.constant 0 : i32
      %dma_start3A_34 = tpu.memref_slice %arg12[%add3A_15, %dma_start3A] : memref<10240x128xf32, #tpu.memory_space<vmem_shared>> -> memref<128x128xf32, #tpu.memory_space<vmem_shared>>
      %dma_start3A_35 = arith.constant 0 : i32
      %dma_start3A_36 = tpu.memref_slice %arg12[%add3A_15, %dma_start3A_35] : memref<10240x128xf32, #tpu.memory_space<vmem_shared>> -> memref<128x128xf32, #tpu.memory_space<vmem_shared>>
      tpu.enqueue_dma source(%arg10 : memref<128x128xf32, #tpu.memory_space<vmem>>) target(%dma_start3A_36 : memref<128x128xf32, #tpu.memory_space<vmem_shared>>) target_semaphore(%run_scoped3A : memref<!tpu.dma_semaphore, #tpu.memory_space<semaphore_mem>>)
      %dma_wait3A = arith.constant 0 : i32
      %dma_wait3A_37 = tpu.memref_slice %arg12[%add3A_15, %dma_wait3A] : memref<10240x128xf32, #tpu.memory_space<vmem_shared>> -> memref<128x128xf32, #tpu.memory_space<vmem_shared>>
      %dma_wait3A_38 = arith.constant 0 : i32
      %dma_wait3A_39 = tpu.memref_slice %arg12[%add3A_15, %dma_wait3A_38] : memref<10240x128xf32, #tpu.memory_space<vmem_shared>> -> memref<128x128xf32, #tpu.memory_space<vmem_shared>>
      tpu.wait_dma2 semaphore(%run_scoped3A : memref<!tpu.dma_semaphore, #tpu.memory_space<semaphore_mem>>) src(%arg10 : memref<128x128xf32, #tpu.memory_space<vmem>>) dst(%dma_wait3A_39 : memref<128x128xf32, #tpu.memory_space<vmem_shared>>)
      tpu.yield
    }) : () -> ()
    %barrier3A = arith.constant 0 : index
    tpu.barrier barrier_id(%barrier3A)
    %eq3A = arith.constant 0 : i32
    %eq3A_16 = arith.cmpi eq, %arg0, %eq3A : i32
    %convert_element_type3A = arith.extui %eq3A_16 : i1 to i32
    %cond3A = arith.constant 0 : i32
    %cond3A_17 = arith.cmpi ne, %convert_element_type3A, %cond3A : i32
    scf.if %cond3A_17 {
      %scan3A_34 = arith.constant 0 : i32
      %scan3A_35 = arith.constant 80 : i32
      %scan3A_36 = arith.addi %scan3A_34, %scan3A_35 : i32
      %scan3A_37 = arith.constant 1 : i32
      scf.for %scan3A_39 = %scan3A_34 to %scan3A_36 step %scan3A_37  : i32 {
        %mul3A_40 = arith.constant 2 : i32
        %mul3A_41 = arith.muli %scan3A_39, %mul3A_40 : i32
        %add3A_42 = arith.addi %mul3A_2, %mul3A_41 : i32
        "tpu.region"() ({
          %run_scoped3A = tpu.sem_alloc : memref<!tpu.dma_semaphore, #tpu.memory_space<semaphore_mem>>
          %dma_start3A_97 = arith.constant 0 : i32
          %dma_start3A_98 = tpu.memref_slice %arg4[%add3A_42, %dma_start3A_97] : memref<2560x128xi32, #tpu.memory_space<hbm>> -> memref<2x128xi32, #tpu.memory_space<hbm>>
          %dma_start3A_99 = arith.constant 0 : i32
          %dma_start3A_100 = tpu.memref_slice %arg4[%add3A_42, %dma_start3A_99] : memref<2560x128xi32, #tpu.memory_space<hbm>> -> memref<2x128xi32, #tpu.memory_space<hbm>>
          tpu.enqueue_dma source(%dma_start3A_100 : memref<2x128xi32, #tpu.memory_space<hbm>>) target(%arg8 : memref<2x128xi32, #tpu.memory_space<vmem>>) target_semaphore(%run_scoped3A : memref<!tpu.dma_semaphore, #tpu.memory_space<semaphore_mem>>)
          %dma_wait3A_101 = arith.constant 0 : i32
          %dma_wait3A_102 = tpu.memref_slice %arg4[%add3A_42, %dma_wait3A_101] : memref<2560x128xi32, #tpu.memory_space<hbm>> -> memref<2x128xi32, #tpu.memory_space<hbm>>
          %dma_wait3A_103 = arith.constant 0 : i32
          %dma_wait3A_104 = tpu.memref_slice %arg4[%add3A_42, %dma_wait3A_103] : memref<2560x128xi32, #tpu.memory_space<hbm>> -> memref<2x128xi32, #tpu.memory_space<hbm>>
          tpu.wait_dma2 semaphore(%run_scoped3A : memref<!tpu.dma_semaphore, #tpu.memory_space<semaphore_mem>>) src(%dma_wait3A_104 : memref<2x128xi32, #tpu.memory_space<hbm>>) dst(%arg8 : memref<2x128xi32, #tpu.memory_space<vmem>>)
          tpu.yield
        }) : () -> ()
        "tpu.region"() ({
          %run_scoped3A = tpu.sem_alloc : memref<!tpu.dma_semaphore, #tpu.memory_space<semaphore_mem>>
          %dma_start3A_97 = arith.constant 0 : i32
          %dma_start3A_98 = tpu.memref_slice %arg5[%add3A_42, %dma_start3A_97] : memref<2560x128xi32, #tpu.memory_space<hbm>> -> memref<2x128xi32, #tpu.memory_space<hbm>>
          %dma_start3A_99 = arith.constant 0 : i32
          %dma_start3A_100 = tpu.memref_slice %arg5[%add3A_42, %dma_start3A_99] : memref<2560x128xi32, #tpu.memory_space<hbm>> -> memref<2x128xi32, #tpu.memory_space<hbm>>
          tpu.enqueue_dma source(%dma_start3A_100 : memref<2x128xi32, #tpu.memory_space<hbm>>) target(%arg9 : memref<2x128xi32, #tpu.memory_space<vmem>>) target_semaphore(%run_scoped3A : memref<!tpu.dma_semaphore, #tpu.memory_space<semaphore_mem>>)
          %dma_wait3A_101 = arith.constant 0 : i32
          %dma_wait3A_102 = tpu.memref_slice %arg5[%add3A_42, %dma_wait3A_101] : memref<2560x128xi32, #tpu.memory_space<hbm>> -> memref<2x128xi32, #tpu.memory_space<hbm>>
          %dma_wait3A_103 = arith.constant 0 : i32
          %dma_wait3A_104 = tpu.memref_slice %arg5[%add3A_42, %dma_wait3A_103] : memref<2560x128xi32, #tpu.memory_space<hbm>> -> memref<2x128xi32, #tpu.memory_space<hbm>>
          tpu.wait_dma2 semaphore(%run_scoped3A : memref<!tpu.dma_semaphore, #tpu.memory_space<semaphore_mem>>) src(%dma_wait3A_104 : memref<2x128xi32, #tpu.memory_space<hbm>>) dst(%arg9 : memref<2x128xi32, #tpu.memory_space<vmem>>)
          tpu.yield
        }) : () -> ()
        %dma_start3A = arith.constant 0 : i32
        %dma_start3A_43 = arith.constant 0 : i32
        %dma_start3A_44 = tpu.memref_slice %arg8[%dma_start3A, %dma_start3A_43] : memref<2x128xi32, #tpu.memory_space<vmem>> -> memref<1x128xi32, #tpu.memory_space<vmem>>
        %dma_start3A_45 = tpu.memref_squeeze %dma_start3A_44 : memref<1x128xi32, #tpu.memory_space<vmem>> -> memref<128xi32, #tpu.memory_space<vmem>>
        %dma_start3A_46 = arith.constant 0 : i32
        %dma_start3A_47 = arith.constant 0 : i32
        %dma_start3A_48 = tpu.memref_slice %arg2[%dma_start3A_46, %dma_start3A_47] : memref<10240x128xf32, #tpu.memory_space<hbm>> -> memref<10240x128xf32, #tpu.memory_space<hbm>>
        tpu.enqueue_indirect_dma source(%dma_start3A_48 : memref<10240x128xf32, #tpu.memory_space<hbm>>) target(%arg10 : memref<128x128xf32, #tpu.memory_space<vmem>>) offsets(%dma_start3A_45 : memref<128xi32, #tpu.memory_space<vmem>>) semaphore(%arg13 : memref<!tpu.dma_semaphore, #tpu.memory_space<semaphore_mem>>)
        %dma_start3A_49 = arith.constant 1 : i32
        %dma_start3A_50 = arith.constant 0 : i32
        %dma_start3A_51 = tpu.memref_slice %arg8[%dma_start3A_49, %dma_start3A_50] : memref<2x128xi32, #tpu.memory_space<vmem>> -> memref<1x128xi32, #tpu.memory_space<vmem>>
        %dma_start3A_52 = tpu.memref_squeeze %dma_start3A_51 : memref<1x128xi32, #tpu.memory_space<vmem>> -> memref<128xi32, #tpu.memory_space<vmem>>
        %dma_start3A_53 = arith.constant 0 : i32
        %dma_start3A_54 = arith.constant 0 : i32
        %dma_start3A_55 = tpu.memref_slice %arg2[%dma_start3A_53, %dma_start3A_54] : memref<10240x128xf32, #tpu.memory_space<hbm>> -> memref<10240x128xf32, #tpu.memory_space<hbm>>
        tpu.enqueue_indirect_dma source(%dma_start3A_55 : memref<10240x128xf32, #tpu.memory_space<hbm>>) target(%arg11 : memref<128x128xf32, #tpu.memory_space<vmem>>) offsets(%dma_start3A_52 : memref<128xi32, #tpu.memory_space<vmem>>) semaphore(%arg14 : memref<!tpu.dma_semaphore, #tpu.memory_space<semaphore_mem>>)
        %dma_wait3A = arith.constant 0 : i32
        %dma_wait3A_56 = arith.constant 0 : i32
        %dma_wait3A_57 = tpu.memref_slice %arg8[%dma_wait3A, %dma_wait3A_56] : memref<2x128xi32, #tpu.memory_space<vmem>> -> memref<1x128xi32, #tpu.memory_space<vmem>>
        %dma_wait3A_58 = tpu.memref_squeeze %dma_wait3A_57 : memref<1x128xi32, #tpu.memory_space<vmem>> -> memref<128xi32, #tpu.memory_space<vmem>>
        %dma_wait3A_59 = arith.constant 0 : i32
        %dma_wait3A_60 = arith.constant 0 : i32
        %dma_wait3A_61 = tpu.memref_slice %arg2[%dma_wait3A_59, %dma_wait3A_60] : memref<10240x128xf32, #tpu.memory_space<hbm>> -> memref<10240x128xf32, #tpu.memory_space<hbm>>
        tpu.wait_indirect_dma semaphore(%arg13 : memref<!tpu.dma_semaphore, #tpu.memory_space<semaphore_mem>>) src(%dma_wait3A_61 : memref<10240x128xf32, #tpu.memory_space<hbm>>) dst(%arg10 : memref<128x128xf32, #tpu.memory_space<vmem>>)
        %dma_start3A_62 = arith.constant 0 : i32
        %dma_start3A_63 = arith.constant 0 : i32
        %dma_start3A_64 = tpu.memref_slice %arg9[%dma_start3A_62, %dma_start3A_63] : memref<2x128xi32, #tpu.memory_space<vmem>> -> memref<1x128xi32, #tpu.memory_space<vmem>>
        %dma_start3A_65 = tpu.memref_squeeze %dma_start3A_64 : memref<1x128xi32, #tpu.memory_space<vmem>> -> memref<128xi32, #tpu.memory_space<vmem>>
        %dma_start3A_66 = arith.constant 0 : i32
        %dma_start3A_67 = arith.constant 0 : i32
        %dma_start3A_68 = tpu.memref_slice %arg12[%dma_start3A_66, %dma_start3A_67] : memref<10240x128xf32, #tpu.memory_space<vmem_shared>> -> memref<10240x128xf32, #tpu.memory_space<vmem_shared>>
        tpu.enqueue_indirect_dma source(%arg10 : memref<128x128xf32, #tpu.memory_space<vmem>>) target(%dma_start3A_68 : memref<10240x128xf32, #tpu.memory_space<vmem_shared>>) offsets(%dma_start3A_65 : memref<128xi32, #tpu.memory_space<vmem>>) semaphore(%arg15 : memref<!tpu.dma_semaphore, #tpu.memory_space<semaphore_mem>>) {add = true}
        %dma_wait3A_69 = arith.constant 1 : i32
        %dma_wait3A_70 = arith.constant 0 : i32
        %dma_wait3A_71 = tpu.memref_slice %arg8[%dma_wait3A_69, %dma_wait3A_70] : memref<2x128xi32, #tpu.memory_space<vmem>> -> memref<1x128xi32, #tpu.memory_space<vmem>>
        %dma_wait3A_72 = tpu.memref_squeeze %dma_wait3A_71 : memref<1x128xi32, #tpu.memory_space<vmem>> -> memref<128xi32, #tpu.memory_space<vmem>>
        %dma_wait3A_73 = arith.constant 0 : i32
        %dma_wait3A_74 = arith.constant 0 : i32
        %dma_wait3A_75 = tpu.memref_slice %arg2[%dma_wait3A_73, %dma_wait3A_74] : memref<10240x128xf32, #tpu.memory_space<hbm>> -> memref<10240x128xf32, #tpu.memory_space<hbm>>
        tpu.wait_indirect_dma semaphore(%arg14 : memref<!tpu.dma_semaphore, #tpu.memory_space<semaphore_mem>>) src(%dma_wait3A_75 : memref<10240x128xf32, #tpu.memory_space<hbm>>) dst(%arg11 : memref<128x128xf32, #tpu.memory_space<vmem>>)
        %dma_start3A_76 = arith.constant 1 : i32
        %dma_start3A_77 = arith.constant 0 : i32
        %dma_start3A_78 = tpu.memref_slice %arg9[%dma_start3A_76, %dma_start3A_77] : memref<2x128xi32, #tpu.memory_space<vmem>> -> memref<1x128xi32, #tpu.memory_space<vmem>>
        %dma_start3A_79 = tpu.memref_squeeze %dma_start3A_78 : memref<1x128xi32, #tpu.memory_space<vmem>> -> memref<128xi32, #tpu.memory_space<vmem>>
        %dma_start3A_80 = arith.constant 0 : i32
        %dma_start3A_81 = arith.constant 0 : i32
        %dma_start3A_82 = tpu.memref_slice %arg12[%dma_start3A_80, %dma_start3A_81] : memref<10240x128xf32, #tpu.memory_space<vmem_shared>> -> memref<10240x128xf32, #tpu.memory_space<vmem_shared>>
        tpu.enqueue_indirect_dma source(%arg11 : memref<128x128xf32, #tpu.memory_space<vmem>>) target(%dma_start3A_82 : memref<10240x128xf32, #tpu.memory_space<vmem_shared>>) offsets(%dma_start3A_79 : memref<128xi32, #tpu.memory_space<vmem>>) semaphore(%arg16 : memref<!tpu.dma_semaphore, #tpu.memory_space<semaphore_mem>>) {add = true}
        %dma_wait3A_83 = arith.constant 0 : i32
        %dma_wait3A_84 = arith.constant 0 : i32
        %dma_wait3A_85 = tpu.memref_slice %arg9[%dma_wait3A_83, %dma_wait3A_84] : memref<2x128xi32, #tpu.memory_space<vmem>> -> memref<1x128xi32, #tpu.memory_space<vmem>>
        %dma_wait3A_86 = tpu.memref_squeeze %dma_wait3A_85 : memref<1x128xi32, #tpu.memory_space<vmem>> -> memref<128xi32, #tpu.memory_space<vmem>>
        %dma_wait3A_87 = arith.constant 0 : i32
        %dma_wait3A_88 = arith.constant 0 : i32
        %dma_wait3A_89 = tpu.memref_slice %arg12[%dma_wait3A_87, %dma_wait3A_88] : memref<10240x128xf32, #tpu.memory_space<vmem_shared>> -> memref<10240x128xf32, #tpu.memory_space<vmem_shared>>
        tpu.wait_indirect_dma semaphore(%arg15 : memref<!tpu.dma_semaphore, #tpu.memory_space<semaphore_mem>>) src(%arg10 : memref<128x128xf32, #tpu.memory_space<vmem>>) dst(%dma_wait3A_89 : memref<10240x128xf32, #tpu.memory_space<vmem_shared>>)
        %dma_wait3A_90 = arith.constant 1 : i32
        %dma_wait3A_91 = arith.constant 0 : i32
        %dma_wait3A_92 = tpu.memref_slice %arg9[%dma_wait3A_90, %dma_wait3A_91] : memref<2x128xi32, #tpu.memory_space<vmem>> -> memref<1x128xi32, #tpu.memory_space<vmem>>
        %dma_wait3A_93 = tpu.memref_squeeze %dma_wait3A_92 : memref<1x128xi32, #tpu.memory_space<vmem>> -> memref<128xi32, #tpu.memory_space<vmem>>
        %dma_wait3A_94 = arith.constant 0 : i32
        %dma_wait3A_95 = arith.constant 0 : i32
        %dma_wait3A_96 = tpu.memref_slice %arg12[%dma_wait3A_94, %dma_wait3A_95] : memref<10240x128xf32, #tpu.memory_space<vmem_shared>> -> memref<10240x128xf32, #tpu.memory_space<vmem_shared>>
        tpu.wait_indirect_dma semaphore(%arg16 : memref<!tpu.dma_semaphore, #tpu.memory_space<semaphore_mem>>) src(%arg11 : memref<128x128xf32, #tpu.memory_space<vmem>>) dst(%dma_wait3A_96 : memref<10240x128xf32, #tpu.memory_space<vmem_shared>>)
      }
      %scan3A_38 = arith.constant 80 : i32
    } else {
    }
    %eq3A_18 = arith.constant 1 : i32
    %eq3A_19 = arith.cmpi eq, %arg0, %eq3A_18 : i32
    %convert_element_type3A_20 = arith.extui %eq3A_19 : i1 to i32
    %cond3A_21 = arith.constant 0 : i32
    %cond3A_22 = arith.cmpi ne, %convert_element_type3A_20, %cond3A_21 : i32
    scf.if %cond3A_22 {
      %scan3A_34 = arith.constant 0 : i32
      %scan3A_35 = arith.constant 80 : i32
      %scan3A_36 = arith.addi %scan3A_34, %scan3A_35 : i32
      %scan3A_37 = arith.constant 1 : i32
      scf.for %scan3A_39 = %scan3A_34 to %scan3A_36 step %scan3A_37  : i32 {
        %mul3A_40 = arith.constant 2 : i32
        %mul3A_41 = arith.muli %scan3A_39, %mul3A_40 : i32
        %add3A_42 = arith.addi %mul3A_2, %mul3A_41 : i32
        "tpu.region"() ({
          %run_scoped3A = tpu.sem_alloc : memref<!tpu.dma_semaphore, #tpu.memory_space<semaphore_mem>>
          %dma_start3A_97 = arith.constant 0 : i32
          %dma_start3A_98 = tpu.memref_slice %arg4[%add3A_42, %dma_start3A_97] : memref<2560x128xi32, #tpu.memory_space<hbm>> -> memref<2x128xi32, #tpu.memory_space<hbm>>
          %dma_start3A_99 = arith.constant 0 : i32
          %dma_start3A_100 = tpu.memref_slice %arg4[%add3A_42, %dma_start3A_99] : memref<2560x128xi32, #tpu.memory_space<hbm>> -> memref<2x128xi32, #tpu.memory_space<hbm>>
          tpu.enqueue_dma source(%dma_start3A_100 : memref<2x128xi32, #tpu.memory_space<hbm>>) target(%arg8 : memref<2x128xi32, #tpu.memory_space<vmem>>) target_semaphore(%run_scoped3A : memref<!tpu.dma_semaphore, #tpu.memory_space<semaphore_mem>>)
          %dma_wait3A_101 = arith.constant 0 : i32
          %dma_wait3A_102 = tpu.memref_slice %arg4[%add3A_42, %dma_wait3A_101] : memref<2560x128xi32, #tpu.memory_space<hbm>> -> memref<2x128xi32, #tpu.memory_space<hbm>>
          %dma_wait3A_103 = arith.constant 0 : i32
          %dma_wait3A_104 = tpu.memref_slice %arg4[%add3A_42, %dma_wait3A_103] : memref<2560x128xi32, #tpu.memory_space<hbm>> -> memref<2x128xi32, #tpu.memory_space<hbm>>
          tpu.wait_dma2 semaphore(%run_scoped3A : memref<!tpu.dma_semaphore, #tpu.memory_space<semaphore_mem>>) src(%dma_wait3A_104 : memref<2x128xi32, #tpu.memory_space<hbm>>) dst(%arg8 : memref<2x128xi32, #tpu.memory_space<vmem>>)
          tpu.yield
        }) : () -> ()
        "tpu.region"() ({
          %run_scoped3A = tpu.sem_alloc : memref<!tpu.dma_semaphore, #tpu.memory_space<semaphore_mem>>
          %dma_start3A_97 = arith.constant 0 : i32
          %dma_start3A_98 = tpu.memref_slice %arg5[%add3A_42, %dma_start3A_97] : memref<2560x128xi32, #tpu.memory_space<hbm>> -> memref<2x128xi32, #tpu.memory_space<hbm>>
          %dma_start3A_99 = arith.constant 0 : i32
          %dma_start3A_100 = tpu.memref_slice %arg5[%add3A_42, %dma_start3A_99] : memref<2560x128xi32, #tpu.memory_space<hbm>> -> memref<2x128xi32, #tpu.memory_space<hbm>>
          tpu.enqueue_dma source(%dma_start3A_100 : memref<2x128xi32, #tpu.memory_space<hbm>>) target(%arg9 : memref<2x128xi32, #tpu.memory_space<vmem>>) target_semaphore(%run_scoped3A : memref<!tpu.dma_semaphore, #tpu.memory_space<semaphore_mem>>)
          %dma_wait3A_101 = arith.constant 0 : i32
          %dma_wait3A_102 = tpu.memref_slice %arg5[%add3A_42, %dma_wait3A_101] : memref<2560x128xi32, #tpu.memory_space<hbm>> -> memref<2x128xi32, #tpu.memory_space<hbm>>
          %dma_wait3A_103 = arith.constant 0 : i32
          %dma_wait3A_104 = tpu.memref_slice %arg5[%add3A_42, %dma_wait3A_103] : memref<2560x128xi32, #tpu.memory_space<hbm>> -> memref<2x128xi32, #tpu.memory_space<hbm>>
          tpu.wait_dma2 semaphore(%run_scoped3A : memref<!tpu.dma_semaphore, #tpu.memory_space<semaphore_mem>>) src(%dma_wait3A_104 : memref<2x128xi32, #tpu.memory_space<hbm>>) dst(%arg9 : memref<2x128xi32, #tpu.memory_space<vmem>>)
          tpu.yield
        }) : () -> ()
        %dma_start3A = arith.constant 0 : i32
        %dma_start3A_43 = arith.constant 0 : i32
        %dma_start3A_44 = tpu.memref_slice %arg8[%dma_start3A, %dma_start3A_43] : memref<2x128xi32, #tpu.memory_space<vmem>> -> memref<1x128xi32, #tpu.memory_space<vmem>>
        %dma_start3A_45 = tpu.memref_squeeze %dma_start3A_44 : memref<1x128xi32, #tpu.memory_space<vmem>> -> memref<128xi32, #tpu.memory_space<vmem>>
        %dma_start3A_46 = arith.constant 0 : i32
        %dma_start3A_47 = arith.constant 0 : i32
        %dma_start3A_48 = tpu.memref_slice %arg3[%dma_start3A_46, %dma_start3A_47] : memref<10240x128xf32, #tpu.memory_space<hbm>> -> memref<10240x128xf32, #tpu.memory_space<hbm>>
        tpu.enqueue_indirect_dma source(%dma_start3A_48 : memref<10240x128xf32, #tpu.memory_space<hbm>>) target(%arg10 : memref<128x128xf32, #tpu.memory_space<vmem>>) offsets(%dma_start3A_45 : memref<128xi32, #tpu.memory_space<vmem>>) semaphore(%arg13 : memref<!tpu.dma_semaphore, #tpu.memory_space<semaphore_mem>>)
        %dma_start3A_49 = arith.constant 1 : i32
        %dma_start3A_50 = arith.constant 0 : i32
        %dma_start3A_51 = tpu.memref_slice %arg8[%dma_start3A_49, %dma_start3A_50] : memref<2x128xi32, #tpu.memory_space<vmem>> -> memref<1x128xi32, #tpu.memory_space<vmem>>
        %dma_start3A_52 = tpu.memref_squeeze %dma_start3A_51 : memref<1x128xi32, #tpu.memory_space<vmem>> -> memref<128xi32, #tpu.memory_space<vmem>>
        %dma_start3A_53 = arith.constant 0 : i32
        %dma_start3A_54 = arith.constant 0 : i32
        %dma_start3A_55 = tpu.memref_slice %arg3[%dma_start3A_53, %dma_start3A_54] : memref<10240x128xf32, #tpu.memory_space<hbm>> -> memref<10240x128xf32, #tpu.memory_space<hbm>>
        tpu.enqueue_indirect_dma source(%dma_start3A_55 : memref<10240x128xf32, #tpu.memory_space<hbm>>) target(%arg11 : memref<128x128xf32, #tpu.memory_space<vmem>>) offsets(%dma_start3A_52 : memref<128xi32, #tpu.memory_space<vmem>>) semaphore(%arg14 : memref<!tpu.dma_semaphore, #tpu.memory_space<semaphore_mem>>)
        %dma_wait3A = arith.constant 0 : i32
        %dma_wait3A_56 = arith.constant 0 : i32
        %dma_wait3A_57 = tpu.memref_slice %arg8[%dma_wait3A, %dma_wait3A_56] : memref<2x128xi32, #tpu.memory_space<vmem>> -> memref<1x128xi32, #tpu.memory_space<vmem>>
        %dma_wait3A_58 = tpu.memref_squeeze %dma_wait3A_57 : memref<1x128xi32, #tpu.memory_space<vmem>> -> memref<128xi32, #tpu.memory_space<vmem>>
        %dma_wait3A_59 = arith.constant 0 : i32
        %dma_wait3A_60 = arith.constant 0 : i32
        %dma_wait3A_61 = tpu.memref_slice %arg3[%dma_wait3A_59, %dma_wait3A_60] : memref<10240x128xf32, #tpu.memory_space<hbm>> -> memref<10240x128xf32, #tpu.memory_space<hbm>>
        tpu.wait_indirect_dma semaphore(%arg13 : memref<!tpu.dma_semaphore, #tpu.memory_space<semaphore_mem>>) src(%dma_wait3A_61 : memref<10240x128xf32, #tpu.memory_space<hbm>>) dst(%arg10 : memref<128x128xf32, #tpu.memory_space<vmem>>)
        %dma_start3A_62 = arith.constant 0 : i32
        %dma_start3A_63 = arith.constant 0 : i32
        %dma_start3A_64 = tpu.memref_slice %arg9[%dma_start3A_62, %dma_start3A_63] : memref<2x128xi32, #tpu.memory_space<vmem>> -> memref<1x128xi32, #tpu.memory_space<vmem>>
        %dma_start3A_65 = tpu.memref_squeeze %dma_start3A_64 : memref<1x128xi32, #tpu.memory_space<vmem>> -> memref<128xi32, #tpu.memory_space<vmem>>
        %dma_start3A_66 = arith.constant 0 : i32
        %dma_start3A_67 = arith.constant 0 : i32
        %dma_start3A_68 = tpu.memref_slice %arg12[%dma_start3A_66, %dma_start3A_67] : memref<10240x128xf32, #tpu.memory_space<vmem_shared>> -> memref<10240x128xf32, #tpu.memory_space<vmem_shared>>
        tpu.enqueue_indirect_dma source(%arg10 : memref<128x128xf32, #tpu.memory_space<vmem>>) target(%dma_start3A_68 : memref<10240x128xf32, #tpu.memory_space<vmem_shared>>) offsets(%dma_start3A_65 : memref<128xi32, #tpu.memory_space<vmem>>) semaphore(%arg15 : memref<!tpu.dma_semaphore, #tpu.memory_space<semaphore_mem>>) {add = true}
        %dma_wait3A_69 = arith.constant 1 : i32
        %dma_wait3A_70 = arith.constant 0 : i32
        %dma_wait3A_71 = tpu.memref_slice %arg8[%dma_wait3A_69, %dma_wait3A_70] : memref<2x128xi32, #tpu.memory_space<vmem>> -> memref<1x128xi32, #tpu.memory_space<vmem>>
        %dma_wait3A_72 = tpu.memref_squeeze %dma_wait3A_71 : memref<1x128xi32, #tpu.memory_space<vmem>> -> memref<128xi32, #tpu.memory_space<vmem>>
        %dma_wait3A_73 = arith.constant 0 : i32
        %dma_wait3A_74 = arith.constant 0 : i32
        %dma_wait3A_75 = tpu.memref_slice %arg3[%dma_wait3A_73, %dma_wait3A_74] : memref<10240x128xf32, #tpu.memory_space<hbm>> -> memref<10240x128xf32, #tpu.memory_space<hbm>>
        tpu.wait_indirect_dma semaphore(%arg14 : memref<!tpu.dma_semaphore, #tpu.memory_space<semaphore_mem>>) src(%dma_wait3A_75 : memref<10240x128xf32, #tpu.memory_space<hbm>>) dst(%arg11 : memref<128x128xf32, #tpu.memory_space<vmem>>)
        %dma_start3A_76 = arith.constant 1 : i32
        %dma_start3A_77 = arith.constant 0 : i32
        %dma_start3A_78 = tpu.memref_slice %arg9[%dma_start3A_76, %dma_start3A_77] : memref<2x128xi32, #tpu.memory_space<vmem>> -> memref<1x128xi32, #tpu.memory_space<vmem>>
        %dma_start3A_79 = tpu.memref_squeeze %dma_start3A_78 : memref<1x128xi32, #tpu.memory_space<vmem>> -> memref<128xi32, #tpu.memory_space<vmem>>
        %dma_start3A_80 = arith.constant 0 : i32
        %dma_start3A_81 = arith.constant 0 : i32
        %dma_start3A_82 = tpu.memref_slice %arg12[%dma_start3A_80, %dma_start3A_81] : memref<10240x128xf32, #tpu.memory_space<vmem_shared>> -> memref<10240x128xf32, #tpu.memory_space<vmem_shared>>
        tpu.enqueue_indirect_dma source(%arg11 : memref<128x128xf32, #tpu.memory_space<vmem>>) target(%dma_start3A_82 : memref<10240x128xf32, #tpu.memory_space<vmem_shared>>) offsets(%dma_start3A_79 : memref<128xi32, #tpu.memory_space<vmem>>) semaphore(%arg16 : memref<!tpu.dma_semaphore, #tpu.memory_space<semaphore_mem>>) {add = true}
        %dma_wait3A_83 = arith.constant 0 : i32
        %dma_wait3A_84 = arith.constant 0 : i32
        %dma_wait3A_85 = tpu.memref_slice %arg9[%dma_wait3A_83, %dma_wait3A_84] : memref<2x128xi32, #tpu.memory_space<vmem>> -> memref<1x128xi32, #tpu.memory_space<vmem>>
        %dma_wait3A_86 = tpu.memref_squeeze %dma_wait3A_85 : memref<1x128xi32, #tpu.memory_space<vmem>> -> memref<128xi32, #tpu.memory_space<vmem>>
        %dma_wait3A_87 = arith.constant 0 : i32
        %dma_wait3A_88 = arith.constant 0 : i32
        %dma_wait3A_89 = tpu.memref_slice %arg12[%dma_wait3A_87, %dma_wait3A_88] : memref<10240x128xf32, #tpu.memory_space<vmem_shared>> -> memref<10240x128xf32, #tpu.memory_space<vmem_shared>>
        tpu.wait_indirect_dma semaphore(%arg15 : memref<!tpu.dma_semaphore, #tpu.memory_space<semaphore_mem>>) src(%arg10 : memref<128x128xf32, #tpu.memory_space<vmem>>) dst(%dma_wait3A_89 : memref<10240x128xf32, #tpu.memory_space<vmem_shared>>)
        %dma_wait3A_90 = arith.constant 1 : i32
        %dma_wait3A_91 = arith.constant 0 : i32
        %dma_wait3A_92 = tpu.memref_slice %arg9[%dma_wait3A_90, %dma_wait3A_91] : memref<2x128xi32, #tpu.memory_space<vmem>> -> memref<1x128xi32, #tpu.memory_space<vmem>>
        %dma_wait3A_93 = tpu.memref_squeeze %dma_wait3A_92 : memref<1x128xi32, #tpu.memory_space<vmem>> -> memref<128xi32, #tpu.memory_space<vmem>>
        %dma_wait3A_94 = arith.constant 0 : i32
        %dma_wait3A_95 = arith.constant 0 : i32
        %dma_wait3A_96 = tpu.memref_slice %arg12[%dma_wait3A_94, %dma_wait3A_95] : memref<10240x128xf32, #tpu.memory_space<vmem_shared>> -> memref<10240x128xf32, #tpu.memory_space<vmem_shared>>
        tpu.wait_indirect_dma semaphore(%arg16 : memref<!tpu.dma_semaphore, #tpu.memory_space<semaphore_mem>>) src(%arg11 : memref<128x128xf32, #tpu.memory_space<vmem>>) dst(%dma_wait3A_96 : memref<10240x128xf32, #tpu.memory_space<vmem_shared>>)
      }
      %scan3A_38 = arith.constant 80 : i32
    } else {
    }
    %barrier3A_23 = arith.constant 0 : index
    tpu.barrier barrier_id(%barrier3A_23)
    %eq3A_24 = arith.constant 0 : i32
    %eq3A_25 = arith.cmpi eq, %arg0, %eq3A_24 : i32
    %convert_element_type3A_26 = arith.extui %eq3A_25 : i1 to i32
    %cond3A_27 = arith.constant 0 : i32
    %cond3A_28 = arith.cmpi ne, %convert_element_type3A_26, %cond3A_27 : i32
    scf.if %cond3A_28 {
      "tpu.region"() ({
        %run_scoped3A = tpu.sem_alloc : memref<!tpu.dma_semaphore, #tpu.memory_space<semaphore_mem>>
        %dma_start3A = arith.constant 0 : i32
        %dma_start3A_34 = tpu.memref_slice %arg6[%mul3A_0, %dma_start3A] : memref<10240x128xf32, #tpu.memory_space<hbm>> -> memref<640x128xf32, #tpu.memory_space<hbm>>
        %dma_start3A_35 = arith.constant 0 : i32
        %dma_start3A_36 = tpu.memref_slice %arg12[%mul3A_0, %dma_start3A_35] : memref<10240x128xf32, #tpu.memory_space<vmem_shared>> -> memref<640x128xf32, #tpu.memory_space<vmem_shared>>
        tpu.enqueue_dma source(%dma_start3A_36 : memref<640x128xf32, #tpu.memory_space<vmem_shared>>) target(%dma_start3A_34 : memref<640x128xf32, #tpu.memory_space<hbm>>) target_semaphore(%run_scoped3A : memref<!tpu.dma_semaphore, #tpu.memory_space<semaphore_mem>>)
        %dma_wait3A = arith.constant 0 : i32
        %dma_wait3A_37 = tpu.memref_slice %arg6[%mul3A_0, %dma_wait3A] : memref<10240x128xf32, #tpu.memory_space<hbm>> -> memref<640x128xf32, #tpu.memory_space<hbm>>
        %dma_wait3A_38 = arith.constant 0 : i32
        %dma_wait3A_39 = tpu.memref_slice %arg12[%mul3A_0, %dma_wait3A_38] : memref<10240x128xf32, #tpu.memory_space<vmem_shared>> -> memref<640x128xf32, #tpu.memory_space<vmem_shared>>
        tpu.wait_dma2 semaphore(%run_scoped3A : memref<!tpu.dma_semaphore, #tpu.memory_space<semaphore_mem>>) src(%dma_wait3A_39 : memref<640x128xf32, #tpu.memory_space<vmem_shared>>) dst(%dma_wait3A_37 : memref<640x128xf32, #tpu.memory_space<hbm>>)
        tpu.yield
      }) : () -> ()
    } else {
    }
    %eq3A_29 = arith.constant 1 : i32
    %eq3A_30 = arith.cmpi eq, %arg0, %eq3A_29 : i32
    %convert_element_type3A_31 = arith.extui %eq3A_30 : i1 to i32
    %cond3A_32 = arith.constant 0 : i32
    %cond3A_33 = arith.cmpi ne, %convert_element_type3A_31, %cond3A_32 : i32
    scf.if %cond3A_33 {
      "tpu.region"() ({
        %run_scoped3A = tpu.sem_alloc : memref<!tpu.dma_semaphore, #tpu.memory_space<semaphore_mem>>
        %dma_start3A = arith.constant 0 : i32
        %dma_start3A_34 = tpu.memref_slice %arg7[%mul3A_0, %dma_start3A] : memref<10240x128xf32, #tpu.memory_space<hbm>> -> memref<640x128xf32, #tpu.memory_space<hbm>>
        %dma_start3A_35 = arith.constant 0 : i32
        %dma_start3A_36 = tpu.memref_slice %arg12[%mul3A_0, %dma_start3A_35] : memref<10240x128xf32, #tpu.memory_space<vmem_shared>> -> memref<640x128xf32, #tpu.memory_space<vmem_shared>>
        tpu.enqueue_dma source(%dma_start3A_36 : memref<640x128xf32, #tpu.memory_space<vmem_shared>>) target(%dma_start3A_34 : memref<640x128xf32, #tpu.memory_space<hbm>>) target_semaphore(%run_scoped3A : memref<!tpu.dma_semaphore, #tpu.memory_space<semaphore_mem>>)
        %dma_wait3A = arith.constant 0 : i32
        %dma_wait3A_37 = tpu.memref_slice %arg7[%mul3A_0, %dma_wait3A] : memref<10240x128xf32, #tpu.memory_space<hbm>> -> memref<640x128xf32, #tpu.memory_space<hbm>>
        %dma_wait3A_38 = arith.constant 0 : i32
        %dma_wait3A_39 = tpu.memref_slice %arg12[%mul3A_0, %dma_wait3A_38] : memref<10240x128xf32, #tpu.memory_space<vmem_shared>> -> memref<640x128xf32, #tpu.memory_space<vmem_shared>>
        tpu.wait_dma2 semaphore(%run_scoped3A : memref<!tpu.dma_semaphore, #tpu.memory_space<semaphore_mem>>) src(%dma_wait3A_39 : memref<640x128xf32, #tpu.memory_space<vmem_shared>>) dst(%dma_wait3A_37 : memref<640x128xf32, #tpu.memory_space<hbm>>)
        tpu.yield
      }) : () -> ()
    } else {
    }
    return
  }
}

#map = affine_map<(d0, d1) -> (0, 0)>
module attributes {stable_mosaic.version = 14 : i64} {
  func.func @_deg_body(%arg0: i32, %arg1: i32, %arg2: memref<2560x128xi32, #tpu.memory_space<hbm>>, %arg3: memref<10240x16xf32, #tpu.memory_space<hbm>>, %arg4: memref<10240x16xf32, #tpu.memory_space<hbm>>, %arg5: memref<4x128xi32, #tpu.memory_space<vmem>>, %arg6: memref<128x16xf32, #tpu.memory_space<vmem>>, %arg7: memref<640x16xf32, #tpu.memory_space<vmem>>, %arg8: memref<10240x16xf32, #tpu.memory_space<vmem_shared>>, %arg9: memref<!tpu.dma_semaphore, #tpu.memory_space<semaphore_mem>>, %arg10: memref<!tpu.dma_semaphore, #tpu.memory_space<semaphore_mem>>, %arg11: memref<!tpu.dma_semaphore, #tpu.memory_space<semaphore_mem>>, %arg12: memref<!tpu.dma_semaphore, #tpu.memory_space<semaphore_mem>>) attributes {dimension_semantics = [#tpu.dimension_semantics<core_parallel>, #tpu.dimension_semantics<subcore_parallel>], iteration_bounds = array<i64: 2, 16>, scalar_prefetch = 0 : i64, scratch_operands = 8 : i64, tpu.core_type = #tpu.core_type<sc_vector_subcore>, window_params = [{transform_indices = #map}, {transform_indices = #map}, {transform_indices = #map}]} {
    %mul3A = arith.constant 640 : i32
    %mul3A_0 = arith.muli %arg1, %mul3A : i32
    %scan3A = arith.constant 0 : i32
    %scan3A_1 = arith.constant 640 : i32
    %scan3A_2 = arith.addi %scan3A, %scan3A_1 : i32
    %scan3A_3 = arith.constant 1 : i32
    scf.for %scan3A_27 = %scan3A to %scan3A_2 step %scan3A_3  : i32 {
      %broadcast_in_dim3A = arith.constant 0.000000e+00 : f32
      %broadcast_in_dim3A_28 = vector.broadcast %broadcast_in_dim3A : f32 to vector<16xf32>
      %swap3A = arith.index_cast %scan3A_27 : i32 to index
      %swap3A_29 = arith.constant 0 : index
      %swap3A_30 = tpu.vector_load %arg7[%swap3A, %swap3A_29] {strides = array<i32>} : memref<640x16xf32, #tpu.memory_space<vmem>>, vector<1x16xf32>,
      %swap3A_31 = vector.shape_cast %swap3A_30 : vector<1x16xf32> to vector<16xf32>
      %swap3A_32 = vector.shape_cast %broadcast_in_dim3A_28 : vector<16xf32> to vector<1x16xf32>
      tpu.vector_store %arg7[%swap3A, %swap3A_29], %swap3A_32 {strides = array<i32>} : memref<640x16xf32, #tpu.memory_space<vmem>>, vector<1x16xf32>,
    }
    %scan3A_4 = arith.constant 640 : i32
    %scan3A_5 = arith.constant 0 : i32
    %scan3A_6 = arith.constant 128 : i32
    %scan3A_7 = arith.addi %scan3A_5, %scan3A_6 : i32
    %scan3A_8 = arith.constant 1 : i32
    scf.for %scan3A_27 = %scan3A_5 to %scan3A_7 step %scan3A_8  : i32 {
      %broadcast_in_dim3A = arith.constant 1.000000e+00 : f32
      %broadcast_in_dim3A_28 = vector.broadcast %broadcast_in_dim3A : f32 to vector<16xf32>
      %swap3A = arith.index_cast %scan3A_27 : i32 to index
      %swap3A_29 = arith.constant 0 : index
      %swap3A_30 = tpu.vector_load %arg6[%swap3A, %swap3A_29] {strides = array<i32>} : memref<128x16xf32, #tpu.memory_space<vmem>>, vector<1x16xf32>,
      %swap3A_31 = vector.shape_cast %swap3A_30 : vector<1x16xf32> to vector<16xf32>
      %swap3A_32 = vector.shape_cast %broadcast_in_dim3A_28 : vector<16xf32> to vector<1x16xf32>
      tpu.vector_store %arg6[%swap3A, %swap3A_29], %swap3A_32 {strides = array<i32>} : memref<128x16xf32, #tpu.memory_space<vmem>>, vector<1x16xf32>,
    }
    %scan3A_9 = arith.constant 128 : i32
    "tpu.region"() ({
      %run_scoped3A = tpu.sem_alloc : memref<!tpu.dma_semaphore, #tpu.memory_space<semaphore_mem>>
      %dma_start3A = arith.constant 0 : i32
      %dma_start3A_27 = tpu.memref_slice %arg8[%mul3A_0, %dma_start3A] : memref<10240x16xf32, #tpu.memory_space<vmem_shared>> -> memref<640x16xf32, #tpu.memory_space<vmem_shared>>
      %dma_start3A_28 = arith.constant 0 : i32
      %dma_start3A_29 = tpu.memref_slice %arg8[%mul3A_0, %dma_start3A_28] : memref<10240x16xf32, #tpu.memory_space<vmem_shared>> -> memref<640x16xf32, #tpu.memory_space<vmem_shared>>
      tpu.enqueue_dma source(%arg7 : memref<640x16xf32, #tpu.memory_space<vmem>>) target(%dma_start3A_29 : memref<640x16xf32, #tpu.memory_space<vmem_shared>>) target_semaphore(%run_scoped3A : memref<!tpu.dma_semaphore, #tpu.memory_space<semaphore_mem>>)
      %dma_wait3A = arith.constant 0 : i32
      %dma_wait3A_30 = tpu.memref_slice %arg8[%mul3A_0, %dma_wait3A] : memref<10240x16xf32, #tpu.memory_space<vmem_shared>> -> memref<640x16xf32, #tpu.memory_space<vmem_shared>>
      %dma_wait3A_31 = arith.constant 0 : i32
      %dma_wait3A_32 = tpu.memref_slice %arg8[%mul3A_0, %dma_wait3A_31] : memref<10240x16xf32, #tpu.memory_space<vmem_shared>> -> memref<640x16xf32, #tpu.memory_space<vmem_shared>>
      tpu.wait_dma2 semaphore(%run_scoped3A : memref<!tpu.dma_semaphore, #tpu.memory_space<semaphore_mem>>) src(%arg7 : memref<640x16xf32, #tpu.memory_space<vmem>>) dst(%dma_wait3A_32 : memref<640x16xf32, #tpu.memory_space<vmem_shared>>)
      tpu.yield
    }) : () -> ()
    %barrier3A = arith.constant 0 : index
    tpu.barrier barrier_id(%barrier3A)
    %mul3A_10 = arith.constant 16 : i32
    %mul3A_11 = arith.muli %arg0, %mul3A_10 : i32
    %add3A = arith.addi %mul3A_11, %arg1 : i32
    %mul3A_12 = arith.constant 80 : i32
    %mul3A_13 = arith.muli %add3A, %mul3A_12 : i32
    %scan3A_14 = arith.constant 0 : i32
    %scan3A_15 = arith.constant 20 : i32
    %scan3A_16 = arith.addi %scan3A_14, %scan3A_15 : i32
    %scan3A_17 = arith.constant 1 : i32
    scf.for %scan3A_27 = %scan3A_14 to %scan3A_16 step %scan3A_17  : i32 {
      %mul3A_28 = arith.constant 4 : i32
      %mul3A_29 = arith.muli %scan3A_27, %mul3A_28 : i32
      %add3A_30 = arith.addi %mul3A_13, %mul3A_29 : i32
      "tpu.region"() ({
        %run_scoped3A = tpu.sem_alloc : memref<!tpu.dma_semaphore, #tpu.memory_space<semaphore_mem>>
        %dma_start3A_85 = arith.constant 0 : i32
        %dma_start3A_86 = tpu.memref_slice %arg2[%add3A_30, %dma_start3A_85] : memref<2560x128xi32, #tpu.memory_space<hbm>> -> memref<4x128xi32, #tpu.memory_space<hbm>>
        %dma_start3A_87 = arith.constant 0 : i32
        %dma_start3A_88 = tpu.memref_slice %arg2[%add3A_30, %dma_start3A_87] : memref<2560x128xi32, #tpu.memory_space<hbm>> -> memref<4x128xi32, #tpu.memory_space<hbm>>
        tpu.enqueue_dma source(%dma_start3A_88 : memref<4x128xi32, #tpu.memory_space<hbm>>) target(%arg5 : memref<4x128xi32, #tpu.memory_space<vmem>>) target_semaphore(%run_scoped3A : memref<!tpu.dma_semaphore, #tpu.memory_space<semaphore_mem>>)
        %dma_wait3A_89 = arith.constant 0 : i32
        %dma_wait3A_90 = tpu.memref_slice %arg2[%add3A_30, %dma_wait3A_89] : memref<2560x128xi32, #tpu.memory_space<hbm>> -> memref<4x128xi32, #tpu.memory_space<hbm>>
        %dma_wait3A_91 = arith.constant 0 : i32
        %dma_wait3A_92 = tpu.memref_slice %arg2[%add3A_30, %dma_wait3A_91] : memref<2560x128xi32, #tpu.memory_space<hbm>> -> memref<4x128xi32, #tpu.memory_space<hbm>>
        tpu.wait_dma2 semaphore(%run_scoped3A : memref<!tpu.dma_semaphore, #tpu.memory_space<semaphore_mem>>) src(%dma_wait3A_92 : memref<4x128xi32, #tpu.memory_space<hbm>>) dst(%arg5 : memref<4x128xi32, #tpu.memory_space<vmem>>)
        tpu.yield
      }) : () -> ()
      %dma_start3A = arith.constant 0 : i32
      %dma_start3A_31 = arith.constant 0 : i32
      %dma_start3A_32 = tpu.memref_slice %arg5[%dma_start3A, %dma_start3A_31] : memref<4x128xi32, #tpu.memory_space<vmem>> -> memref<1x128xi32, #tpu.memory_space<vmem>>
      %dma_start3A_33 = tpu.memref_squeeze %dma_start3A_32 : memref<1x128xi32, #tpu.memory_space<vmem>> -> memref<128xi32, #tpu.memory_space<vmem>>
      %dma_start3A_34 = arith.constant 0 : i32
      %dma_start3A_35 = arith.constant 0 : i32
      %dma_start3A_36 = tpu.memref_slice %arg8[%dma_start3A_34, %dma_start3A_35] : memref<10240x16xf32, #tpu.memory_space<vmem_shared>> -> memref<10240x16xf32, #tpu.memory_space<vmem_shared>>
      tpu.enqueue_indirect_dma source(%arg6 : memref<128x16xf32, #tpu.memory_space<vmem>>) target(%dma_start3A_36 : memref<10240x16xf32, #tpu.memory_space<vmem_shared>>) offsets(%dma_start3A_33 : memref<128xi32, #tpu.memory_space<vmem>>) semaphore(%arg9 : memref<!tpu.dma_semaphore, #tpu.memory_space<semaphore_mem>>) {add = true}
      %dma_start3A_37 = arith.constant 1 : i32
      %dma_start3A_38 = arith.constant 0 : i32
      %dma_start3A_39 = tpu.memref_slice %arg5[%dma_start3A_37, %dma_start3A_38] : memref<4x128xi32, #tpu.memory_space<vmem>> -> memref<1x128xi32, #tpu.memory_space<vmem>>
      %dma_start3A_40 = tpu.memref_squeeze %dma_start3A_39 : memref<1x128xi32, #tpu.memory_space<vmem>> -> memref<128xi32, #tpu.memory_space<vmem>>
      %dma_start3A_41 = arith.constant 0 : i32
      %dma_start3A_42 = arith.constant 0 : i32
      %dma_start3A_43 = tpu.memref_slice %arg8[%dma_start3A_41, %dma_start3A_42] : memref<10240x16xf32, #tpu.memory_space<vmem_shared>> -> memref<10240x16xf32, #tpu.memory_space<vmem_shared>>
      tpu.enqueue_indirect_dma source(%arg6 : memref<128x16xf32, #tpu.memory_space<vmem>>) target(%dma_start3A_43 : memref<10240x16xf32, #tpu.memory_space<vmem_shared>>) offsets(%dma_start3A_40 : memref<128xi32, #tpu.memory_space<vmem>>) semaphore(%arg10 : memref<!tpu.dma_semaphore, #tpu.memory_space<semaphore_mem>>) {add = true}
      %dma_start3A_44 = arith.constant 2 : i32
      %dma_start3A_45 = arith.constant 0 : i32
      %dma_start3A_46 = tpu.memref_slice %arg5[%dma_start3A_44, %dma_start3A_45] : memref<4x128xi32, #tpu.memory_space<vmem>> -> memref<1x128xi32, #tpu.memory_space<vmem>>
      %dma_start3A_47 = tpu.memref_squeeze %dma_start3A_46 : memref<1x128xi32, #tpu.memory_space<vmem>> -> memref<128xi32, #tpu.memory_space<vmem>>
      %dma_start3A_48 = arith.constant 0 : i32
      %dma_start3A_49 = arith.constant 0 : i32
      %dma_start3A_50 = tpu.memref_slice %arg8[%dma_start3A_48, %dma_start3A_49] : memref<10240x16xf32, #tpu.memory_space<vmem_shared>> -> memref<10240x16xf32, #tpu.memory_space<vmem_shared>>
      tpu.enqueue_indirect_dma source(%arg6 : memref<128x16xf32, #tpu.memory_space<vmem>>) target(%dma_start3A_50 : memref<10240x16xf32, #tpu.memory_space<vmem_shared>>) offsets(%dma_start3A_47 : memref<128xi32, #tpu.memory_space<vmem>>) semaphore(%arg11 : memref<!tpu.dma_semaphore, #tpu.memory_space<semaphore_mem>>) {add = true}
      %dma_start3A_51 = arith.constant 3 : i32
      %dma_start3A_52 = arith.constant 0 : i32
      %dma_start3A_53 = tpu.memref_slice %arg5[%dma_start3A_51, %dma_start3A_52] : memref<4x128xi32, #tpu.memory_space<vmem>> -> memref<1x128xi32, #tpu.memory_space<vmem>>
      %dma_start3A_54 = tpu.memref_squeeze %dma_start3A_53 : memref<1x128xi32, #tpu.memory_space<vmem>> -> memref<128xi32, #tpu.memory_space<vmem>>
      %dma_start3A_55 = arith.constant 0 : i32
      %dma_start3A_56 = arith.constant 0 : i32
      %dma_start3A_57 = tpu.memref_slice %arg8[%dma_start3A_55, %dma_start3A_56] : memref<10240x16xf32, #tpu.memory_space<vmem_shared>> -> memref<10240x16xf32, #tpu.memory_space<vmem_shared>>
      tpu.enqueue_indirect_dma source(%arg6 : memref<128x16xf32, #tpu.memory_space<vmem>>) target(%dma_start3A_57 : memref<10240x16xf32, #tpu.memory_space<vmem_shared>>) offsets(%dma_start3A_54 : memref<128xi32, #tpu.memory_space<vmem>>) semaphore(%arg12 : memref<!tpu.dma_semaphore, #tpu.memory_space<semaphore_mem>>) {add = true}
      %dma_wait3A = arith.constant 0 : i32
      %dma_wait3A_58 = arith.constant 0 : i32
      %dma_wait3A_59 = tpu.memref_slice %arg5[%dma_wait3A, %dma_wait3A_58] : memref<4x128xi32, #tpu.memory_space<vmem>> -> memref<1x128xi32, #tpu.memory_space<vmem>>
      %dma_wait3A_60 = tpu.memref_squeeze %dma_wait3A_59 : memref<1x128xi32, #tpu.memory_space<vmem>> -> memref<128xi32, #tpu.memory_space<vmem>>
      %dma_wait3A_61 = arith.constant 0 : i32
      %dma_wait3A_62 = arith.constant 0 : i32
      %dma_wait3A_63 = tpu.memref_slice %arg8[%dma_wait3A_61, %dma_wait3A_62] : memref<10240x16xf32, #tpu.memory_space<vmem_shared>> -> memref<10240x16xf32, #tpu.memory_space<vmem_shared>>
      tpu.wait_indirect_dma semaphore(%arg9 : memref<!tpu.dma_semaphore, #tpu.memory_space<semaphore_mem>>) src(%arg6 : memref<128x16xf32, #tpu.memory_space<vmem>>) dst(%dma_wait3A_63 : memref<10240x16xf32, #tpu.memory_space<vmem_shared>>)
      %dma_wait3A_64 = arith.constant 1 : i32
      %dma_wait3A_65 = arith.constant 0 : i32
      %dma_wait3A_66 = tpu.memref_slice %arg5[%dma_wait3A_64, %dma_wait3A_65] : memref<4x128xi32, #tpu.memory_space<vmem>> -> memref<1x128xi32, #tpu.memory_space<vmem>>
      %dma_wait3A_67 = tpu.memref_squeeze %dma_wait3A_66 : memref<1x128xi32, #tpu.memory_space<vmem>> -> memref<128xi32, #tpu.memory_space<vmem>>
      %dma_wait3A_68 = arith.constant 0 : i32
      %dma_wait3A_69 = arith.constant 0 : i32
      %dma_wait3A_70 = tpu.memref_slice %arg8[%dma_wait3A_68, %dma_wait3A_69] : memref<10240x16xf32, #tpu.memory_space<vmem_shared>> -> memref<10240x16xf32, #tpu.memory_space<vmem_shared>>
      tpu.wait_indirect_dma semaphore(%arg10 : memref<!tpu.dma_semaphore, #tpu.memory_space<semaphore_mem>>) src(%arg6 : memref<128x16xf32, #tpu.memory_space<vmem>>) dst(%dma_wait3A_70 : memref<10240x16xf32, #tpu.memory_space<vmem_shared>>)
      %dma_wait3A_71 = arith.constant 2 : i32
      %dma_wait3A_72 = arith.constant 0 : i32
      %dma_wait3A_73 = tpu.memref_slice %arg5[%dma_wait3A_71, %dma_wait3A_72] : memref<4x128xi32, #tpu.memory_space<vmem>> -> memref<1x128xi32, #tpu.memory_space<vmem>>
      %dma_wait3A_74 = tpu.memref_squeeze %dma_wait3A_73 : memref<1x128xi32, #tpu.memory_space<vmem>> -> memref<128xi32, #tpu.memory_space<vmem>>
      %dma_wait3A_75 = arith.constant 0 : i32
      %dma_wait3A_76 = arith.constant 0 : i32
      %dma_wait3A_77 = tpu.memref_slice %arg8[%dma_wait3A_75, %dma_wait3A_76] : memref<10240x16xf32, #tpu.memory_space<vmem_shared>> -> memref<10240x16xf32, #tpu.memory_space<vmem_shared>>
      tpu.wait_indirect_dma semaphore(%arg11 : memref<!tpu.dma_semaphore, #tpu.memory_space<semaphore_mem>>) src(%arg6 : memref<128x16xf32, #tpu.memory_space<vmem>>) dst(%dma_wait3A_77 : memref<10240x16xf32, #tpu.memory_space<vmem_shared>>)
      %dma_wait3A_78 = arith.constant 3 : i32
      %dma_wait3A_79 = arith.constant 0 : i32
      %dma_wait3A_80 = tpu.memref_slice %arg5[%dma_wait3A_78, %dma_wait3A_79] : memref<4x128xi32, #tpu.memory_space<vmem>> -> memref<1x128xi32, #tpu.memory_space<vmem>>
      %dma_wait3A_81 = tpu.memref_squeeze %dma_wait3A_80 : memref<1x128xi32, #tpu.memory_space<vmem>> -> memref<128xi32, #tpu.memory_space<vmem>>
      %dma_wait3A_82 = arith.constant 0 : i32
      %dma_wait3A_83 = arith.constant 0 : i32
      %dma_wait3A_84 = tpu.memref_slice %arg8[%dma_wait3A_82, %dma_wait3A_83] : memref<10240x16xf32, #tpu.memory_space<vmem_shared>> -> memref<10240x16xf32, #tpu.memory_space<vmem_shared>>
      tpu.wait_indirect_dma semaphore(%arg12 : memref<!tpu.dma_semaphore, #tpu.memory_space<semaphore_mem>>) src(%arg6 : memref<128x16xf32, #tpu.memory_space<vmem>>) dst(%dma_wait3A_84 : memref<10240x16xf32, #tpu.memory_space<vmem_shared>>)
    }
    %scan3A_18 = arith.constant 20 : i32
    %barrier3A_19 = arith.constant 0 : index
    tpu.barrier barrier_id(%barrier3A_19)
    %eq3A = arith.constant 0 : i32
    %eq3A_20 = arith.cmpi eq, %arg0, %eq3A : i32
    %convert_element_type3A = arith.extui %eq3A_20 : i1 to i32
    %cond3A = arith.constant 0 : i32
    %cond3A_21 = arith.cmpi ne, %convert_element_type3A, %cond3A : i32
    scf.if %cond3A_21 {
      "tpu.region"() ({
        %run_scoped3A = tpu.sem_alloc : memref<!tpu.dma_semaphore, #tpu.memory_space<semaphore_mem>>
        %dma_start3A = arith.constant 0 : i32
        %dma_start3A_27 = tpu.memref_slice %arg3[%mul3A_0, %dma_start3A] : memref<10240x16xf32, #tpu.memory_space<hbm>> -> memref<640x16xf32, #tpu.memory_space<hbm>>
        %dma_start3A_28 = arith.constant 0 : i32
        %dma_start3A_29 = tpu.memref_slice %arg8[%mul3A_0, %dma_start3A_28] : memref<10240x16xf32, #tpu.memory_space<vmem_shared>> -> memref<640x16xf32, #tpu.memory_space<vmem_shared>>
        tpu.enqueue_dma source(%dma_start3A_29 : memref<640x16xf32, #tpu.memory_space<vmem_shared>>) target(%dma_start3A_27 : memref<640x16xf32, #tpu.memory_space<hbm>>) target_semaphore(%run_scoped3A : memref<!tpu.dma_semaphore, #tpu.memory_space<semaphore_mem>>)
        %dma_wait3A = arith.constant 0 : i32
        %dma_wait3A_30 = tpu.memref_slice %arg3[%mul3A_0, %dma_wait3A] : memref<10240x16xf32, #tpu.memory_space<hbm>> -> memref<640x16xf32, #tpu.memory_space<hbm>>
        %dma_wait3A_31 = arith.constant 0 : i32
        %dma_wait3A_32 = tpu.memref_slice %arg8[%mul3A_0, %dma_wait3A_31] : memref<10240x16xf32, #tpu.memory_space<vmem_shared>> -> memref<640x16xf32, #tpu.memory_space<vmem_shared>>
        tpu.wait_dma2 semaphore(%run_scoped3A : memref<!tpu.dma_semaphore, #tpu.memory_space<semaphore_mem>>) src(%dma_wait3A_32 : memref<640x16xf32, #tpu.memory_space<vmem_shared>>) dst(%dma_wait3A_30 : memref<640x16xf32, #tpu.memory_space<hbm>>)
        tpu.yield
      }) : () -> ()
    } else {
    }
    %eq3A_22 = arith.constant 1 : i32
    %eq3A_23 = arith.cmpi eq, %arg0, %eq3A_22 : i32
    %convert_element_type3A_24 = arith.extui %eq3A_23 : i1 to i32
    %cond3A_25 = arith.constant 0 : i32
    %cond3A_26 = arith.cmpi ne, %convert_element_type3A_24, %cond3A_25 : i32
    scf.if %cond3A_26 {
      "tpu.region"() ({
        %run_scoped3A = tpu.sem_alloc : memref<!tpu.dma_semaphore, #tpu.memory_space<semaphore_mem>>
        %dma_start3A = arith.constant 0 : i32
        %dma_start3A_27 = tpu.memref_slice %arg4[%mul3A_0, %dma_start3A] : memref<10240x16xf32, #tpu.memory_space<hbm>> -> memref<640x16xf32, #tpu.memory_space<hbm>>
        %dma_start3A_28 = arith.constant 0 : i32
        %dma_start3A_29 = tpu.memref_slice %arg8[%mul3A_0, %dma_start3A_28] : memref<10240x16xf32, #tpu.memory_space<vmem_shared>> -> memref<640x16xf32, #tpu.memory_space<vmem_shared>>
        tpu.enqueue_dma source(%dma_start3A_29 : memref<640x16xf32, #tpu.memory_space<vmem_shared>>) target(%dma_start3A_27 : memref<640x16xf32, #tpu.memory_space<hbm>>) target_semaphore(%run_scoped3A : memref<!tpu.dma_semaphore, #tpu.memory_space<semaphore_mem>>)
        %dma_wait3A = arith.constant 0 : i32
        %dma_wait3A_30 = tpu.memref_slice %arg4[%mul3A_0, %dma_wait3A] : memref<10240x16xf32, #tpu.memory_space<hbm>> -> memref<640x16xf32, #tpu.memory_space<hbm>>
        %dma_wait3A_31 = arith.constant 0 : i32
        %dma_wait3A_32 = tpu.memref_slice %arg8[%mul3A_0, %dma_wait3A_31] : memref<10240x16xf32, #tpu.memory_space<vmem_shared>> -> memref<640x16xf32, #tpu.memory_space<vmem_shared>>
        tpu.wait_dma2 semaphore(%run_scoped3A : memref<!tpu.dma_semaphore, #tpu.memory_space<semaphore_mem>>) src(%dma_wait3A_32 : memref<640x16xf32, #tpu.memory_space<vmem_shared>>) dst(%dma_wait3A_30 : memref<640x16xf32, #tpu.memory_space<hbm>>)
        tpu.yield
      }) : () -> ()
    } else {
    }
    return
  }
}

#map = affine_map<(d0, d1) -> (0, 0)>
module attributes {stable_mosaic.version = 14 : i64} {
  func.func @body(%arg0: i32, %arg1: i32, %arg2: memref<10240x128xf32, #tpu.memory_space<hbm>>, %arg3: memref<2560x128xi32, #tpu.memory_space<hbm>>, %arg4: memref<2560x128xi32, #tpu.memory_space<hbm>>, %arg5: memref<10240x128xf32, #tpu.memory_space<hbm>>, %arg6: memref<10240x128xf32, #tpu.memory_space<hbm>>, %arg7: memref<2x128xi32, #tpu.memory_space<vmem>>, %arg8: memref<2x128xi32, #tpu.memory_space<vmem>>, %arg9: memref<128x128xf32, #tpu.memory_space<vmem>>, %arg10: memref<128x128xf32, #tpu.memory_space<vmem>>, %arg11: memref<10240x128xf32, #tpu.memory_space<vmem_shared>>, %arg12: memref<!tpu.dma_semaphore, #tpu.memory_space<semaphore_mem>>, %arg13: memref<!tpu.dma_semaphore, #tpu.memory_space<semaphore_mem>>, %arg14: memref<!tpu.dma_semaphore, #tpu.memory_space<semaphore_mem>>, %arg15: memref<!tpu.dma_semaphore, #tpu.memory_space<semaphore_mem>>) attributes {dimension_semantics = [#tpu.dimension_semantics<core_parallel>, #tpu.dimension_semantics<subcore_parallel>], iteration_bounds = array<i64: 2, 16>, scalar_prefetch = 0 : i64, scratch_operands = 9 : i64, tpu.core_type = #tpu.core_type<sc_vector_subcore>, window_params = [{transform_indices = #map}, {transform_indices = #map}, {transform_indices = #map}, {transform_indices = #map}, {transform_indices = #map}]} {
    %mul3A = arith.constant 640 : i32
    %mul3A_0 = arith.muli %arg1, %mul3A : i32
    %mul3A_1 = arith.constant 16 : i32
    %mul3A_2 = arith.muli %arg0, %mul3A_1 : i32
    %add3A = arith.addi %mul3A_2, %arg1 : i32
    %mul3A_3 = arith.constant 80 : i32
    %mul3A_4 = arith.muli %add3A, %mul3A_3 : i32
    %scan3A = arith.constant 0 : i32
    %scan3A_5 = arith.constant 128 : i32
    %scan3A_6 = arith.addi %scan3A, %scan3A_5 : i32
    %scan3A_7 = arith.constant 1 : i32
    scf.for %scan3A_32 = %scan3A to %scan3A_6 step %scan3A_7  : i32 {
      %broadcast_in_dim3A = arith.constant 0.000000e+00 : f32
      %broadcast_in_dim3A_33 = vector.broadcast %broadcast_in_dim3A : f32 to vector<16xf32>
      %swap3A = arith.index_cast %scan3A_32 : i32 to index
      %swap3A_34 = arith.constant 0 : index
      %swap3A_35 = tpu.vector_load %arg9[%swap3A, %swap3A_34] {strides = array<i32>} : memref<128x128xf32, #tpu.memory_space<vmem>>, vector<1x16xf32>,
      %swap3A_36 = vector.shape_cast %swap3A_35 : vector<1x16xf32> to vector<16xf32>
      %swap3A_37 = vector.shape_cast %broadcast_in_dim3A_33 : vector<16xf32> to vector<1x16xf32>
      tpu.vector_store %arg9[%swap3A, %swap3A_34], %swap3A_37 {strides = array<i32>} : memref<128x128xf32, #tpu.memory_space<vmem>>, vector<1x16xf32>,
      %broadcast_in_dim3A_38 = arith.constant 0.000000e+00 : f32
      %broadcast_in_dim3A_39 = vector.broadcast %broadcast_in_dim3A_38 : f32 to vector<16xf32>
      %swap3A_40 = arith.index_cast %scan3A_32 : i32 to index
      %swap3A_41 = arith.constant 16 : index
      %swap3A_42 = tpu.vector_load %arg9[%swap3A_40, %swap3A_41] {strides = array<i32>} : memref<128x128xf32, #tpu.memory_space<vmem>>, vector<1x16xf32>,
      %swap3A_43 = vector.shape_cast %swap3A_42 : vector<1x16xf32> to vector<16xf32>
      %swap3A_44 = vector.shape_cast %broadcast_in_dim3A_39 : vector<16xf32> to vector<1x16xf32>
      tpu.vector_store %arg9[%swap3A_40, %swap3A_41], %swap3A_44 {strides = array<i32>} : memref<128x128xf32, #tpu.memory_space<vmem>>, vector<1x16xf32>,
      %broadcast_in_dim3A_45 = arith.constant 0.000000e+00 : f32
      %broadcast_in_dim3A_46 = vector.broadcast %broadcast_in_dim3A_45 : f32 to vector<16xf32>
      %swap3A_47 = arith.index_cast %scan3A_32 : i32 to index
      %swap3A_48 = arith.constant 32 : index
      %swap3A_49 = tpu.vector_load %arg9[%swap3A_47, %swap3A_48] {strides = array<i32>} : memref<128x128xf32, #tpu.memory_space<vmem>>, vector<1x16xf32>,
      %swap3A_50 = vector.shape_cast %swap3A_49 : vector<1x16xf32> to vector<16xf32>
      %swap3A_51 = vector.shape_cast %broadcast_in_dim3A_46 : vector<16xf32> to vector<1x16xf32>
      tpu.vector_store %arg9[%swap3A_47, %swap3A_48], %swap3A_51 {strides = array<i32>} : memref<128x128xf32, #tpu.memory_space<vmem>>, vector<1x16xf32>,
      %broadcast_in_dim3A_52 = arith.constant 0.000000e+00 : f32
      %broadcast_in_dim3A_53 = vector.broadcast %broadcast_in_dim3A_52 : f32 to vector<16xf32>
      %swap3A_54 = arith.index_cast %scan3A_32 : i32 to index
      %swap3A_55 = arith.constant 48 : index
      %swap3A_56 = tpu.vector_load %arg9[%swap3A_54, %swap3A_55] {strides = array<i32>} : memref<128x128xf32, #tpu.memory_space<vmem>>, vector<1x16xf32>,
      %swap3A_57 = vector.shape_cast %swap3A_56 : vector<1x16xf32> to vector<16xf32>
      %swap3A_58 = vector.shape_cast %broadcast_in_dim3A_53 : vector<16xf32> to vector<1x16xf32>
      tpu.vector_store %arg9[%swap3A_54, %swap3A_55], %swap3A_58 {strides = array<i32>} : memref<128x128xf32, #tpu.memory_space<vmem>>, vector<1x16xf32>,
      %broadcast_in_dim3A_59 = arith.constant 0.000000e+00 : f32
      %broadcast_in_dim3A_60 = vector.broadcast %broadcast_in_dim3A_59 : f32 to vector<16xf32>
      %swap3A_61 = arith.index_cast %scan3A_32 : i32 to index
      %swap3A_62 = arith.constant 64 : index
      %swap3A_63 = tpu.vector_load %arg9[%swap3A_61, %swap3A_62] {strides = array<i32>} : memref<128x128xf32, #tpu.memory_space<vmem>>, vector<1x16xf32>,
      %swap3A_64 = vector.shape_cast %swap3A_63 : vector<1x16xf32> to vector<16xf32>
      %swap3A_65 = vector.shape_cast %broadcast_in_dim3A_60 : vector<16xf32> to vector<1x16xf32>
      tpu.vector_store %arg9[%swap3A_61, %swap3A_62], %swap3A_65 {strides = array<i32>} : memref<128x128xf32, #tpu.memory_space<vmem>>, vector<1x16xf32>,
      %broadcast_in_dim3A_66 = arith.constant 0.000000e+00 : f32
      %broadcast_in_dim3A_67 = vector.broadcast %broadcast_in_dim3A_66 : f32 to vector<16xf32>
      %swap3A_68 = arith.index_cast %scan3A_32 : i32 to index
      %swap3A_69 = arith.constant 80 : index
      %swap3A_70 = tpu.vector_load %arg9[%swap3A_68, %swap3A_69] {strides = array<i32>} : memref<128x128xf32, #tpu.memory_space<vmem>>, vector<1x16xf32>,
      %swap3A_71 = vector.shape_cast %swap3A_70 : vector<1x16xf32> to vector<16xf32>
      %swap3A_72 = vector.shape_cast %broadcast_in_dim3A_67 : vector<16xf32> to vector<1x16xf32>
      tpu.vector_store %arg9[%swap3A_68, %swap3A_69], %swap3A_72 {strides = array<i32>} : memref<128x128xf32, #tpu.memory_space<vmem>>, vector<1x16xf32>,
      %broadcast_in_dim3A_73 = arith.constant 0.000000e+00 : f32
      %broadcast_in_dim3A_74 = vector.broadcast %broadcast_in_dim3A_73 : f32 to vector<16xf32>
      %swap3A_75 = arith.index_cast %scan3A_32 : i32 to index
      %swap3A_76 = arith.constant 96 : index
      %swap3A_77 = tpu.vector_load %arg9[%swap3A_75, %swap3A_76] {strides = array<i32>} : memref<128x128xf32, #tpu.memory_space<vmem>>, vector<1x16xf32>,
      %swap3A_78 = vector.shape_cast %swap3A_77 : vector<1x16xf32> to vector<16xf32>
      %swap3A_79 = vector.shape_cast %broadcast_in_dim3A_74 : vector<16xf32> to vector<1x16xf32>
      tpu.vector_store %arg9[%swap3A_75, %swap3A_76], %swap3A_79 {strides = array<i32>} : memref<128x128xf32, #tpu.memory_space<vmem>>, vector<1x16xf32>,
      %broadcast_in_dim3A_80 = arith.constant 0.000000e+00 : f32
      %broadcast_in_dim3A_81 = vector.broadcast %broadcast_in_dim3A_80 : f32 to vector<16xf32>
      %swap3A_82 = arith.index_cast %scan3A_32 : i32 to index
      %swap3A_83 = arith.constant 112 : index
      %swap3A_84 = tpu.vector_load %arg9[%swap3A_82, %swap3A_83] {strides = array<i32>} : memref<128x128xf32, #tpu.memory_space<vmem>>, vector<1x16xf32>,
      %swap3A_85 = vector.shape_cast %swap3A_84 : vector<1x16xf32> to vector<16xf32>
      %swap3A_86 = vector.shape_cast %broadcast_in_dim3A_81 : vector<16xf32> to vector<1x16xf32>
      tpu.vector_store %arg9[%swap3A_82, %swap3A_83], %swap3A_86 {strides = array<i32>} : memref<128x128xf32, #tpu.memory_space<vmem>>, vector<1x16xf32>,
    }
    %scan3A_8 = arith.constant 128 : i32
    %add3A_9 = arith.constant 0 : i32
    %add3A_10 = arith.addi %mul3A_0, %add3A_9 : i32
    "tpu.region"() ({
      %run_scoped3A = tpu.sem_alloc : memref<!tpu.dma_semaphore, #tpu.memory_space<semaphore_mem>>
      %dma_start3A = arith.constant 0 : i32
      %dma_start3A_32 = tpu.memref_slice %arg11[%add3A_10, %dma_start3A] : memref<10240x128xf32, #tpu.memory_space<vmem_shared>> -> memref<128x128xf32, #tpu.memory_space<vmem_shared>>
      %dma_start3A_33 = arith.constant 0 : i32
      %dma_start3A_34 = tpu.memref_slice %arg11[%add3A_10, %dma_start3A_33] : memref<10240x128xf32, #tpu.memory_space<vmem_shared>> -> memref<128x128xf32, #tpu.memory_space<vmem_shared>>
      tpu.enqueue_dma source(%arg9 : memref<128x128xf32, #tpu.memory_space<vmem>>) target(%dma_start3A_34 : memref<128x128xf32, #tpu.memory_space<vmem_shared>>) target_semaphore(%run_scoped3A : memref<!tpu.dma_semaphore, #tpu.memory_space<semaphore_mem>>)
      %dma_wait3A = arith.constant 0 : i32
      %dma_wait3A_35 = tpu.memref_slice %arg11[%add3A_10, %dma_wait3A] : memref<10240x128xf32, #tpu.memory_space<vmem_shared>> -> memref<128x128xf32, #tpu.memory_space<vmem_shared>>
      %dma_wait3A_36 = arith.constant 0 : i32
      %dma_wait3A_37 = tpu.memref_slice %arg11[%add3A_10, %dma_wait3A_36] : memref<10240x128xf32, #tpu.memory_space<vmem_shared>> -> memref<128x128xf32, #tpu.memory_space<vmem_shared>>
      tpu.wait_dma2 semaphore(%run_scoped3A : memref<!tpu.dma_semaphore, #tpu.memory_space<semaphore_mem>>) src(%arg9 : memref<128x128xf32, #tpu.memory_space<vmem>>) dst(%dma_wait3A_37 : memref<128x128xf32, #tpu.memory_space<vmem_shared>>)
      tpu.yield
    }) : () -> ()
    %add3A_11 = arith.constant 128 : i32
    %add3A_12 = arith.addi %mul3A_0, %add3A_11 : i32
    "tpu.region"() ({
      %run_scoped3A = tpu.sem_alloc : memref<!tpu.dma_semaphore, #tpu.memory_space<semaphore_mem>>
      %dma_start3A = arith.constant 0 : i32
      %dma_start3A_32 = tpu.memref_slice %arg11[%add3A_12, %dma_start3A] : memref<10240x128xf32, #tpu.memory_space<vmem_shared>> -> memref<128x128xf32, #tpu.memory_space<vmem_shared>>
      %dma_start3A_33 = arith.constant 0 : i32
      %dma_start3A_34 = tpu.memref_slice %arg11[%add3A_12, %dma_start3A_33] : memref<10240x128xf32, #tpu.memory_space<vmem_shared>> -> memref<128x128xf32, #tpu.memory_space<vmem_shared>>
      tpu.enqueue_dma source(%arg9 : memref<128x128xf32, #tpu.memory_space<vmem>>) target(%dma_start3A_34 : memref<128x128xf32, #tpu.memory_space<vmem_shared>>) target_semaphore(%run_scoped3A : memref<!tpu.dma_semaphore, #tpu.memory_space<semaphore_mem>>)
      %dma_wait3A = arith.constant 0 : i32
      %dma_wait3A_35 = tpu.memref_slice %arg11[%add3A_12, %dma_wait3A] : memref<10240x128xf32, #tpu.memory_space<vmem_shared>> -> memref<128x128xf32, #tpu.memory_space<vmem_shared>>
      %dma_wait3A_36 = arith.constant 0 : i32
      %dma_wait3A_37 = tpu.memref_slice %arg11[%add3A_12, %dma_wait3A_36] : memref<10240x128xf32, #tpu.memory_space<vmem_shared>> -> memref<128x128xf32, #tpu.memory_space<vmem_shared>>
      tpu.wait_dma2 semaphore(%run_scoped3A : memref<!tpu.dma_semaphore, #tpu.memory_space<semaphore_mem>>) src(%arg9 : memref<128x128xf32, #tpu.memory_space<vmem>>) dst(%dma_wait3A_37 : memref<128x128xf32, #tpu.memory_space<vmem_shared>>)
      tpu.yield
    }) : () -> ()
    %add3A_13 = arith.constant 256 : i32
    %add3A_14 = arith.addi %mul3A_0, %add3A_13 : i32
    "tpu.region"() ({
      %run_scoped3A = tpu.sem_alloc : memref<!tpu.dma_semaphore, #tpu.memory_space<semaphore_mem>>
      %dma_start3A = arith.constant 0 : i32
      %dma_start3A_32 = tpu.memref_slice %arg11[%add3A_14, %dma_start3A] : memref<10240x128xf32, #tpu.memory_space<vmem_shared>> -> memref<128x128xf32, #tpu.memory_space<vmem_shared>>
      %dma_start3A_33 = arith.constant 0 : i32
      %dma_start3A_34 = tpu.memref_slice %arg11[%add3A_14, %dma_start3A_33] : memref<10240x128xf32, #tpu.memory_space<vmem_shared>> -> memref<128x128xf32, #tpu.memory_space<vmem_shared>>
      tpu.enqueue_dma source(%arg9 : memref<128x128xf32, #tpu.memory_space<vmem>>) target(%dma_start3A_34 : memref<128x128xf32, #tpu.memory_space<vmem_shared>>) target_semaphore(%run_scoped3A : memref<!tpu.dma_semaphore, #tpu.memory_space<semaphore_mem>>)
      %dma_wait3A = arith.constant 0 : i32
      %dma_wait3A_35 = tpu.memref_slice %arg11[%add3A_14, %dma_wait3A] : memref<10240x128xf32, #tpu.memory_space<vmem_shared>> -> memref<128x128xf32, #tpu.memory_space<vmem_shared>>
      %dma_wait3A_36 = arith.constant 0 : i32
      %dma_wait3A_37 = tpu.memref_slice %arg11[%add3A_14, %dma_wait3A_36] : memref<10240x128xf32, #tpu.memory_space<vmem_shared>> -> memref<128x128xf32, #tpu.memory_space<vmem_shared>>
      tpu.wait_dma2 semaphore(%run_scoped3A : memref<!tpu.dma_semaphore, #tpu.memory_space<semaphore_mem>>) src(%arg9 : memref<128x128xf32, #tpu.memory_space<vmem>>) dst(%dma_wait3A_37 : memref<128x128xf32, #tpu.memory_space<vmem_shared>>)
      tpu.yield
    }) : () -> ()
    %add3A_15 = arith.constant 384 : i32
    %add3A_16 = arith.addi %mul3A_0, %add3A_15 : i32
    "tpu.region"() ({
      %run_scoped3A = tpu.sem_alloc : memref<!tpu.dma_semaphore, #tpu.memory_space<semaphore_mem>>
      %dma_start3A = arith.constant 0 : i32
      %dma_start3A_32 = tpu.memref_slice %arg11[%add3A_16, %dma_start3A] : memref<10240x128xf32, #tpu.memory_space<vmem_shared>> -> memref<128x128xf32, #tpu.memory_space<vmem_shared>>
      %dma_start3A_33 = arith.constant 0 : i32
      %dma_start3A_34 = tpu.memref_slice %arg11[%add3A_16, %dma_start3A_33] : memref<10240x128xf32, #tpu.memory_space<vmem_shared>> -> memref<128x128xf32, #tpu.memory_space<vmem_shared>>
      tpu.enqueue_dma source(%arg9 : memref<128x128xf32, #tpu.memory_space<vmem>>) target(%dma_start3A_34 : memref<128x128xf32, #tpu.memory_space<vmem_shared>>) target_semaphore(%run_scoped3A : memref<!tpu.dma_semaphore, #tpu.memory_space<semaphore_mem>>)
      %dma_wait3A = arith.constant 0 : i32
      %dma_wait3A_35 = tpu.memref_slice %arg11[%add3A_16, %dma_wait3A] : memref<10240x128xf32, #tpu.memory_space<vmem_shared>> -> memref<128x128xf32, #tpu.memory_space<vmem_shared>>
      %dma_wait3A_36 = arith.constant 0 : i32
      %dma_wait3A_37 = tpu.memref_slice %arg11[%add3A_16, %dma_wait3A_36] : memref<10240x128xf32, #tpu.memory_space<vmem_shared>> -> memref<128x128xf32, #tpu.memory_space<vmem_shared>>
      tpu.wait_dma2 semaphore(%run_scoped3A : memref<!tpu.dma_semaphore, #tpu.memory_space<semaphore_mem>>) src(%arg9 : memref<128x128xf32, #tpu.memory_space<vmem>>) dst(%dma_wait3A_37 : memref<128x128xf32, #tpu.memory_space<vmem_shared>>)
      tpu.yield
    }) : () -> ()
    %add3A_17 = arith.constant 512 : i32
    %add3A_18 = arith.addi %mul3A_0, %add3A_17 : i32
    "tpu.region"() ({
      %run_scoped3A = tpu.sem_alloc : memref<!tpu.dma_semaphore, #tpu.memory_space<semaphore_mem>>
      %dma_start3A = arith.constant 0 : i32
      %dma_start3A_32 = tpu.memref_slice %arg11[%add3A_18, %dma_start3A] : memref<10240x128xf32, #tpu.memory_space<vmem_shared>> -> memref<128x128xf32, #tpu.memory_space<vmem_shared>>
      %dma_start3A_33 = arith.constant 0 : i32
      %dma_start3A_34 = tpu.memref_slice %arg11[%add3A_18, %dma_start3A_33] : memref<10240x128xf32, #tpu.memory_space<vmem_shared>> -> memref<128x128xf32, #tpu.memory_space<vmem_shared>>
      tpu.enqueue_dma source(%arg9 : memref<128x128xf32, #tpu.memory_space<vmem>>) target(%dma_start3A_34 : memref<128x128xf32, #tpu.memory_space<vmem_shared>>) target_semaphore(%run_scoped3A : memref<!tpu.dma_semaphore, #tpu.memory_space<semaphore_mem>>)
      %dma_wait3A = arith.constant 0 : i32
      %dma_wait3A_35 = tpu.memref_slice %arg11[%add3A_18, %dma_wait3A] : memref<10240x128xf32, #tpu.memory_space<vmem_shared>> -> memref<128x128xf32, #tpu.memory_space<vmem_shared>>
      %dma_wait3A_36 = arith.constant 0 : i32
      %dma_wait3A_37 = tpu.memref_slice %arg11[%add3A_18, %dma_wait3A_36] : memref<10240x128xf32, #tpu.memory_space<vmem_shared>> -> memref<128x128xf32, #tpu.memory_space<vmem_shared>>
      tpu.wait_dma2 semaphore(%run_scoped3A : memref<!tpu.dma_semaphore, #tpu.memory_space<semaphore_mem>>) src(%arg9 : memref<128x128xf32, #tpu.memory_space<vmem>>) dst(%dma_wait3A_37 : memref<128x128xf32, #tpu.memory_space<vmem_shared>>)
      tpu.yield
    }) : () -> ()
    %barrier3A = arith.constant 0 : index
    tpu.barrier barrier_id(%barrier3A)
    %scan3A_19 = arith.constant 0 : i32
    %scan3A_20 = arith.constant 40 : i32
    %scan3A_21 = arith.addi %scan3A_19, %scan3A_20 : i32
    %scan3A_22 = arith.constant 1 : i32
    scf.for %scan3A_32 = %scan3A_19 to %scan3A_21 step %scan3A_22  : i32 {
      %mul3A_33 = arith.constant 2 : i32
      %mul3A_34 = arith.muli %scan3A_32, %mul3A_33 : i32
      %add3A_35 = arith.addi %mul3A_4, %mul3A_34 : i32
      "tpu.region"() ({
        %run_scoped3A = tpu.sem_alloc : memref<!tpu.dma_semaphore, #tpu.memory_space<semaphore_mem>>
        %dma_start3A_90 = arith.constant 0 : i32
        %dma_start3A_91 = tpu.memref_slice %arg3[%add3A_35, %dma_start3A_90] : memref<2560x128xi32, #tpu.memory_space<hbm>> -> memref<2x128xi32, #tpu.memory_space<hbm>>
        %dma_start3A_92 = arith.constant 0 : i32
        %dma_start3A_93 = tpu.memref_slice %arg3[%add3A_35, %dma_start3A_92] : memref<2560x128xi32, #tpu.memory_space<hbm>> -> memref<2x128xi32, #tpu.memory_space<hbm>>
        tpu.enqueue_dma source(%dma_start3A_93 : memref<2x128xi32, #tpu.memory_space<hbm>>) target(%arg7 : memref<2x128xi32, #tpu.memory_space<vmem>>) target_semaphore(%run_scoped3A : memref<!tpu.dma_semaphore, #tpu.memory_space<semaphore_mem>>)
        %dma_wait3A_94 = arith.constant 0 : i32
        %dma_wait3A_95 = tpu.memref_slice %arg3[%add3A_35, %dma_wait3A_94] : memref<2560x128xi32, #tpu.memory_space<hbm>> -> memref<2x128xi32, #tpu.memory_space<hbm>>
        %dma_wait3A_96 = arith.constant 0 : i32
        %dma_wait3A_97 = tpu.memref_slice %arg3[%add3A_35, %dma_wait3A_96] : memref<2560x128xi32, #tpu.memory_space<hbm>> -> memref<2x128xi32, #tpu.memory_space<hbm>>
        tpu.wait_dma2 semaphore(%run_scoped3A : memref<!tpu.dma_semaphore, #tpu.memory_space<semaphore_mem>>) src(%dma_wait3A_97 : memref<2x128xi32, #tpu.memory_space<hbm>>) dst(%arg7 : memref<2x128xi32, #tpu.memory_space<vmem>>)
        tpu.yield
      }) : () -> ()
      "tpu.region"() ({
        %run_scoped3A = tpu.sem_alloc : memref<!tpu.dma_semaphore, #tpu.memory_space<semaphore_mem>>
        %dma_start3A_90 = arith.constant 0 : i32
        %dma_start3A_91 = tpu.memref_slice %arg4[%add3A_35, %dma_start3A_90] : memref<2560x128xi32, #tpu.memory_space<hbm>> -> memref<2x128xi32, #tpu.memory_space<hbm>>
        %dma_start3A_92 = arith.constant 0 : i32
        %dma_start3A_93 = tpu.memref_slice %arg4[%add3A_35, %dma_start3A_92] : memref<2560x128xi32, #tpu.memory_space<hbm>> -> memref<2x128xi32, #tpu.memory_space<hbm>>
        tpu.enqueue_dma source(%dma_start3A_93 : memref<2x128xi32, #tpu.memory_space<hbm>>) target(%arg8 : memref<2x128xi32, #tpu.memory_space<vmem>>) target_semaphore(%run_scoped3A : memref<!tpu.dma_semaphore, #tpu.memory_space<semaphore_mem>>)
        %dma_wait3A_94 = arith.constant 0 : i32
        %dma_wait3A_95 = tpu.memref_slice %arg4[%add3A_35, %dma_wait3A_94] : memref<2560x128xi32, #tpu.memory_space<hbm>> -> memref<2x128xi32, #tpu.memory_space<hbm>>
        %dma_wait3A_96 = arith.constant 0 : i32
        %dma_wait3A_97 = tpu.memref_slice %arg4[%add3A_35, %dma_wait3A_96] : memref<2560x128xi32, #tpu.memory_space<hbm>> -> memref<2x128xi32, #tpu.memory_space<hbm>>
        tpu.wait_dma2 semaphore(%run_scoped3A : memref<!tpu.dma_semaphore, #tpu.memory_space<semaphore_mem>>) src(%dma_wait3A_97 : memref<2x128xi32, #tpu.memory_space<hbm>>) dst(%arg8 : memref<2x128xi32, #tpu.memory_space<vmem>>)
        tpu.yield
      }) : () -> ()
      %dma_start3A = arith.constant 0 : i32
      %dma_start3A_36 = arith.constant 0 : i32
      %dma_start3A_37 = tpu.memref_slice %arg7[%dma_start3A, %dma_start3A_36] : memref<2x128xi32, #tpu.memory_space<vmem>> -> memref<1x128xi32, #tpu.memory_space<vmem>>
      %dma_start3A_38 = tpu.memref_squeeze %dma_start3A_37 : memref<1x128xi32, #tpu.memory_space<vmem>> -> memref<128xi32, #tpu.memory_space<vmem>>
      %dma_start3A_39 = arith.constant 0 : i32
      %dma_start3A_40 = arith.constant 0 : i32
      %dma_start3A_41 = tpu.memref_slice %arg2[%dma_start3A_39, %dma_start3A_40] : memref<10240x128xf32, #tpu.memory_space<hbm>> -> memref<10240x128xf32, #tpu.memory_space<hbm>>
      tpu.enqueue_indirect_dma source(%dma_start3A_41 : memref<10240x128xf32, #tpu.memory_space<hbm>>) target(%arg9 : memref<128x128xf32, #tpu.memory_space<vmem>>) offsets(%dma_start3A_38 : memref<128xi32, #tpu.memory_space<vmem>>) semaphore(%arg12 : memref<!tpu.dma_semaphore, #tpu.memory_space<semaphore_mem>>)
      %dma_start3A_42 = arith.constant 1 : i32
      %dma_start3A_43 = arith.constant 0 : i32
      %dma_start3A_44 = tpu.memref_slice %arg7[%dma_start3A_42, %dma_start3A_43] : memref<2x128xi32, #tpu.memory_space<vmem>> -> memref<1x128xi32, #tpu.memory_space<vmem>>
      %dma_start3A_45 = tpu.memref_squeeze %dma_start3A_44 : memref<1x128xi32, #tpu.memory_space<vmem>> -> memref<128xi32, #tpu.memory_space<vmem>>
      %dma_start3A_46 = arith.constant 0 : i32
      %dma_start3A_47 = arith.constant 0 : i32
      %dma_start3A_48 = tpu.memref_slice %arg2[%dma_start3A_46, %dma_start3A_47] : memref<10240x128xf32, #tpu.memory_space<hbm>> -> memref<10240x128xf32, #tpu.memory_space<hbm>>
      tpu.enqueue_indirect_dma source(%dma_start3A_48 : memref<10240x128xf32, #tpu.memory_space<hbm>>) target(%arg10 : memref<128x128xf32, #tpu.memory_space<vmem>>) offsets(%dma_start3A_45 : memref<128xi32, #tpu.memory_space<vmem>>) semaphore(%arg13 : memref<!tpu.dma_semaphore, #tpu.memory_space<semaphore_mem>>)
      %dma_wait3A = arith.constant 0 : i32
      %dma_wait3A_49 = arith.constant 0 : i32
      %dma_wait3A_50 = tpu.memref_slice %arg7[%dma_wait3A, %dma_wait3A_49] : memref<2x128xi32, #tpu.memory_space<vmem>> -> memref<1x128xi32, #tpu.memory_space<vmem>>
      %dma_wait3A_51 = tpu.memref_squeeze %dma_wait3A_50 : memref<1x128xi32, #tpu.memory_space<vmem>> -> memref<128xi32, #tpu.memory_space<vmem>>
      %dma_wait3A_52 = arith.constant 0 : i32
      %dma_wait3A_53 = arith.constant 0 : i32
      %dma_wait3A_54 = tpu.memref_slice %arg2[%dma_wait3A_52, %dma_wait3A_53] : memref<10240x128xf32, #tpu.memory_space<hbm>> -> memref<10240x128xf32, #tpu.memory_space<hbm>>
      tpu.wait_indirect_dma semaphore(%arg12 : memref<!tpu.dma_semaphore, #tpu.memory_space<semaphore_mem>>) src(%dma_wait3A_54 : memref<10240x128xf32, #tpu.memory_space<hbm>>) dst(%arg9 : memref<128x128xf32, #tpu.memory_space<vmem>>)
      %dma_start3A_55 = arith.constant 0 : i32
      %dma_start3A_56 = arith.constant 0 : i32
      %dma_start3A_57 = tpu.memref_slice %arg8[%dma_start3A_55, %dma_start3A_56] : memref<2x128xi32, #tpu.memory_space<vmem>> -> memref<1x128xi32, #tpu.memory_space<vmem>>
      %dma_start3A_58 = tpu.memref_squeeze %dma_start3A_57 : memref<1x128xi32, #tpu.memory_space<vmem>> -> memref<128xi32, #tpu.memory_space<vmem>>
      %dma_start3A_59 = arith.constant 0 : i32
      %dma_start3A_60 = arith.constant 0 : i32
      %dma_start3A_61 = tpu.memref_slice %arg11[%dma_start3A_59, %dma_start3A_60] : memref<10240x128xf32, #tpu.memory_space<vmem_shared>> -> memref<10240x128xf32, #tpu.memory_space<vmem_shared>>
      tpu.enqueue_indirect_dma source(%arg9 : memref<128x128xf32, #tpu.memory_space<vmem>>) target(%dma_start3A_61 : memref<10240x128xf32, #tpu.memory_space<vmem_shared>>) offsets(%dma_start3A_58 : memref<128xi32, #tpu.memory_space<vmem>>) semaphore(%arg14 : memref<!tpu.dma_semaphore, #tpu.memory_space<semaphore_mem>>) {add = true}
      %dma_wait3A_62 = arith.constant 1 : i32
      %dma_wait3A_63 = arith.constant 0 : i32
      %dma_wait3A_64 = tpu.memref_slice %arg7[%dma_wait3A_62, %dma_wait3A_63] : memref<2x128xi32, #tpu.memory_space<vmem>> -> memref<1x128xi32, #tpu.memory_space<vmem>>
      %dma_wait3A_65 = tpu.memref_squeeze %dma_wait3A_64 : memref<1x128xi32, #tpu.memory_space<vmem>> -> memref<128xi32, #tpu.memory_space<vmem>>
      %dma_wait3A_66 = arith.constant 0 : i32
      %dma_wait3A_67 = arith.constant 0 : i32
      %dma_wait3A_68 = tpu.memref_slice %arg2[%dma_wait3A_66, %dma_wait3A_67] : memref<10240x128xf32, #tpu.memory_space<hbm>> -> memref<10240x128xf32, #tpu.memory_space<hbm>>
      tpu.wait_indirect_dma semaphore(%arg13 : memref<!tpu.dma_semaphore, #tpu.memory_space<semaphore_mem>>) src(%dma_wait3A_68 : memref<10240x128xf32, #tpu.memory_space<hbm>>) dst(%arg10 : memref<128x128xf32, #tpu.memory_space<vmem>>)
      %dma_start3A_69 = arith.constant 1 : i32
      %dma_start3A_70 = arith.constant 0 : i32
      %dma_start3A_71 = tpu.memref_slice %arg8[%dma_start3A_69, %dma_start3A_70] : memref<2x128xi32, #tpu.memory_space<vmem>> -> memref<1x128xi32, #tpu.memory_space<vmem>>
      %dma_start3A_72 = tpu.memref_squeeze %dma_start3A_71 : memref<1x128xi32, #tpu.memory_space<vmem>> -> memref<128xi32, #tpu.memory_space<vmem>>
      %dma_start3A_73 = arith.constant 0 : i32
      %dma_start3A_74 = arith.constant 0 : i32
      %dma_start3A_75 = tpu.memref_slice %arg11[%dma_start3A_73, %dma_start3A_74] : memref<10240x128xf32, #tpu.memory_space<vmem_shared>> -> memref<10240x128xf32, #tpu.memory_space<vmem_shared>>
      tpu.enqueue_indirect_dma source(%arg10 : memref<128x128xf32, #tpu.memory_space<vmem>>) target(%dma_start3A_75 : memref<10240x128xf32, #tpu.memory_space<vmem_shared>>) offsets(%dma_start3A_72 : memref<128xi32, #tpu.memory_space<vmem>>) semaphore(%arg15 : memref<!tpu.dma_semaphore, #tpu.memory_space<semaphore_mem>>) {add = true}
      %dma_wait3A_76 = arith.constant 0 : i32
      %dma_wait3A_77 = arith.constant 0 : i32
      %dma_wait3A_78 = tpu.memref_slice %arg8[%dma_wait3A_76, %dma_wait3A_77] : memref<2x128xi32, #tpu.memory_space<vmem>> -> memref<1x128xi32, #tpu.memory_space<vmem>>
      %dma_wait3A_79 = tpu.memref_squeeze %dma_wait3A_78 : memref<1x128xi32, #tpu.memory_space<vmem>> -> memref<128xi32, #tpu.memory_space<vmem>>
      %dma_wait3A_80 = arith.constant 0 : i32
      %dma_wait3A_81 = arith.constant 0 : i32
      %dma_wait3A_82 = tpu.memref_slice %arg11[%dma_wait3A_80, %dma_wait3A_81] : memref<10240x128xf32, #tpu.memory_space<vmem_shared>> -> memref<10240x128xf32, #tpu.memory_space<vmem_shared>>
      tpu.wait_indirect_dma semaphore(%arg14 : memref<!tpu.dma_semaphore, #tpu.memory_space<semaphore_mem>>) src(%arg9 : memref<128x128xf32, #tpu.memory_space<vmem>>) dst(%dma_wait3A_82 : memref<10240x128xf32, #tpu.memory_space<vmem_shared>>)
      %dma_wait3A_83 = arith.constant 1 : i32
      %dma_wait3A_84 = arith.constant 0 : i32
      %dma_wait3A_85 = tpu.memref_slice %arg8[%dma_wait3A_83, %dma_wait3A_84] : memref<2x128xi32, #tpu.memory_space<vmem>> -> memref<1x128xi32, #tpu.memory_space<vmem>>
      %dma_wait3A_86 = tpu.memref_squeeze %dma_wait3A_85 : memref<1x128xi32, #tpu.memory_space<vmem>> -> memref<128xi32, #tpu.memory_space<vmem>>
      %dma_wait3A_87 = arith.constant 0 : i32
      %dma_wait3A_88 = arith.constant 0 : i32
      %dma_wait3A_89 = tpu.memref_slice %arg11[%dma_wait3A_87, %dma_wait3A_88] : memref<10240x128xf32, #tpu.memory_space<vmem_shared>> -> memref<10240x128xf32, #tpu.memory_space<vmem_shared>>
      tpu.wait_indirect_dma semaphore(%arg15 : memref<!tpu.dma_semaphore, #tpu.memory_space<semaphore_mem>>) src(%arg10 : memref<128x128xf32, #tpu.memory_space<vmem>>) dst(%dma_wait3A_89 : memref<10240x128xf32, #tpu.memory_space<vmem_shared>>)
    }
    %scan3A_23 = arith.constant 40 : i32
    %barrier3A_24 = arith.constant 0 : index
    tpu.barrier barrier_id(%barrier3A_24)
    %eq3A = arith.constant 0 : i32
    %eq3A_25 = arith.cmpi eq, %arg0, %eq3A : i32
    %convert_element_type3A = arith.extui %eq3A_25 : i1 to i32
    %cond3A = arith.constant 0 : i32
    %cond3A_26 = arith.cmpi ne, %convert_element_type3A, %cond3A : i32
    scf.if %cond3A_26 {
      "tpu.region"() ({
        %run_scoped3A = tpu.sem_alloc : memref<!tpu.dma_semaphore, #tpu.memory_space<semaphore_mem>>
        %dma_start3A = arith.constant 0 : i32
        %dma_start3A_32 = tpu.memref_slice %arg5[%mul3A_0, %dma_start3A] : memref<10240x128xf32, #tpu.memory_space<hbm>> -> memref<640x128xf32, #tpu.memory_space<hbm>>
        %dma_start3A_33 = arith.constant 0 : i32
        %dma_start3A_34 = tpu.memref_slice %arg11[%mul3A_0, %dma_start3A_33] : memref<10240x128xf32, #tpu.memory_space<vmem_shared>> -> memref<640x128xf32, #tpu.memory_space<vmem_shared>>
        tpu.enqueue_dma source(%dma_start3A_34 : memref<640x128xf32, #tpu.memory_space<vmem_shared>>) target(%dma_start3A_32 : memref<640x128xf32, #tpu.memory_space<hbm>>) target_semaphore(%run_scoped3A : memref<!tpu.dma_semaphore, #tpu.memory_space<semaphore_mem>>)
        %dma_wait3A = arith.constant 0 : i32
        %dma_wait3A_35 = tpu.memref_slice %arg5[%mul3A_0, %dma_wait3A] : memref<10240x128xf32, #tpu.memory_space<hbm>> -> memref<640x128xf32, #tpu.memory_space<hbm>>
        %dma_wait3A_36 = arith.constant 0 : i32
        %dma_wait3A_37 = tpu.memref_slice %arg11[%mul3A_0, %dma_wait3A_36] : memref<10240x128xf32, #tpu.memory_space<vmem_shared>> -> memref<640x128xf32, #tpu.memory_space<vmem_shared>>
        tpu.wait_dma2 semaphore(%run_scoped3A : memref<!tpu.dma_semaphore, #tpu.memory_space<semaphore_mem>>) src(%dma_wait3A_37 : memref<640x128xf32, #tpu.memory_space<vmem_shared>>) dst(%dma_wait3A_35 : memref<640x128xf32, #tpu.memory_space<hbm>>)
        tpu.yield
      }) : () -> ()
    } else {
    }
    %eq3A_27 = arith.constant 1 : i32
    %eq3A_28 = arith.cmpi eq, %arg0, %eq3A_27 : i32
    %convert_element_type3A_29 = arith.extui %eq3A_28 : i1 to i32
    %cond3A_30 = arith.constant 0 : i32
    %cond3A_31 = arith.cmpi ne, %convert_element_type3A_29, %cond3A_30 : i32
    scf.if %cond3A_31 {
      "tpu.region"() ({
        %run_scoped3A = tpu.sem_alloc : memref<!tpu.dma_semaphore, #tpu.memory_space<semaphore_mem>>
        %dma_start3A = arith.constant 0 : i32
        %dma_start3A_32 = tpu.memref_slice %arg6[%mul3A_0, %dma_start3A] : memref<10240x128xf32, #tpu.memory_space<hbm>> -> memref<640x128xf32, #tpu.memory_space<hbm>>
        %dma_start3A_33 = arith.constant 0 : i32
        %dma_start3A_34 = tpu.memref_slice %arg11[%mul3A_0, %dma_start3A_33] : memref<10240x128xf32, #tpu.memory_space<vmem_shared>> -> memref<640x128xf32, #tpu.memory_space<vmem_shared>>
        tpu.enqueue_dma source(%dma_start3A_34 : memref<640x128xf32, #tpu.memory_space<vmem_shared>>) target(%dma_start3A_32 : memref<640x128xf32, #tpu.memory_space<hbm>>) target_semaphore(%run_scoped3A : memref<!tpu.dma_semaphore, #tpu.memory_space<semaphore_mem>>)
        %dma_wait3A = arith.constant 0 : i32
        %dma_wait3A_35 = tpu.memref_slice %arg6[%mul3A_0, %dma_wait3A] : memref<10240x128xf32, #tpu.memory_space<hbm>> -> memref<640x128xf32, #tpu.memory_space<hbm>>
        %dma_wait3A_36 = arith.constant 0 : i32
        %dma_wait3A_37 = tpu.memref_slice %arg11[%mul3A_0, %dma_wait3A_36] : memref<10240x128xf32, #tpu.memory_space<vmem_shared>> -> memref<640x128xf32, #tpu.memory_space<vmem_shared>>
        tpu.wait_dma2 semaphore(%run_scoped3A : memref<!tpu.dma_semaphore, #tpu.memory_space<semaphore_mem>>) src(%dma_wait3A_37 : memref<640x128xf32, #tpu.memory_space<vmem_shared>>) dst(%dma_wait3A_35 : memref<640x128xf32, #tpu.memory_space<hbm>>)
        tpu.yield
      }) : () -> ()
    } else {
    }
    return
  }
}

module attributes {stable_mosaic.version = 14 : i64} {
  func.func @_tcA_body(%arg0: i32, %arg1: memref<1024x16xf32, #tpu.memory_space<vmem>>, %arg2: memref<1024x16xf32, #tpu.memory_space<vmem>>, %arg3: memref<1024x128xf32, #tpu.memory_space<vmem>>, %arg4: memref<1024x128xf32, #tpu.memory_space<vmem>>) attributes {dimension_semantics = [#tpu.dimension_semantics<arbitrary>], iteration_bounds = array<i64: 10>, scalar_prefetch = 0 : i64, scratch_operands = 0 : i64, tpu.core_type = #tpu.core_type<tc>, window_params = [{transform_indices = @transform_0, window_bounds = array<i64: 1024, 16>}, {transform_indices = @transform_1, window_bounds = array<i64: 1024, 16>}, {transform_indices = @transform_2, window_bounds = array<i64: 1024, 128>}, {transform_indices = @transform_3, window_bounds = array<i64: 1024, 128>}]} {
    %get3A = arith.constant 0 : index
    %get3A_0 = arith.constant 0 : index
    %get3A_1 = vector.load %arg1[%get3A, %get3A_0] : memref<1024x16xf32, #tpu.memory_space<vmem>>, vector<1024x16xf32>
    %get3A_2 = arith.constant 0 : index
    %get3A_3 = arith.constant 0 : index
    %get3A_4 = vector.load %arg2[%get3A_2, %get3A_3] : memref<1024x16xf32, #tpu.memory_space<vmem>>, vector<1024x16xf32>
    %slice3A = vector.extract_strided_slice %get3A_1 {offsets = [0, 0], sizes = [1024, 1], strides = [1, 1]} : vector<1024x16xf32> to vector<1024x1xf32>
    %slice3A_5 = vector.extract_strided_slice %get3A_4 {offsets = [0, 0], sizes = [1024, 1], strides = [1, 1]} : vector<1024x16xf32> to vector<1024x1xf32>
    %add3A = arith.addf %slice3A, %slice3A_5 : vector<1024x1xf32>
    %add3A_6 = arith.constant 1.000000e+00 : f32
    %add3A_7 = vector.broadcast %add3A_6 : f32 to vector<1024x1xf32>
    %add3A_8 = arith.addf %add3A, %add3A_7 : vector<1024x1xf32>
    %rsqrt3A = math.rsqrt %add3A_8 : vector<1024x1xf32>
    %get3A_9 = arith.constant 0 : index
    %get3A_10 = arith.constant 0 : index
    %get3A_11 = vector.load %arg3[%get3A_9, %get3A_10] : memref<1024x128xf32, #tpu.memory_space<vmem>>, vector<1024x128xf32>
    %mul3A = vector.broadcast %rsqrt3A : vector<1024x1xf32> to vector<1024x128xf32>
    %mul3A_12 = arith.mulf %mul3A, %get3A_11 : vector<1024x128xf32>
    %swap3A = arith.constant 0 : index
    %swap3A_13 = arith.constant 0 : index
    %swap3A_14 = vector.load %arg4[%swap3A, %swap3A_13] : memref<1024x128xf32, #tpu.memory_space<vmem>>, vector<1024x128xf32>
    tpu.vector_store %arg4[%swap3A, %swap3A_13], %mul3A_12 {strides = array<i32>} : memref<1024x128xf32, #tpu.memory_space<vmem>>, vector<1024x128xf32>,
    return
  }
  func.func @transform_0(%arg0: i32) -> (i32, i32) {
    %c0_i32 = arith.constant 0 : i32
    %c0_i32_0 = arith.constant 0 : i32
    return %arg0, %c0_i32 : i32, i32
  }
  func.func @transform_1(%arg0: i32) -> (i32, i32) {
    %c0_i32 = arith.constant 0 : i32
    %c0_i32_0 = arith.constant 0 : i32
    return %arg0, %c0_i32 : i32, i32
  }
  func.func @transform_2(%arg0: i32) -> (i32, i32) {
    %c0_i32 = arith.constant 0 : i32
    %c0_i32_0 = arith.constant 0 : i32
    return %arg0, %c0_i32 : i32, i32
  }
  func.func @transform_3(%arg0: i32) -> (i32, i32) {
    %c0_i32 = arith.constant 0 : i32
    %c0_i32_0 = arith.constant 0 : i32
    return %arg0, %c0_i32 : i32, i32
  }
}

module attributes {stable_mosaic.version = 14 : i64} {
  func.func @_tcB_body(%arg0: i32, %arg1: memref<1024x16xf32, #tpu.memory_space<vmem>>, %arg2: memref<1024x16xf32, #tpu.memory_space<vmem>>, %arg3: memref<1024x128xf32, #tpu.memory_space<vmem>>, %arg4: memref<1024x128xf32, #tpu.memory_space<vmem>>, %arg5: memref<1024x128xf32, #tpu.memory_space<vmem>>, %arg6: memref<128x256xf32, #tpu.memory_space<vmem>>, %arg7: memref<1x256xf32, #tpu.memory_space<vmem>>, %arg8: memref<1024x128xf32, #tpu.memory_space<vmem>>, %arg9: memref<1024x128xf32, #tpu.memory_space<vmem>>) attributes {dimension_semantics = [#tpu.dimension_semantics<arbitrary>], iteration_bounds = array<i64: 10>, scalar_prefetch = 0 : i64, scratch_operands = 0 : i64, tpu.core_type = #tpu.core_type<tc>, window_params = [{transform_indices = @transform_0, window_bounds = array<i64: 1024, 16>}, {transform_indices = @transform_1, window_bounds = array<i64: 1024, 16>}, {transform_indices = @transform_2, window_bounds = array<i64: 1024, 128>}, {transform_indices = @transform_3, window_bounds = array<i64: 1024, 128>}, {transform_indices = @transform_4, window_bounds = array<i64: 1024, 128>}, {pipeline_mode = #tpu.pipeline_mode<synchronous>, transform_indices = @transform_5, window_bounds = array<i64: 128, 256>}, {pipeline_mode = #tpu.pipeline_mode<synchronous>, transform_indices = @transform_6, window_bounds = array<i64: 1, 256>}, {transform_indices = @transform_7, window_bounds = array<i64: 1024, 128>}, {transform_indices = @transform_8, window_bounds = array<i64: 1024, 128>}]} {
    %get3A = arith.constant 0 : index
    %get3A_0 = arith.constant 0 : index
    %get3A_1 = vector.load %arg1[%get3A, %get3A_0] : memref<1024x16xf32, #tpu.memory_space<vmem>>, vector<1024x16xf32>
    %get3A_2 = arith.constant 0 : index
    %get3A_3 = arith.constant 0 : index
    %get3A_4 = vector.load %arg2[%get3A_2, %get3A_3] : memref<1024x16xf32, #tpu.memory_space<vmem>>, vector<1024x16xf32>
    %slice3A = vector.extract_strided_slice %get3A_1 {offsets = [0, 0], sizes = [1024, 1], strides = [1, 1]} : vector<1024x16xf32> to vector<1024x1xf32>
    %slice3A_5 = vector.extract_strided_slice %get3A_4 {offsets = [0, 0], sizes = [1024, 1], strides = [1, 1]} : vector<1024x16xf32> to vector<1024x1xf32>
    %add3A = arith.addf %slice3A, %slice3A_5 : vector<1024x1xf32>
    %add3A_6 = arith.constant 1.000000e+00 : f32
    %add3A_7 = vector.broadcast %add3A_6 : f32 to vector<1024x1xf32>
    %add3A_8 = arith.addf %add3A, %add3A_7 : vector<1024x1xf32>
    %rsqrt3A = math.rsqrt %add3A_8 : vector<1024x1xf32>
    %get3A_9 = arith.constant 0 : index
    %get3A_10 = arith.constant 0 : index
    %get3A_11 = vector.load %arg3[%get3A_9, %get3A_10] : memref<1024x128xf32, #tpu.memory_space<vmem>>, vector<1024x128xf32>
    %get3A_12 = arith.constant 0 : index
    %get3A_13 = arith.constant 0 : index
    %get3A_14 = vector.load %arg4[%get3A_12, %get3A_13] : memref<1024x128xf32, #tpu.memory_space<vmem>>, vector<1024x128xf32>
    %add3A_15 = arith.addf %get3A_11, %get3A_14 : vector<1024x128xf32>
    %get3A_16 = arith.constant 0 : index
    %get3A_17 = arith.constant 0 : index
    %get3A_18 = vector.load %arg5[%get3A_16, %get3A_17] : memref<1024x128xf32, #tpu.memory_space<vmem>>, vector<1024x128xf32>
    %add3A_19 = arith.addf %add3A_15, %get3A_18 : vector<1024x128xf32>
    %mul3A = vector.broadcast %rsqrt3A : vector<1024x1xf32> to vector<1024x128xf32>
    %mul3A_20 = arith.mulf %mul3A, %add3A_19 : vector<1024x128xf32>
    %get3A_21 = arith.constant 0 : index
    %get3A_22 = arith.constant 0 : index
    %get3A_23 = vector.load %arg6[%get3A_21, %get3A_22] : memref<128x256xf32, #tpu.memory_space<vmem>>, vector<128x256xf32>
    %dot_general3A = arith.constant dense<0.000000e+00> : vector<1024x256xf32>
    %dot_general3A_24 = tpu.matmul %mul3A_20, %get3A_23, %dot_general3A {dimension_numbers = #tpu.dot_dimension_numbers<[1], [0], [0], [1], [0, 0, 1, 1], [], []>, transpose_lhs_hint = false} : vector<1024x128xf32>, vector<128x256xf32>, vector<1024x256xf32> -> vector<1024x256xf32>
    %get3A_25 = arith.constant 0 : index
    %get3A_26 = arith.constant 0 : index
    %get3A_27 = vector.load %arg7[%get3A_25, %get3A_26] : memref<1x256xf32, #tpu.memory_space<vmem>>, vector<1x256xf32>
    %add3A_28 = vector.broadcast %get3A_27 : vector<1x256xf32> to vector<1024x256xf32>
    %add3A_29 = arith.addf %dot_general3A_24, %add3A_28 : vector<1024x256xf32>
    %max3A = arith.constant 0.000000e+00 : f32
    %max3A_30 = vector.broadcast %max3A : f32 to vector<1024x256xf32>
    %max3A_31 = arith.maximumf %add3A_29, %max3A_30 : vector<1024x256xf32>
    %mul3A_32 = vector.broadcast %rsqrt3A : vector<1024x1xf32> to vector<1024x256xf32>
    %mul3A_33 = arith.mulf %mul3A_32, %max3A_31 : vector<1024x256xf32>
    %slice3A_34 = vector.extract_strided_slice %mul3A_33 {offsets = [0, 0], sizes = [1024, 128], strides = [1, 1]} : vector<1024x256xf32> to vector<1024x128xf32>
    %swap3A = arith.constant 0 : index
    %swap3A_35 = arith.constant 0 : index
    %swap3A_36 = vector.load %arg8[%swap3A, %swap3A_35] : memref<1024x128xf32, #tpu.memory_space<vmem>>, vector<1024x128xf32>
    tpu.vector_store %arg8[%swap3A, %swap3A_35], %slice3A_34 {strides = array<i32>} : memref<1024x128xf32, #tpu.memory_space<vmem>>, vector<1024x128xf32>,
    %slice3A_37 = vector.extract_strided_slice %mul3A_33 {offsets = [0, 128], sizes = [1024, 128], strides = [1, 1]} : vector<1024x256xf32> to vector<1024x128xf32>
    %swap3A_38 = arith.constant 0 : index
    %swap3A_39 = arith.constant 0 : index
    %swap3A_40 = vector.load %arg9[%swap3A_38, %swap3A_39] : memref<1024x128xf32, #tpu.memory_space<vmem>>, vector<1024x128xf32>
    tpu.vector_store %arg9[%swap3A_38, %swap3A_39], %slice3A_37 {strides = array<i32>} : memref<1024x128xf32, #tpu.memory_space<vmem>>, vector<1024x128xf32>,
    return
  }
  func.func @transform_0(%arg0: i32) -> (i32, i32) {
    %c0_i32 = arith.constant 0 : i32
    %c0_i32_0 = arith.constant 0 : i32
    return %arg0, %c0_i32 : i32, i32
  }
  func.func @transform_1(%arg0: i32) -> (i32, i32) {
    %c0_i32 = arith.constant 0 : i32
    %c0_i32_0 = arith.constant 0 : i32
    return %arg0, %c0_i32 : i32, i32
  }
  func.func @transform_2(%arg0: i32) -> (i32, i32) {
    %c0_i32 = arith.constant 0 : i32
    %c0_i32_0 = arith.constant 0 : i32
    return %arg0, %c0_i32 : i32, i32
  }
  func.func @transform_3(%arg0: i32) -> (i32, i32) {
    %c0_i32 = arith.constant 0 : i32
    %c0_i32_0 = arith.constant 0 : i32
    return %arg0, %c0_i32 : i32, i32
  }
  func.func @transform_4(%arg0: i32) -> (i32, i32) {
    %c0_i32 = arith.constant 0 : i32
    %c0_i32_0 = arith.constant 0 : i32
    return %arg0, %c0_i32 : i32, i32
  }
  func.func @transform_5(%arg0: i32) -> (i32, i32) {
    %c0_i32 = arith.constant 0 : i32
    %c0_i32_0 = arith.constant 0 : i32
    %c0_i32_1 = arith.constant 0 : i32
    return %c0_i32, %c0_i32_0 : i32, i32
  }
  func.func @transform_6(%arg0: i32) -> (i32, i32) {
    %c0_i32 = arith.constant 0 : i32
    %c0_i32_0 = arith.constant 0 : i32
    %c0_i32_1 = arith.constant 0 : i32
    return %c0_i32, %c0_i32_0 : i32, i32
  }
  func.func @transform_7(%arg0: i32) -> (i32, i32) {
    %c0_i32 = arith.constant 0 : i32
    %c0_i32_0 = arith.constant 0 : i32
    return %arg0, %c0_i32 : i32, i32
  }
  func.func @transform_8(%arg0: i32) -> (i32, i32) {
    %c0_i32 = arith.constant 0 : i32
    %c0_i32_0 = arith.constant 0 : i32
    return %arg0, %c0_i32 : i32, i32
  }
}

module attributes {stable_mosaic.version = 14 : i64} {
  func.func @_tcC_body(%arg0: i32, %arg1: memref<1024x16xf32, #tpu.memory_space<vmem>>, %arg2: memref<1024x16xf32, #tpu.memory_space<vmem>>, %arg3: memref<1024x128xf32, #tpu.memory_space<vmem>>, %arg4: memref<1024x128xf32, #tpu.memory_space<vmem>>, %arg5: memref<1024x128xf32, #tpu.memory_space<vmem>>, %arg6: memref<1024x128xf32, #tpu.memory_space<vmem>>, %arg7: memref<256x256xf32, #tpu.memory_space<vmem>>, %arg8: memref<1x256xf32, #tpu.memory_space<vmem>>, %arg9: memref<256x64xf32, #tpu.memory_space<vmem>>, %arg10: memref<1024x64xf32, #tpu.memory_space<vmem>>) attributes {dimension_semantics = [#tpu.dimension_semantics<arbitrary>], iteration_bounds = array<i64: 10>, scalar_prefetch = 0 : i64, scratch_operands = 0 : i64, tpu.core_type = #tpu.core_type<tc>, window_params = [{transform_indices = @transform_0, window_bounds = array<i64: 1024, 16>}, {transform_indices = @transform_1, window_bounds = array<i64: 1024, 16>}, {transform_indices = @transform_2, window_bounds = array<i64: 1024, 128>}, {transform_indices = @transform_3, window_bounds = array<i64: 1024, 128>}, {transform_indices = @transform_4, window_bounds = array<i64: 1024, 128>}, {transform_indices = @transform_5, window_bounds = array<i64: 1024, 128>}, {pipeline_mode = #tpu.pipeline_mode<synchronous>, transform_indices = @transform_6, window_bounds = array<i64: 256, 256>}, {pipeline_mode = #tpu.pipeline_mode<synchronous>, transform_indices = @transform_7, window_bounds = array<i64: 1, 256>}, {pipeline_mode = #tpu.pipeline_mode<synchronous>, transform_indices = @transform_8, window_bounds = array<i64: 256, 64>}, {transform_indices = @transform_9, window_bounds = array<i64: 1024, 64>}]} {
    %get3A = arith.constant 0 : index
    %get3A_0 = arith.constant 0 : index
    %get3A_1 = vector.load %arg1[%get3A, %get3A_0] : memref<1024x16xf32, #tpu.memory_space<vmem>>, vector<1024x16xf32>
    %get3A_2 = arith.constant 0 : index
    %get3A_3 = arith.constant 0 : index
    %get3A_4 = vector.load %arg2[%get3A_2, %get3A_3] : memref<1024x16xf32, #tpu.memory_space<vmem>>, vector<1024x16xf32>
    %slice3A = vector.extract_strided_slice %get3A_1 {offsets = [0, 0], sizes = [1024, 1], strides = [1, 1]} : vector<1024x16xf32> to vector<1024x1xf32>
    %slice3A_5 = vector.extract_strided_slice %get3A_4 {offsets = [0, 0], sizes = [1024, 1], strides = [1, 1]} : vector<1024x16xf32> to vector<1024x1xf32>
    %add3A = arith.addf %slice3A, %slice3A_5 : vector<1024x1xf32>
    %add3A_6 = arith.constant 1.000000e+00 : f32
    %add3A_7 = vector.broadcast %add3A_6 : f32 to vector<1024x1xf32>
    %add3A_8 = arith.addf %add3A, %add3A_7 : vector<1024x1xf32>
    %rsqrt3A = math.rsqrt %add3A_8 : vector<1024x1xf32>
    %get3A_9 = arith.constant 0 : index
    %get3A_10 = arith.constant 0 : index
    %get3A_11 = vector.load %arg3[%get3A_9, %get3A_10] : memref<1024x128xf32, #tpu.memory_space<vmem>>, vector<1024x128xf32>
    %get3A_12 = arith.constant 0 : index
    %get3A_13 = arith.constant 0 : index
    %get3A_14 = vector.load %arg4[%get3A_12, %get3A_13] : memref<1024x128xf32, #tpu.memory_space<vmem>>, vector<1024x128xf32>
    %concatenate3A = tpu.concatenate %get3A_11, %get3A_14 in 1 : vector<1024x128xf32>, vector<1024x128xf32> -> vector<1024x256xf32>
    %get3A_15 = arith.constant 0 : index
    %get3A_16 = arith.constant 0 : index
    %get3A_17 = vector.load %arg5[%get3A_15, %get3A_16] : memref<1024x128xf32, #tpu.memory_space<vmem>>, vector<1024x128xf32>
    %get3A_18 = arith.constant 0 : index
    %get3A_19 = arith.constant 0 : index
    %get3A_20 = vector.load %arg6[%get3A_18, %get3A_19] : memref<1024x128xf32, #tpu.memory_space<vmem>>, vector<1024x128xf32>
    %concatenate3A_21 = tpu.concatenate %get3A_17, %get3A_20 in 1 : vector<1024x128xf32>, vector<1024x128xf32> -> vector<1024x256xf32>
    %add3A_22 = arith.addf %concatenate3A, %concatenate3A_21 : vector<1024x256xf32>
    %mul3A = vector.broadcast %rsqrt3A : vector<1024x1xf32> to vector<1024x256xf32>
    %mul3A_23 = arith.mulf %mul3A, %add3A_22 : vector<1024x256xf32>
    %get3A_24 = arith.constant 0 : index
    %get3A_25 = arith.constant 0 : index
    %get3A_26 = vector.load %arg7[%get3A_24, %get3A_25] : memref<256x256xf32, #tpu.memory_space<vmem>>, vector<256x256xf32>
    %dot_general3A = arith.constant dense<0.000000e+00> : vector<1024x256xf32>
    %dot_general3A_27 = tpu.matmul %mul3A_23, %get3A_26, %dot_general3A {dimension_numbers = #tpu.dot_dimension_numbers<[1], [0], [0], [1], [0, 0, 1, 1], [], []>, transpose_lhs_hint = false} : vector<1024x256xf32>, vector<256x256xf32>, vector<1024x256xf32> -> vector<1024x256xf32>
    %get3A_28 = arith.constant 0 : index
    %get3A_29 = arith.constant 0 : index
    %get3A_30 = vector.load %arg8[%get3A_28, %get3A_29] : memref<1x256xf32, #tpu.memory_space<vmem>>, vector<1x256xf32>
    %add3A_31 = vector.broadcast %get3A_30 : vector<1x256xf32> to vector<1024x256xf32>
    %add3A_32 = arith.addf %dot_general3A_27, %add3A_31 : vector<1024x256xf32>
    %max3A = arith.constant 0.000000e+00 : f32
    %max3A_33 = vector.broadcast %max3A : f32 to vector<1024x256xf32>
    %max3A_34 = arith.maximumf %add3A_32, %max3A_33 : vector<1024x256xf32>
    %get3A_35 = arith.constant 0 : index
    %get3A_36 = arith.constant 0 : index
    %get3A_37 = vector.load %arg9[%get3A_35, %get3A_36] : memref<256x64xf32, #tpu.memory_space<vmem>>, vector<256x64xf32>
    %dot_general3A_38 = arith.constant dense<0.000000e+00> : vector<1024x64xf32>
    %dot_general3A_39 = tpu.matmul %max3A_34, %get3A_37, %dot_general3A_38 {dimension_numbers = #tpu.dot_dimension_numbers<[1], [0], [0], [1], [0, 0, 1, 1], [], []>, transpose_lhs_hint = false} : vector<1024x256xf32>, vector<256x64xf32>, vector<1024x64xf32> -> vector<1024x64xf32>
    %mul3A_40 = vector.broadcast %rsqrt3A : vector<1024x1xf32> to vector<1024x64xf32>
    %mul3A_41 = arith.mulf %mul3A_40, %dot_general3A_39 : vector<1024x64xf32>
    %swap3A = arith.constant 0 : index
    %swap3A_42 = arith.constant 0 : index
    %swap3A_43 = vector.load %arg10[%swap3A, %swap3A_42] : memref<1024x64xf32, #tpu.memory_space<vmem>>, vector<1024x64xf32>
    tpu.vector_store %arg10[%swap3A, %swap3A_42], %mul3A_41 {strides = array<i32>} : memref<1024x64xf32, #tpu.memory_space<vmem>>, vector<1024x64xf32>,
    return
  }
  func.func @transform_0(%arg0: i32) -> (i32, i32) {
    %c0_i32 = arith.constant 0 : i32
    %c0_i32_0 = arith.constant 0 : i32
    return %arg0, %c0_i32 : i32, i32
  }
  func.func @transform_1(%arg0: i32) -> (i32, i32) {
    %c0_i32 = arith.constant 0 : i32
    %c0_i32_0 = arith.constant 0 : i32
    return %arg0, %c0_i32 : i32, i32
  }
  func.func @transform_2(%arg0: i32) -> (i32, i32) {
    %c0_i32 = arith.constant 0 : i32
    %c0_i32_0 = arith.constant 0 : i32
    return %arg0, %c0_i32 : i32, i32
  }
  func.func @transform_3(%arg0: i32) -> (i32, i32) {
    %c0_i32 = arith.constant 0 : i32
    %c0_i32_0 = arith.constant 0 : i32
    return %arg0, %c0_i32 : i32, i32
  }
  func.func @transform_4(%arg0: i32) -> (i32, i32) {
    %c0_i32 = arith.constant 0 : i32
    %c0_i32_0 = arith.constant 0 : i32
    return %arg0, %c0_i32 : i32, i32
  }
  func.func @transform_5(%arg0: i32) -> (i32, i32) {
    %c0_i32 = arith.constant 0 : i32
    %c0_i32_0 = arith.constant 0 : i32
    return %arg0, %c0_i32 : i32, i32
  }
  func.func @transform_6(%arg0: i32) -> (i32, i32) {
    %c0_i32 = arith.constant 0 : i32
    %c0_i32_0 = arith.constant 0 : i32
    %c0_i32_1 = arith.constant 0 : i32
    return %c0_i32, %c0_i32_0 : i32, i32
  }
  func.func @transform_7(%arg0: i32) -> (i32, i32) {
    %c0_i32 = arith.constant 0 : i32
    %c0_i32_0 = arith.constant 0 : i32
    %c0_i32_1 = arith.constant 0 : i32
    return %c0_i32, %c0_i32_0 : i32, i32
  }
  func.func @transform_8(%arg0: i32) -> (i32, i32) {
    %c0_i32 = arith.constant 0 : i32
    %c0_i32_0 = arith.constant 0 : i32
    %c0_i32_1 = arith.constant 0 : i32
    return %c0_i32, %c0_i32_0 : i32, i32
  }
  func.func @transform_9(%arg0: i32) -> (i32, i32) {
    %c0_i32 = arith.constant 0 : i32
    %c0_i32_0 = arith.constant 0 : i32
    return %arg0, %c0_i32 : i32, i32
  }
}

module attributes {stable_mosaic.version = 14 : i64} {
  func.func @_tcD_body(%arg0: i32, %arg1: memref<1024x16xf32, #tpu.memory_space<vmem>>, %arg2: memref<1024x16xf32, #tpu.memory_space<vmem>>, %arg3: memref<1024x64xf32, #tpu.memory_space<vmem>>, %arg4: memref<1024x64xf32, #tpu.memory_space<vmem>>, %arg5: memref<1024x64xf32, #tpu.memory_space<vmem>>, %arg6: memref<1x64xf32, #tpu.memory_space<vmem>>, %arg7: memref<1024x32xf32, #tpu.memory_space<vmem>>, %arg8: memref<32x32xf32, #tpu.memory_space<vmem>>, %arg9: memref<1024x32xf32, #tpu.memory_space<vmem>>, %arg10: memref<1024x32xf32, #tpu.memory_space<vmem>>) attributes {dimension_semantics = [#tpu.dimension_semantics<arbitrary>], iteration_bounds = array<i64: 10>, scalar_prefetch = 0 : i64, scratch_operands = 0 : i64, tpu.core_type = #tpu.core_type<tc>, window_params = [{transform_indices = @transform_0, window_bounds = array<i64: 1024, 16>}, {transform_indices = @transform_1, window_bounds = array<i64: 1024, 16>}, {transform_indices = @transform_2, window_bounds = array<i64: 1024, 64>}, {transform_indices = @transform_3, window_bounds = array<i64: 1024, 64>}, {transform_indices = @transform_4, window_bounds = array<i64: 1024, 64>}, {pipeline_mode = #tpu.pipeline_mode<synchronous>, transform_indices = @transform_5, window_bounds = array<i64: 1, 64>}, {transform_indices = @transform_6, window_bounds = array<i64: 1024, 32>}, {pipeline_mode = #tpu.pipeline_mode<synchronous>, transform_indices = @transform_7, window_bounds = array<i64: 32, 32>}, {transform_indices = @transform_8, window_bounds = array<i64: 1024, 32>}, {transform_indices = @transform_9, window_bounds = array<i64: 1024, 32>}]} {
    %get3A = arith.constant 0 : index
    %get3A_0 = arith.constant 0 : index
    %get3A_1 = vector.load %arg1[%get3A, %get3A_0] : memref<1024x16xf32, #tpu.memory_space<vmem>>, vector<1024x16xf32>
    %get3A_2 = arith.constant 0 : index
    %get3A_3 = arith.constant 0 : index
    %get3A_4 = vector.load %arg2[%get3A_2, %get3A_3] : memref<1024x16xf32, #tpu.memory_space<vmem>>, vector<1024x16xf32>
    %slice3A = vector.extract_strided_slice %get3A_1 {offsets = [0, 0], sizes = [1024, 1], strides = [1, 1]} : vector<1024x16xf32> to vector<1024x1xf32>
    %slice3A_5 = vector.extract_strided_slice %get3A_4 {offsets = [0, 0], sizes = [1024, 1], strides = [1, 1]} : vector<1024x16xf32> to vector<1024x1xf32>
    %add3A = arith.addf %slice3A, %slice3A_5 : vector<1024x1xf32>
    %add3A_6 = arith.constant 1.000000e+00 : f32
    %add3A_7 = vector.broadcast %add3A_6 : f32 to vector<1024x1xf32>
    %add3A_8 = arith.addf %add3A, %add3A_7 : vector<1024x1xf32>
    %rsqrt3A = math.rsqrt %add3A_8 : vector<1024x1xf32>
    %get3A_9 = arith.constant 0 : index
    %get3A_10 = arith.constant 0 : index
    %get3A_11 = vector.load %arg3[%get3A_9, %get3A_10] : memref<1024x64xf32, #tpu.memory_space<vmem>>, vector<1024x64xf32>
    %get3A_12 = arith.constant 0 : index
    %get3A_13 = arith.constant 0 : index
    %get3A_14 = vector.load %arg4[%get3A_12, %get3A_13] : memref<1024x64xf32, #tpu.memory_space<vmem>>, vector<1024x64xf32>
    %add3A_15 = arith.addf %get3A_11, %get3A_14 : vector<1024x64xf32>
    %get3A_16 = arith.constant 0 : index
    %get3A_17 = arith.constant 0 : index
    %get3A_18 = vector.load %arg5[%get3A_16, %get3A_17] : memref<1024x64xf32, #tpu.memory_space<vmem>>, vector<1024x64xf32>
    %add3A_19 = arith.addf %add3A_15, %get3A_18 : vector<1024x64xf32>
    %mul3A = vector.broadcast %rsqrt3A : vector<1024x1xf32> to vector<1024x64xf32>
    %mul3A_20 = arith.mulf %mul3A, %add3A_19 : vector<1024x64xf32>
    %get3A_21 = arith.constant 0 : index
    %get3A_22 = arith.constant 0 : index
    %get3A_23 = vector.load %arg6[%get3A_21, %get3A_22] : memref<1x64xf32, #tpu.memory_space<vmem>>, vector<1x64xf32>
    %add3A_24 = vector.broadcast %get3A_23 : vector<1x64xf32> to vector<1024x64xf32>
    %add3A_25 = arith.addf %mul3A_20, %add3A_24 : vector<1024x64xf32>
    %slice3A_26 = vector.extract_strided_slice %add3A_25 {offsets = [0, 0], sizes = [1024, 32], strides = [1, 1]} : vector<1024x64xf32> to vector<1024x32xf32>
    %slice3A_27 = vector.extract_strided_slice %add3A_25 {offsets = [0, 32], sizes = [1024, 32], strides = [1, 1]} : vector<1024x64xf32> to vector<1024x32xf32>
    %mul3A_28 = arith.constant 5.000000e-01 : f32
    %mul3A_29 = vector.broadcast %mul3A_28 : f32 to vector<1024x32xf32>
    %mul3A_30 = arith.mulf %mul3A_29, %slice3A_27 : vector<1024x32xf32>
    %exp3A = math.exp %mul3A_30 : vector<1024x32xf32>
    %get3A_31 = arith.constant 0 : index
    %get3A_32 = arith.constant 0 : index
    %get3A_33 = vector.load %arg7[%get3A_31, %get3A_32] : memref<1024x32xf32, #tpu.memory_space<vmem>>, vector<1024x32xf32>
    %mul3A_34 = arith.mulf %exp3A, %get3A_33 : vector<1024x32xf32>
    %add3A_35 = arith.addf %slice3A_26, %mul3A_34 : vector<1024x32xf32>
    %swap3A = arith.constant 0 : index
    %swap3A_36 = arith.constant 0 : index
    %swap3A_37 = vector.load %arg9[%swap3A, %swap3A_36] : memref<1024x32xf32, #tpu.memory_space<vmem>>, vector<1024x32xf32>
    tpu.vector_store %arg9[%swap3A, %swap3A_36], %add3A_35 {strides = array<i32>} : memref<1024x32xf32, #tpu.memory_space<vmem>>, vector<1024x32xf32>,
    %get3A_38 = arith.constant 0 : index
    %get3A_39 = arith.constant 0 : index
    %get3A_40 = vector.load %arg8[%get3A_38, %get3A_39] : memref<32x32xf32, #tpu.memory_space<vmem>>, vector<32x32xf32>
    %dot_general3A = arith.constant dense<0.000000e+00> : vector<1024x32xf32>
    %dot_general3A_41 = tpu.matmul %add3A_35, %get3A_40, %dot_general3A {dimension_numbers = #tpu.dot_dimension_numbers<[1], [0], [0], [1], [0, 0, 1, 1], [], []>, transpose_lhs_hint = false} : vector<1024x32xf32>, vector<32x32xf32>, vector<1024x32xf32> -> vector<1024x32xf32>
    %swap3A_42 = arith.constant 0 : index
    %swap3A_43 = arith.constant 0 : index
    %swap3A_44 = vector.load %arg10[%swap3A_42, %swap3A_43] : memref<1024x32xf32, #tpu.memory_space<vmem>>, vector<1024x32xf32>
    tpu.vector_store %arg10[%swap3A_42, %swap3A_43], %dot_general3A_41 {strides = array<i32>} : memref<1024x32xf32, #tpu.memory_space<vmem>>, vector<1024x32xf32>,
    return
  }
  func.func @transform_0(%arg0: i32) -> (i32, i32) {
    %c0_i32 = arith.constant 0 : i32
    %c0_i32_0 = arith.constant 0 : i32
    return %arg0, %c0_i32 : i32, i32
  }
  func.func @transform_1(%arg0: i32) -> (i32, i32) {
    %c0_i32 = arith.constant 0 : i32
    %c0_i32_0 = arith.constant 0 : i32
    return %arg0, %c0_i32 : i32, i32
  }
  func.func @transform_2(%arg0: i32) -> (i32, i32) {
    %c0_i32 = arith.constant 0 : i32
    %c0_i32_0 = arith.constant 0 : i32
    return %arg0, %c0_i32 : i32, i32
  }
  func.func @transform_3(%arg0: i32) -> (i32, i32) {
    %c0_i32 = arith.constant 0 : i32
    %c0_i32_0 = arith.constant 0 : i32
    return %arg0, %c0_i32 : i32, i32
  }
  func.func @transform_4(%arg0: i32) -> (i32, i32) {
    %c0_i32 = arith.constant 0 : i32
    %c0_i32_0 = arith.constant 0 : i32
    return %arg0, %c0_i32 : i32, i32
  }
  func.func @transform_5(%arg0: i32) -> (i32, i32) {
    %c0_i32 = arith.constant 0 : i32
    %c0_i32_0 = arith.constant 0 : i32
    %c0_i32_1 = arith.constant 0 : i32
    return %c0_i32, %c0_i32_0 : i32, i32
  }
  func.func @transform_6(%arg0: i32) -> (i32, i32) {
    %c0_i32 = arith.constant 0 : i32
    %c0_i32_0 = arith.constant 0 : i32
    return %arg0, %c0_i32 : i32, i32
  }
  func.func @transform_7(%arg0: i32) -> (i32, i32) {
    %c0_i32 = arith.constant 0 : i32
    %c0_i32_0 = arith.constant 0 : i32
    %c0_i32_1 = arith.constant 0 : i32
    return %c0_i32, %c0_i32_0 : i32, i32
  }
  func.func @transform_8(%arg0: i32) -> (i32, i32) {
    %c0_i32 = arith.constant 0 : i32
    %c0_i32_0 = arith.constant 0 : i32
    return %arg0, %c0_i32 : i32, i32
  }
  func.func @transform_9(%arg0: i32) -> (i32, i32) {
    %c0_i32 = arith.constant 0 : i32
    %c0_i32_0 = arith.constant 0 : i32
    return %arg0, %c0_i32 : i32, i32
  }
}

module attributes {stable_mosaic.version = 14 : i64} {
  func.func @_tcE_body(%arg0: i32, %arg1: i32, %arg2: memref<512x32xf32, #tpu.memory_space<vmem>>, %arg3: memref<1024x32xf32, #tpu.memory_space<vmem>>, %arg4: memref<512x1024xf32, #tpu.memory_space<vmem>>) attributes {dimension_semantics = [#tpu.dimension_semantics<arbitrary>, #tpu.dimension_semantics<arbitrary>], iteration_bounds = array<i64: 20, 10>, scalar_prefetch = 0 : i64, scratch_operands = 0 : i64, tpu.core_type = #tpu.core_type<tc>, window_params = [{transform_indices = @transform_0, window_bounds = array<i64: 512, 32>}, {transform_indices = @transform_1, window_bounds = array<i64: 1024, 32>}, {transform_indices = @transform_2, window_bounds = array<i64: 512, 1024>}]} {
    %get3A = arith.constant 0 : index
    %get3A_0 = arith.constant 0 : index
    %get3A_1 = vector.load %arg2[%get3A, %get3A_0] : memref<512x32xf32, #tpu.memory_space<vmem>>, vector<512x32xf32>
    %get3A_2 = arith.constant 0 : index
    %get3A_3 = arith.constant 0 : index
    %get3A_4 = vector.load %arg3[%get3A_2, %get3A_3] : memref<1024x32xf32, #tpu.memory_space<vmem>>, vector<1024x32xf32>
    %dot_general3A = arith.constant dense<0.000000e+00> : vector<512x1024xf32>
    %dot_general3A_5 = tpu.matmul %get3A_1, %get3A_4, %dot_general3A {dimension_numbers = #tpu.dot_dimension_numbers<[1], [1], [0], [0], [0, 0, 1, 0], [], []>, transpose_lhs_hint = false} : vector<512x32xf32>, vector<1024x32xf32>, vector<512x1024xf32> -> vector<512x1024xf32>
    %logistic3A = arith.negf %dot_general3A_5 : vector<512x1024xf32>
    %logistic3A_6 = math.exp %logistic3A : vector<512x1024xf32>
    %logistic3A_7 = arith.constant 1.000000e+00 : f32
    %logistic3A_8 = vector.broadcast %logistic3A_7 : f32 to vector<512x1024xf32>
    %logistic3A_9 = arith.addf %logistic3A_8, %logistic3A_6 : vector<512x1024xf32>
    %logistic3A_10 = arith.divf %logistic3A_8, %logistic3A_9 : vector<512x1024xf32>
    %swap3A = arith.constant 0 : index
    %swap3A_11 = arith.constant 0 : index
    %swap3A_12 = vector.load %arg4[%swap3A, %swap3A_11] : memref<512x1024xf32, #tpu.memory_space<vmem>>, vector<512x1024xf32>
    tpu.vector_store %arg4[%swap3A, %swap3A_11], %logistic3A_10 {strides = array<i32>} : memref<512x1024xf32, #tpu.memory_space<vmem>>, vector<512x1024xf32>,
    return
  }
  func.func @transform_0(%arg0: i32, %arg1: i32) -> (i32, i32) {
    %c0_i32 = arith.constant 0 : i32
    %c0_i32_0 = arith.constant 0 : i32
    return %arg0, %c0_i32 : i32, i32
  }
  func.func @transform_1(%arg0: i32, %arg1: i32) -> (i32, i32) {
    %c0_i32 = arith.constant 0 : i32
    %c0_i32_0 = arith.constant 0 : i32
    return %arg1, %c0_i32 : i32, i32
  }
  func.func @transform_2(%arg0: i32, %arg1: i32) -> (i32, i32) {
    %c0_i32 = arith.constant 0 : i32
    return %arg0, %arg1 : i32, i32
  }
}

</mosaic_0001>

<sc_bundles>
// kernel: kernel.11.cloned.1.call-start
scs
__scs_entry_jumppad:
0x0: {  	(pc) =	sbr.rel $0x88, $3  }
0x1: {  	(tag) =	ssettag $0x0;
	lr =	simm.s32 $0x1  }
0x2: {  	[smem:$0x3F96] =	sst lr;
	_ =	strace $0xD0000000  }
0x3: {  	_ = 	snop  }
0x4: {  	_ = 	snop  }
0x5: {  	_ = 	snop  }
0x6: {  	_ = 	snop  }
0x7: {  	_ = 	snop  }
__scs_overlays_trampoline_lowered:
0x8: {  	[smem:$0x3FA5] =	sst s0  }
0x9: {  	[smem:$0x3FA6] =	sst s1  }
0xa: {  	[smem:$0x3FA7] =	sst s2  }
0xb: {  	[smem:$0x3FA8] =	sst s3  }
0xc: {  	[smem:$0x3FA9] =	sst s4  }
0xd: {  	[smem:$0x3FAA] =	sst s5  }
0xe: {  	[smem:$0x3FAB] =	sst s6  }
0xf: {  	[smem:$0x3FAC] =	sst s7  }
0x10: {  	[smem:$0x3FAD] =	sst s8  }
0x11: {  	[smem:$0x3FAE] =	sst s9;
	s0 =	simm.s32 @!p0 $0x0  }
0x12: {  	s1 =	sld [smem:$0x3F94];
	s0 =	simm.s32 @p0 $0x1  }
0x13: {  	[smem:$0x3FAF] =	sst s0;
	s0 =	simm.s32 @!p1 $0x0  }
0x14: {  	s2 =	sld [smem:$0x3F93];
	s0 =	simm.s32 @p1 $0x1  }
0x15: {  	[smem:$0x3FB0] =	sst s0;
	s0 =	simm.s32 @!p2 $0x0  }
0x16: {  	s3 =	sld [smem:$0x3FDB];
	s0 =	simm.s32 @p2 $0x1  }
0x17: {  	s4 =	simm.s32 $0x1BF5;
	[smem:$0x3FB2] =	sst s0  }
0x18: {  	s0 =	sld [smem:$0x3F95];
	_ =	swait.ge [sflag:s4], $0x0  }
0x19: {  	s7 =	sld [smem:$0x3F96]  }
0x1a: {  	s8 =	sadd.s32 $0xFFFFE003, lr  }
0x1b: {  	s9 =	sadd.s32 $0xFFFFFEF7, lr;
	s5 =	simm.s32 $0xFFFFFFFF;
	p2 =	slt.u32 s8, $0xFFFFF086  }
0x1c: {  	p1 =	slt.u32 s9, $0xF7A;
	s5 =	simm.s32 @!p2 $0x0  }
0x1d: {  	s5 =	simm.s32 @p1 $0x1;
	p0 =	seq.s32 s7, s2  }
0x1e: {  	s7 =	smul.u32 @!p0 $0xF7A, s2;
	p2 =	seq.s32 @!p0 s5, $0x0  }
0x1f: {  	s9 =	smul.u32 $0xF7A, s1;
	s8 =	simm.s32 @!p0 $0x1BF5;
	p2 =	por !p2, p0  }
0x20: {  	[sflag:s8] =	ssyncset.s32 @!p0 $0xFFFFF086;
	s6 =	sadd.s32 @!p0 s3, s7;
	s7 =	simm.s32 @!p0 $0x108  }
0x21: {  	s3 =	sadd.s32 s3, s9;
	s6 =	sadd.s32 @!p0 $0x88, s6;
	s7 =	simm.s32 @p2 $0x1082  }
0x22: {  	[simem:s7], [sflag:s8] =	dma.local @!p0 [hbm:s6], $0xF7A  }
0x23: {  	s9 =	sor.u32 $0xD0000000, s2;
	s6 =	simm.s32 $0x108;
	_ =	swait.ge @!p0 [sflag:s8], $0x0  }
0x24: {  	s3 =	sadd.s32 $0x88, s3;
	s6 =	simm.s32 @!p1 $0x1082;
	[sflag:s4] =	ssyncset.s32 $0xFFFFF086  }
0x25: {  	[simem:s6], [sflag:s4] =	dma.local [hbm:s3], $0xF7A  }
0x26: {  	[smem:$0x3F96] =	sst s1;
	(tag) =	ssettag s2;
	_ =	strace s9  }
0x27: {  	s1 =	sld [smem:$0x3FA6]  }
0x28: {  	s2 =	sld [smem:$0x3FA7]  }
0x29: {  	s4 =	sld [smem:$0x3FA9]  }
0x2a: {  	p0 =	seq.s32 s5, $0x0;
	s5 =	sld [smem:$0x3FAA]  }
0x2b: {  	s6 =	sld [smem:$0x3FAB]  }
0x2c: {  	s7 =	sld [smem:$0x3FAC]  }
0x2d: {  	s3 =	simm.s32 $0x108;
	s8 =	sld [smem:$0x3FAD]  }
0x2e: {  	s3 =	simm.s32 @!p0 $0x1082;
	s9 =	sld [smem:$0x3FAE]  }
0x2f: {  	lr =	sadd.s32 s0, s3;
	s0 =	sld [smem:$0x3FA5]  }
0x30: {  	s3 =	sld [smem:$0x3FA8]  }
0x31: {  	[smem:$0x3FB1] =	sst s10  }
0x32: {  	s10 =	sld [smem:$0x3FAF];
	_ =	sdelay $0x3  }
0x33: {  	p0 =	seq.s32 s10, $0x1;
	s10 =	sld [smem:$0x3FB1];
	_ =	sdelay $0x3  }
0x34: {  	[smem:$0x3FB1] =	sst s10  }
0x35: {  	s10 =	sld [smem:$0x3FB0];
	_ =	sdelay $0x3  }
0x36: {  	p1 =	seq.s32 s10, $0x1;
	s10 =	sld [smem:$0x3FB1];
	_ =	sdelay $0x3  }
0x37: {  	[smem:$0x3FB1] =	sst s10  }
0x38: {  	s10 =	sld [smem:$0x3FB2]  }
0x39: {  	_ = 	snop;
	(pc) =	sbr.ind lr, $3  }
0x3a: {  	_ = 	snop  }
0x3b: {  	_ = 	snop  }
0x3c: {  	p2 =	seq.s32 s10, $0x1;
	s10 =	sld [smem:$0x3FB1]  }
0x3d: {  	_ =	shalt  }
0x3e: {  	_ =	shalt  }
0x3f: {  	_ =	shalt  }
0x40: {  	_ =	shalt  }
0x41: {  	_ =	shalt  }
0x42: {  	_ =	shalt  }
0x43: {  	_ =	shalt  }
0x44: {  	_ =	shalt  }
0x45: {  	_ =	shalt  }
0x46: {  	_ =	shalt  }
0x47: {  	_ =	shalt  }
0x48: {  	_ =	shalt  }
0x49: {  	_ =	shalt  }
0x4a: {  	_ =	shalt  }
0x4b: {  	_ =	shalt  }
0x4c: {  	_ =	shalt  }
0x4d: {  	_ =	shalt  }
0x4e: {  	_ =	shalt  }
0x4f: {  	_ =	shalt  }
0x50: {  	_ =	shalt  }
0x51: {  	_ =	shalt  }
0x52: {  	_ =	shalt  }
0x53: {  	_ =	shalt  }
0x54: {  	_ =	shalt  }
0x55: {  	_ =	shalt  }
0x56: {  	_ =	shalt  }
0x57: {  	_ =	shalt  }
0x58: {  	_ =	shalt  }
0x59: {  	_ =	shalt  }
0x5a: {  	_ =	shalt  }
0x5b: {  	_ =	shalt  }
0x5c: {  	_ =	shalt  }
0x5d: {  	_ =	shalt  }
0x5e: {  	_ =	shalt  }
0x5f: {  	_ =	shalt  }
0x60: {  	_ =	shalt  }
0x61: {  	_ =	shalt  }
0x62: {  	_ =	shalt  }
0x63: {  	_ =	shalt  }
0x64: {  	_ =	shalt  }
0x65: {  	_ =	shalt  }
0x66: {  	_ =	shalt  }
0x67: {  	_ =	shalt  }
0x68: {  	_ =	shalt  }
0x69: {  	_ =	shalt  }
0x6a: {  	_ =	shalt  }
0x6b: {  	_ =	shalt  }
0x6c: {  	_ =	shalt  }
0x6d: {  	_ =	shalt  }
0x6e: {  	_ =	shalt  }
0x6f: {  	_ =	shalt  }
0x70: {  	_ =	shalt  }
0x71: {  	_ =	shalt  }
0x72: {  	_ =	shalt  }
0x73: {  	_ =	shalt  }
0x74: {  	_ =	shalt  }
0x75: {  	_ =	shalt  }
0x76: {  	_ =	shalt  }
0x77: {  	_ =	shalt  }
0x78: {  	_ =	shalt  }
0x79: {  	_ =	shalt  }
0x7a: {  	_ =	shalt  }
0x7b: {  	_ =	shalt  }
0x7c: {  	_ =	shalt  }
0x7d: {  	_ =	shalt  }
0x7e: {  	_ =	shalt  }
0x7f: {  	_ =	shalt  }
0x80: {  	_ =	shalt  }
0x81: {  	_ =	shalt  }
0x82: {  	_ =	shalt  }
0x83: {  	_ =	shalt  }
0x84: {  	_ =	shalt  }
0x85: {  	_ =	shalt  }
0x86: {  	_ =	shalt  }
0x87: {  	_ =	shalt  }
.Lfunc_end0:
.L_simem_size_0:
called_computation_lowered:
.L_overlay_start_0:
0x88: {  	s2 =	sld [smem:$0x3FD9]  }
0x89: {  	s3 =	sld [smem:$0x3FFE];
	_ =	sdelay $0x1  }
0x8a: {  	s1 =	srdreg.scid  }
0x8b: {  	s0 =	sand.u32 $0x1, s1  }
0x8c: {  	s17 =	sshll.u32 s0, $0xA;
	s2 =	sadd.s32 s3, s2  }
0x8d: {  	s2 =	sadd.s32 s2, s17  }
0x8e: {  	[smem:$0x3FBD] =	sst s2  }
0x8f: {  	_ = 	snop  }
0x90: {  	s2 =	sld [smem:$0x3FD0];
	(tm) =	ssettm $0x1  }
0x91: {  	s18 =	sld [smem:$0x3FFB];
	_ =	sdelay $0x3  }
0x92: {  	_ =	strace s18  }
0x93: {  	s3 =	sld [smem:$0x3FFC];
	_ =	sdelay $0x3  }
0x94: {  	_ =	strace s3  }
0x95: {  	s3 =	sld [smem:$0x3FFD];
	_ =	sdelay $0x3  }
0x96: {  	_ =	strace s3  }
0x97: {  	_ =	strace $0x8FFFFFFF  }
0x98: {  	s19 =	sld [smem:$0x3FDB];
	_ =	sdelay $0x1  }
0x99: {  	s4 =	simm.s32 $_scs_section_size  }
0x9a: {  	s5 =	simm.s32 $_size__tile_overlayer_lowered;
	s6 =	simm.s32 $_tile_overlayer_lowered  }
0x9b: {  	s22 =	simm.s32 $0x1BFF;
	s21 =	sshll.u32 s6, $0x1;
	s3 =	sadd.s32 s4, s19  }
0x9c: {  	s7 =	simm.s32 $0x0;
	s20 =	sshll.u32 s5, $0x1;
	s5 =	sadd.s32 s21, s3  }
0x9d: {  	[timem:s7], [sflag:s22] =	dma.local [hbm:s5], s20  }
0x9e: {  	_ =	swait.ge [sflag:s22], s20  }
0x9f: {  	s4 =	ssub.s32 $0x0, s20;
	[sflag:s22] =	ssyncset.done $0x0  }
0xa0: {  	[sflag:s22] =	ssyncadd.s32 s4;
	_ =	sdelay $0x1  }
0xa1: {  	s23 =	simm.s32 $0x1B8B  }
0xa2: {  	_ =	swait.ge [sflag:s23], $0x1  }
0xa3: {  	[sflag:s23] =	ssyncset.done $0x0  }
0xa4: {  	s25 =	simm.s32 $0x1B8E;
	s24 =	sld [smem:$0x3FFE];
	[sflag:s23] =	ssyncadd.s32 $0xFFFFFFFF  }
0xa5: {  	s26 =	simm.s32 $execute0_lowered;
	[smem:$0x3FD2] =	sst s25  }
0xa6: {  	s5 =	sshll.u32 s26, $0x1;
	_ =	strace $0x80000046;
	[dreg:$0x1] =	wrdreg $0xFFFFFFFF  }
0xa7: {  	s28 =	simm.s32 $_size_execute0_lowered;
	s3 =	sadd.s32 s3, s5;
	[dreg:$0x0] =	wrdreg $0x0  }
0xa8: {  	s5 =	sshll.u32 s28, $0x1;
	[dreg:$0x2] =	wrdreg s3  }
0xa9: {  	[dreg:$0x3] =	wrdreg s5  }
0xaa: {  	[dreg:$0x4] =	wrdreg $0xC0  }
0xab: {  	_ =	task [dreg:s7], $0x5FFFF  }
0xac: {  	[dreg:$0x1] =	wrdreg $0xFFFFFFFF  }
0xad: {  	[dreg:$0x0] =	wrdreg $0x60  }
0xae: {  	[dreg:$0x2] =	wrdreg s24  }
0xaf: {  	[dreg:$0x3] =	wrdreg s2  }
0xb0: {  	[dreg:$0x4] =	wrdreg $0x32000  }
0xb1: {  	[dreg:$0x5] =	wrdreg $0x9  }
0xb2: {  	_ =	task.clear_ibuf [dreg:s7], $0x6FFFF;
	_ =	strace $0x90000046  }
0xb3: {  	s29 =	simm.s32 $0x9;
	_ =	strace $0x80000048  }
0xb4: {  	_ =	swait.ge [sflag:s29], $0x1  }
0xb5: {  	[sflag:s29] =	ssyncadd.s32 $0xFFFFFFFF  }
0xb6: {  	_ =	strace $0x90000048  }
0xb7: {  	_ =	sfence  }
0xb8: {  	s30 =	sld [smem:$0x0];
	_ =	sdelay $0x2  }
0xb9: {  	s31 =	sshll.u32 s1, $0xD;
	s1 =	sshrl.u32 s1, $0x2  }
0xba: {  	s3 =	sand.u32 $0x4000, s31;
	s1 =	sadd.s32 s1, s30  }
0xbb: {  	s0 =	sor.u32 s3, s0;
	s1 =	sshll.u32 s1, $0x11  }
0xbc: {  	s0 =	sor.u32 s1, s0  }
0xbd: {  	s0 =	sadd.s32 $0x8F2B, s0  }
0xbe: {  	[sflag:s0] =	ssyncadd.remote.s32 $0x1  }
0xbf: {  	_ =	sfence.sel $0xFFFF  }
0xc0: {  	[dreg:$0x0] =	wrdreg $0xFFFFFFFF;
	(pc) =	sbr.abs _section_cstart, $3  }
0xc1: {  	[dreg:$0x1] =	wrdreg $0xFFFFFFFF  }
0xc2: {  	_ =	task.clear_ibuf [dreg:s7], $0x2FFFF;
	_ =	strace $0x9FFFFFFF  }
0xc3: {  	(tm) =	ssettm $0x7FFFFFFF  }
tec
execute0_lowered:
.L_overlay_start_1:
0x0: {  	(tag) =	ssettag $0x1  }
0x1: {  	s4 =	rddreg [dreg:$0x0]  }
0x2: {  	s1 =	srdreg.scid;
	s6 =	rddreg [dreg:$0x1]  }
0x3: {  	s0 =	stileid.u32;
	s2 =	rddreg [dreg:$0x2];
	s3 =	simm.s32 $0x0  }
0x4: {  	s11 =	simm.s32 $0x200;
	s12 =	simm.s32 $0x100;
	s13 =	simm.s32 $0x180  }
0x5: {  	s14 =	simm.s32 $0x1;
	s15 =	simm.s32 $0x2;
	s16 =	simm.s32 $0x3  }
0x6: {  	s17 =	simm.s32 $0x4;
	s5 =	sand.u32 $0x1, s1;
	s1 =	rddreg [dreg:$0x3]  }
0x7: {  	s19 =	simm.s32 $0x0;
	s7 =	smul.u32 $0x2800, s0;
	[smem:$0x7FF] =	sst s3  }
0x8: {  	s10 =	sadd.s32 $0x18800, s4;
	s18 =	sshll.u32 s0, $0x6;
	s8 =	smul.u32 $0x28000, s5  }
0x9: {  	_ =	strace $0x80000047;
	s9 =	ssub.s32 $0x2, s5;
	p0 =	seq.s32 s5, $0x1  }
0xa: {  	s18 =	sor.u32 $0x1C05, s18;
	s31 =	sshrl.u32 s9, $0x1;
	s6 =	smov.u32 @p0 s10  }
0xb: {  	s10 =	simm.s32 $0x80;
	s8 =	sadd.s32 s7, s8;
	s9 =	ssub.s32 s9, s31  }
0xc: {  	s8 =	sshrl.u32 s8, $0x3;
	s5 =	smax.u32 s9, $0x1;
	s9 =	simm.s32 $0x5  }
0xd: {  	s8 =	sadd.s32 s8, s4;
	s4 =	sadd.s32 s7, s2;
	s7 =	sshrl.u32 s7, $0x3  }
0xe: {  	v0 =	vimm.f32 $0.0e+00;
	v1 =	vimm.f32 $1.000000000e+00;
	s6 =	sadd.s32 s6, s7;
	s7 =	sadd.s32 $0xE800, s8;
	s8 =	simm.s32 $0xA00  }
.LBB2_1:
0xf: {  	s20 =	simm.s32 $0x0  }
.LBB2_2:
0x10: {  	p0 =	sne.s32 s20, $0x9FC0  }
.Ltmp0:
0x11: {  	_ = 	snop;
	(pc) =	sbr.rel @p0 .LBB2_2-.Ltmp0, $3  }
0x12: {  	_ =	sdelay $0x1  }
0x13: {  	s21 =	sshra.s32 s20, $0x2  }
0x14: {  	s20 =	sadd.s32 $0x40, s20;
	[tilespmem:s21+$0xA00] =	vst v0  }
0x15: {  	s20 =	simm.s32 $0x40;
	s21 =	simm.s32 $0x0  }
.LBB2_4:
0x16: {  	p0 =	sne.s32 s20, $0x1FC0;
	[tilespmem:s21+$0x200] =	vst v1;
	s21 =	smov.u32 s20;
	s20 =	sadd.s32 $0x40, s20  }
.Ltmp1:
0x17: {  	(pc) =	sbr.rel @p0 .LBB2_4-.Ltmp1, $2  }
0x18: {  	_ =	sdelay $0x2  }
0x19: {  	s21 =	sshra.s32 s21, $0x2  }
0x1a: {  	[tilespmem:s21+$0x200] =	vst v1  }
0x1b: {  	[spmem:s4] =	stream.linear.scatter [tilespmem:s8], [sflag:$0x5], $0x2800, $0x38;
	[tilespmem:$0x5A00] =	vst v63  }
0x1c: {  	_ =	swait.ge [sflag:s9], $0x2800  }
0x1d: {  	[sflag:s9] =	ssyncset.done $0x0  }
0x1e: {  	[sflag:s9] =	ssyncadd.s32 $0xFFFFD800  }
0x1f: {  	s20 =	sadd.s32 $0x0, s7;
	[bflag:$0x0] =	sbarrier.arrive $0xFFFF  }
0x20: {  	[tilespmem:s3], [sflag:$0x5] =	stream.linear.gather [hbm4b:s20+s3], $0x200, $0x38;
	[tilespmem:$0x5A00] =	vst v63  }
0x21: {  	_ =	swait.ge [sflag:s9], $0x200  }
0x22: {  	[sflag:s9] =	ssyncset.done $0x0  }
0x23: {  	[sflag:s9] =	ssyncadd.s32 $0xFFFFFE00  }
0x24: {  	[spmem:s2] =	stream.indirect.scatter.add.f32 [tilespmem:s11], [sflag:$0x1], $0x10, s3, s10, $0xb8;
	[tilespmem:$0x5A00] =	vst v63  }
0x25: {  	_ = 	snop  }
0x26: {  	[spmem:s2] =	stream.indirect.scatter.add.f32 [tilespmem:s11], [sflag:$0x2], $0x10, s10, s10, $0xb8;
	[tilespmem:$0x5A00] =	vst v63  }
0x27: {  	_ = 	snop  }
0x28: {  	[spmem:s2] =	stream.indirect.scatter.add.f32 [tilespmem:s11], [sflag:$0x3], $0x10, s12, s10, $0xb8;
	[tilespmem:$0x5A00] =	vst v63  }
0x29: {  	_ = 	snop  }
0x2a: {  	[spmem:s2] =	stream.indirect.scatter.add.f32 [tilespmem:s11], [sflag:$0x4], $0x10, s13, s10, $0xb8;
	[tilespmem:$0x5A00] =	vst v63  }
0x2b: {  	_ =	swait.ge [sflag:s14], $0x800  }
0x2c: {  	[sflag:s14] =	ssyncset.done $0x0  }
0x2d: {  	[sflag:s14] =	ssyncadd.s32 $0xFFFFF800  }
0x2e: {  	_ =	swait.ge [sflag:s15], $0x800  }
0x2f: {  	[sflag:s15] =	ssyncset.done $0x0  }
0x30: {  	[sflag:s15] =	ssyncadd.s32 $0xFFFFF800  }
0x31: {  	_ =	swait.ge [sflag:s16], $0x800  }
0x32: {  	[sflag:s16] =	ssyncset.done $0x0  }
0x33: {  	[sflag:s16] =	ssyncadd.s32 $0xFFFFF800  }
0x34: {  	_ =	swait.ge [sflag:s17], $0x800  }
0x35: {  	s21 =	simm.s32 $0x80;
	s20 =	simm.s32 $0x40;
	[sflag:s17] =	ssyncset.done $0x0  }
.LBB2_6:
0x36: {  	s22 =	sadd.s32 s20, s7  }
0x37: {  	[sflag:s17] =	ssyncadd.s32 $0xFFFFF800;
	s20 =	smov.u32 s21;
	s23 =	sadd.s32 $0x40, s21  }
0x38: {  	[tilespmem:s3], [sflag:$0x5] =	stream.linear.gather [hbm4b:s22+s3], $0x200, $0x38;
	[tilespmem:$0x5A00] =	vst v63  }
0x39: {  	p0 =	sne.s32 s21, $0x4C0;
	_ =	swait.ge [sflag:s9], $0x200  }
0x3a: {  	[sflag:s9] =	ssyncset.done $0x0  }
0x3b: {  	[sflag:s9] =	ssyncadd.s32 $0xFFFFFE00  }
0x3c: {  	[spmem:s2] =	stream.indirect.scatter.add.f32 [tilespmem:s11], [sflag:$0x1], $0x10, s3, s10, $0xb8;
	[tilespmem:$0x5A00] =	vst v63  }
0x3d: {  	_ = 	snop  }
0x3e: {  	[spmem:s2] =	stream.indirect.scatter.add.f32 [tilespmem:s11], [sflag:$0x2], $0x10, s10, s10, $0xb8;
	[tilespmem:$0x5A00] =	vst v63  }
0x3f: {  	_ = 	snop  }
0x40: {  	[spmem:s2] =	stream.indirect.scatter.add.f32 [tilespmem:s11], [sflag:$0x3], $0x10, s12, s10, $0xb8;
	[tilespmem:$0x5A00] =	vst v63  }
0x41: {  	_ = 	snop  }
0x42: {  	[spmem:s2] =	stream.indirect.scatter.add.f32 [tilespmem:s11], [sflag:$0x4], $0x10, s13, s10, $0xb8;
	[tilespmem:$0x5A00] =	vst v63  }
0x43: {  	_ =	swait.ge [sflag:s14], $0x800  }
0x44: {  	[sflag:s14] =	ssyncset.done $0x0  }
0x45: {  	[sflag:s14] =	ssyncadd.s32 $0xFFFFF800  }
0x46: {  	_ =	swait.ge [sflag:s15], $0x800  }
0x47: {  	[sflag:s15] =	ssyncset.done $0x0  }
0x48: {  	[sflag:s15] =	ssyncadd.s32 $0xFFFFF800  }
.Ltmp2:
0x49: {  	_ =	swait.ge [sflag:s16], $0x800;
	(pc) =	sbr.rel @p0 .LBB2_6-.Ltmp2, $4  }
0x4a: {  	[sflag:s16] =	ssyncset.done $0x0  }
0x4b: {  	[sflag:s16] =	ssyncadd.s32 $0xFFFFF800  }
0x4c: {  	_ =	swait.ge [sflag:s17], $0x800  }
0x4d: {  	s21 =	smov.u32 s23;
	[sflag:s17] =	ssyncset.done $0x0  }
0x4e: {  	s20 =	sadd.s32 s20, s7;
	[sflag:s17] =	ssyncadd.s32 $0xFFFFF800  }
0x4f: {  	[tilespmem:s3], [sflag:$0x5] =	stream.linear.gather [hbm4b:s20+s3], $0x200, $0x38;
	[tilespmem:$0x5A00] =	vst v63  }
0x50: {  	_ =	swait.ge [sflag:s9], $0x200  }
0x51: {  	[sflag:s9] =	ssyncset.done $0x0  }
0x52: {  	[sflag:s9] =	ssyncadd.s32 $0xFFFFFE00  }
0x53: {  	[spmem:s2] =	stream.indirect.scatter.add.f32 [tilespmem:s11], [sflag:$0x1], $0x10, s3, s10, $0xb8;
	[tilespmem:$0x5A00] =	vst v63  }
0x54: {  	_ = 	snop  }
0x55: {  	[spmem:s2] =	stream.indirect.scatter.add.f32 [tilespmem:s11], [sflag:$0x2], $0x10, s10, s10, $0xb8;
	[tilespmem:$0x5A00] =	vst v63  }
0x56: {  	_ = 	snop  }
0x57: {  	[spmem:s2] =	stream.indirect.scatter.add.f32 [tilespmem:s11], [sflag:$0x3], $0x10, s12, s10, $0xb8;
	[tilespmem:$0x5A00] =	vst v63  }
0x58: {  	_ = 	snop  }
0x59: {  	[spmem:s2] =	stream.indirect.scatter.add.f32 [tilespmem:s11], [sflag:$0x4], $0x10, s13, s10, $0xb8;
	[tilespmem:$0x5A00] =	vst v63  }
0x5a: {  	_ =	swait.ge [sflag:s14], $0x800  }
0x5b: {  	[sflag:s14] =	ssyncset.done $0x0  }
0x5c: {  	[sflag:s14] =	ssyncadd.s32 $0xFFFFF800  }
0x5d: {  	_ =	swait.ge [sflag:s15], $0x800  }
0x5e: {  	[sflag:s15] =	ssyncset.done $0x0  }
0x5f: {  	[sflag:s15] =	ssyncadd.s32 $0xFFFFF800  }
0x60: {  	_ =	swait.ge [sflag:s16], $0x800  }
0x61: {  	[sflag:s16] =	ssyncset.done $0x0  }
0x62: {  	[sflag:s16] =	ssyncadd.s32 $0xFFFFF800  }
0x63: {  	_ =	swait.ge [sflag:s17], $0x800  }
0x64: {  	s19 =	sadd.s32 $0x1, s19;
	[sflag:s17] =	ssyncset.done $0x0  }
0x65: {  	p0 =	sne.s32 s19, s5;
	[sflag:s17] =	ssyncadd.s32 $0xFFFFF800  }
.Ltmp3:
0x66: {  	s31 =	sshrl.u32 s4, $0x3;
	[bflag:$0x0] =	sbarrier.arrive $0xFFFF;
	(pc) =	sbr.rel @p0 .LBB2_1-.Ltmp3, $4  }
0x67: {  	[hbm:s6], [sflag:s18] =	dma.local [spmem:s31], $0x500  }
0x68: {  	_ =	swait.ge [sflag:s9], $0x500  }
0x69: {  	[sflag:s9] =	ssyncset.done $0x0  }
0x6a: {  	[sflag:s9] =	ssyncadd.s32 $0xFFFFFB00  }
0x6b: {  	_ =	sfence.sel $0x180000  }
0x6c: {  	[bflag:$0x0] =	sbarrier.arrive $0xFFFF  }
0x6d: {  	p0 =	sne.s32 s0, $0x0;
	_ =	strace $0x90000047  }
0x6e: {  	s0 =	sadd.s32 @!p0 $0x100000, s1;
	[bflag:$0x2] =	sbarrier.arrive $0xFFFF  }
0x6f: {  	[sflag:s0] =	ssyncadd.tile.s32 @!p0 $0x1;
	_ =	shalt  }
.Lfunc_end2:
_tile_overlayer_lowered:
.L_overlay_start_2:
0x70: {  	(tag) =	ssettag $0x2  }
0x71: {  	s0 =	rddreg [dreg:$0x0];
	s2 =	stileid.u32  }
0x72: {  	s1 =	rddreg [dreg:$0x1];
	p0 =	sne.s32 s2, $0x0  }
0x73: {  	s3 =	rddreg [dreg:$0x2];
	[bflag:$0x3] =	sbarrier.arrive $0xFFFF;
	s2 =	simm.s32 @!p0 $0x1C05  }
0x74: {  	[timem:s3], [sflag:s2] =	dma.local @!p0 [hbm:s0], s1  }
0x75: {  	s0 =	simm.s32 @!p0 $0x5  }
0x76: {  	_ =	swait.ge @!p0 [sflag:s0], s1  }
0x77: {  	s1 =	ssub.s32 @!p0 $0x0, s1;
	[sflag:s0] =	ssyncset.done @!p0 $0x0  }
0x78: {  	[sflag:s0] =	ssyncadd.s32 @!p0 s1  }
0x79: {  	[bflag:$0x3] =	sbarrier.arrive $0xFFFF  }
0x7a: {  	_ =	shalt  }

// kernel: kernel.14.cloned.1.call-start
scs
__scs_entry_jumppad:
0x0: {  	(pc) =	sbr.rel $0x88, $3  }
0x1: {  	(tag) =	ssettag $0x0;
	lr =	simm.s32 $0x1  }
0x2: {  	[smem:$0x3F96] =	sst lr;
	_ =	strace $0xD0000000  }
0x3: {  	_ = 	snop  }
0x4: {  	_ = 	snop  }
0x5: {  	_ = 	snop  }
0x6: {  	_ = 	snop  }
0x7: {  	_ = 	snop  }
__scs_overlays_trampoline_lowered:
0x8: {  	[smem:$0x3FA5] =	sst s0  }
0x9: {  	[smem:$0x3FA6] =	sst s1  }
0xa: {  	[smem:$0x3FA7] =	sst s2  }
0xb: {  	[smem:$0x3FA8] =	sst s3  }
0xc: {  	[smem:$0x3FA9] =	sst s4  }
0xd: {  	[smem:$0x3FAA] =	sst s5  }
0xe: {  	[smem:$0x3FAB] =	sst s6  }
0xf: {  	[smem:$0x3FAC] =	sst s7  }
0x10: {  	[smem:$0x3FAD] =	sst s8  }
0x11: {  	[smem:$0x3FAE] =	sst s9;
	s0 =	simm.s32 @!p0 $0x0  }
0x12: {  	s1 =	sld [smem:$0x3F94];
	s0 =	simm.s32 @p0 $0x1  }
0x13: {  	[smem:$0x3FAF] =	sst s0;
	s0 =	simm.s32 @!p1 $0x0  }
0x14: {  	s2 =	sld [smem:$0x3F93];
	s0 =	simm.s32 @p1 $0x1  }
0x15: {  	[smem:$0x3FB0] =	sst s0;
	s0 =	simm.s32 @!p2 $0x0  }
0x16: {  	s3 =	sld [smem:$0x3FDB];
	s0 =	simm.s32 @p2 $0x1  }
0x17: {  	s4 =	simm.s32 $0x1BF5;
	[smem:$0x3FB2] =	sst s0  }
0x18: {  	s0 =	sld [smem:$0x3F95];
	_ =	swait.ge [sflag:s4], $0x0  }
0x19: {  	s7 =	sld [smem:$0x3F96]  }
0x1a: {  	s8 =	sadd.s32 $0xFFFFE003, lr  }
0x1b: {  	s9 =	sadd.s32 $0xFFFFFEF7, lr;
	s5 =	simm.s32 $0xFFFFFFFF;
	p2 =	slt.u32 s8, $0xFFFFF086  }
0x1c: {  	p1 =	slt.u32 s9, $0xF7A;
	s5 =	simm.s32 @!p2 $0x0  }
0x1d: {  	s5 =	simm.s32 @p1 $0x1;
	p0 =	seq.s32 s7, s2  }
0x1e: {  	s7 =	smul.u32 @!p0 $0xF7A, s2;
	p2 =	seq.s32 @!p0 s5, $0x0  }
0x1f: {  	s9 =	smul.u32 $0xF7A, s1;
	s8 =	simm.s32 @!p0 $0x1BF5;
	p2 =	por !p2, p0  }
0x20: {  	[sflag:s8] =	ssyncset.s32 @!p0 $0xFFFFF086;
	s6 =	sadd.s32 @!p0 s3, s7;
	s7 =	simm.s32 @!p0 $0x108  }
0x21: {  	s3 =	sadd.s32 s3, s9;
	s6 =	sadd.s32 @!p0 $0x88, s6;
	s7 =	simm.s32 @p2 $0x1082  }
0x22: {  	[simem:s7], [sflag:s8] =	dma.local @!p0 [hbm:s6], $0xF7A  }
0x23: {  	s9 =	sor.u32 $0xD0000000, s2;
	s6 =	simm.s32 $0x108;
	_ =	swait.ge @!p0 [sflag:s8], $0x0  }
0x24: {  	s3 =	sadd.s32 $0x88, s3;
	s6 =	simm.s32 @!p1 $0x1082;
	[sflag:s4] =	ssyncset.s32 $0xFFFFF086  }
0x25: {  	[simem:s6], [sflag:s4] =	dma.local [hbm:s3], $0xF7A  }
0x26: {  	[smem:$0x3F96] =	sst s1;
	(tag) =	ssettag s2;
	_ =	strace s9  }
0x27: {  	s1 =	sld [smem:$0x3FA6]  }
0x28: {  	s2 =	sld [smem:$0x3FA7]  }
0x29: {  	s4 =	sld [smem:$0x3FA9]  }
0x2a: {  	p0 =	seq.s32 s5, $0x0;
	s5 =	sld [smem:$0x3FAA]  }
0x2b: {  	s6 =	sld [smem:$0x3FAB]  }
0x2c: {  	s7 =	sld [smem:$0x3FAC]  }
0x2d: {  	s3 =	simm.s32 $0x108;
	s8 =	sld [smem:$0x3FAD]  }
0x2e: {  	s3 =	simm.s32 @!p0 $0x1082;
	s9 =	sld [smem:$0x3FAE]  }
0x2f: {  	lr =	sadd.s32 s0, s3;
	s0 =	sld [smem:$0x3FA5]  }
0x30: {  	s3 =	sld [smem:$0x3FA8]  }
0x31: {  	[smem:$0x3FB1] =	sst s10  }
0x32: {  	s10 =	sld [smem:$0x3FAF];
	_ =	sdelay $0x3  }
0x33: {  	p0 =	seq.s32 s10, $0x1;
	s10 =	sld [smem:$0x3FB1];
	_ =	sdelay $0x3  }
0x34: {  	[smem:$0x3FB1] =	sst s10  }
0x35: {  	s10 =	sld [smem:$0x3FB0];
	_ =	sdelay $0x3  }
0x36: {  	p1 =	seq.s32 s10, $0x1;
	s10 =	sld [smem:$0x3FB1];
	_ =	sdelay $0x3  }
0x37: {  	[smem:$0x3FB1] =	sst s10  }
0x38: {  	s10 =	sld [smem:$0x3FB2]  }
0x39: {  	_ = 	snop;
	(pc) =	sbr.ind lr, $3  }
0x3a: {  	_ = 	snop  }
0x3b: {  	_ = 	snop  }
0x3c: {  	p2 =	seq.s32 s10, $0x1;
	s10 =	sld [smem:$0x3FB1]  }
0x3d: {  	_ =	shalt  }
0x3e: {  	_ =	shalt  }
0x3f: {  	_ =	shalt  }
0x40: {  	_ =	shalt  }
0x41: {  	_ =	shalt  }
0x42: {  	_ =	shalt  }
0x43: {  	_ =	shalt  }
0x44: {  	_ =	shalt  }
0x45: {  	_ =	shalt  }
0x46: {  	_ =	shalt  }
0x47: {  	_ =	shalt  }
0x48: {  	_ =	shalt  }
0x49: {  	_ =	shalt  }
0x4a: {  	_ =	shalt  }
0x4b: {  	_ =	shalt  }
0x4c: {  	_ =	shalt  }
0x4d: {  	_ =	shalt  }
0x4e: {  	_ =	shalt  }
0x4f: {  	_ =	shalt  }
0x50: {  	_ =	shalt  }
0x51: {  	_ =	shalt  }
0x52: {  	_ =	shalt  }
0x53: {  	_ =	shalt  }
0x54: {  	_ =	shalt  }
0x55: {  	_ =	shalt  }
0x56: {  	_ =	shalt  }
0x57: {  	_ =	shalt  }
0x58: {  	_ =	shalt  }
0x59: {  	_ =	shalt  }
0x5a: {  	_ =	shalt  }
0x5b: {  	_ =	shalt  }
0x5c: {  	_ =	shalt  }
0x5d: {  	_ =	shalt  }
0x5e: {  	_ =	shalt  }
0x5f: {  	_ =	shalt  }
0x60: {  	_ =	shalt  }
0x61: {  	_ =	shalt  }
0x62: {  	_ =	shalt  }
0x63: {  	_ =	shalt  }
0x64: {  	_ =	shalt  }
0x65: {  	_ =	shalt  }
0x66: {  	_ =	shalt  }
0x67: {  	_ =	shalt  }
0x68: {  	_ =	shalt  }
0x69: {  	_ =	shalt  }
0x6a: {  	_ =	shalt  }
0x6b: {  	_ =	shalt  }
0x6c: {  	_ =	shalt  }
0x6d: {  	_ =	shalt  }
0x6e: {  	_ =	shalt  }
0x6f: {  	_ =	shalt  }
0x70: {  	_ =	shalt  }
0x71: {  	_ =	shalt  }
0x72: {  	_ =	shalt  }
0x73: {  	_ =	shalt  }
0x74: {  	_ =	shalt  }
0x75: {  	_ =	shalt  }
0x76: {  	_ =	shalt  }
0x77: {  	_ =	shalt  }
0x78: {  	_ =	shalt  }
0x79: {  	_ =	shalt  }
0x7a: {  	_ =	shalt  }
0x7b: {  	_ =	shalt  }
0x7c: {  	_ =	shalt  }
0x7d: {  	_ =	shalt  }
0x7e: {  	_ =	shalt  }
0x7f: {  	_ =	shalt  }
0x80: {  	_ =	shalt  }
0x81: {  	_ =	shalt  }
0x82: {  	_ =	shalt  }
0x83: {  	_ =	shalt  }
0x84: {  	_ =	shalt  }
0x85: {  	_ =	shalt  }
0x86: {  	_ =	shalt  }
0x87: {  	_ =	shalt  }
.Lfunc_end0:
.L_simem_size_0:
called_computation.1_lowered:
.L_overlay_start_0:
0x88: {  	s2 =	sld [smem:$0x3FD9]  }
0x89: {  	s3 =	sld [smem:$0x3FFE];
	_ =	sdelay $0x1  }
0x8a: {  	s1 =	srdreg.scid  }
0x8b: {  	s0 =	sand.u32 $0x1, s1  }
0x8c: {  	s17 =	sshll.u32 s0, $0xA;
	s2 =	sadd.s32 s3, s2  }
0x8d: {  	s2 =	sadd.s32 s2, s17  }
0x8e: {  	[smem:$0x3FBD] =	sst s2  }
0x8f: {  	_ = 	snop  }
0x90: {  	s2 =	sld [smem:$0x3FD0];
	(tm) =	ssettm $0x1  }
0x91: {  	s18 =	sld [smem:$0x3FFB];
	_ =	sdelay $0x3  }
0x92: {  	_ =	strace s18  }
0x93: {  	s3 =	sld [smem:$0x3FFC];
	_ =	sdelay $0x3  }
0x94: {  	_ =	strace s3  }
0x95: {  	s3 =	sld [smem:$0x3FFD];
	_ =	sdelay $0x3  }
0x96: {  	_ =	strace s3  }
0x97: {  	_ =	strace $0x8FFFFFFF  }
0x98: {  	s19 =	sld [smem:$0x3FDB];
	_ =	sdelay $0x1  }
0x99: {  	s4 =	simm.s32 $_scs_section_size  }
0x9a: {  	s5 =	simm.s32 $_size__tile_overlayer_lowered;
	s6 =	simm.s32 $_tile_overlayer_lowered  }
0x9b: {  	s22 =	simm.s32 $0x1BFF;
	s21 =	sshll.u32 s6, $0x1;
	s3 =	sadd.s32 s4, s19  }
0x9c: {  	s7 =	simm.s32 $0x0;
	s20 =	sshll.u32 s5, $0x1;
	s5 =	sadd.s32 s21, s3  }
0x9d: {  	[timem:s7], [sflag:s22] =	dma.local [hbm:s5], s20  }
0x9e: {  	_ =	swait.ge [sflag:s22], s20  }
0x9f: {  	s4 =	ssub.s32 $0x0, s20;
	[sflag:s22] =	ssyncset.done $0x0  }
0xa0: {  	[sflag:s22] =	ssyncadd.s32 s4;
	_ =	sdelay $0x1  }
0xa1: {  	s23 =	simm.s32 $0x1B8B  }
0xa2: {  	_ =	swait.ge [sflag:s23], $0x1  }
0xa3: {  	[sflag:s23] =	ssyncset.done $0x0  }
0xa4: {  	s25 =	simm.s32 $0x1B8E;
	s24 =	sld [smem:$0x3FFE];
	[sflag:s23] =	ssyncadd.s32 $0xFFFFFFFF  }
0xa5: {  	s26 =	simm.s32 $execute0_lowered;
	[smem:$0x3FD2] =	sst s25  }
0xa6: {  	s5 =	sshll.u32 s26, $0x1;
	_ =	strace $0x80000049;
	[dreg:$0x1] =	wrdreg $0xFFFFFFFF  }
0xa7: {  	s28 =	simm.s32 $_size_execute0_lowered;
	s3 =	sadd.s32 s3, s5;
	[dreg:$0x0] =	wrdreg $0x0  }
0xa8: {  	s5 =	sshll.u32 s28, $0x1;
	[dreg:$0x2] =	wrdreg s3  }
0xa9: {  	[dreg:$0x3] =	wrdreg s5  }
0xaa: {  	[dreg:$0x4] =	wrdreg $0xC0  }
0xab: {  	_ =	task [dreg:s7], $0x5FFFF  }
0xac: {  	[dreg:$0x1] =	wrdreg $0xFFFFFFFF  }
0xad: {  	[dreg:$0x0] =	wrdreg $0x60  }
0xae: {  	[dreg:$0x2] =	wrdreg s2  }
0xaf: {  	[dreg:$0x3] =	wrdreg s24  }
0xb0: {  	[dreg:$0x4] =	wrdreg $0x82000  }
0xb1: {  	[dreg:$0x5] =	wrdreg $0x9  }
0xb2: {  	_ =	task.clear_ibuf [dreg:s7], $0x6FFFF;
	_ =	strace $0x90000049  }
0xb3: {  	s29 =	simm.s32 $0x9;
	_ =	strace $0x8000004B  }
0xb4: {  	_ =	swait.ge [sflag:s29], $0x1  }
0xb5: {  	[sflag:s29] =	ssyncadd.s32 $0xFFFFFFFF  }
0xb6: {  	_ =	strace $0x9000004B  }
0xb7: {  	_ =	sfence  }
0xb8: {  	s30 =	sld [smem:$0x0];
	_ =	sdelay $0x2  }
0xb9: {  	s31 =	sshll.u32 s1, $0xD;
	s1 =	sshrl.u32 s1, $0x2  }
0xba: {  	s3 =	sand.u32 $0x4000, s31;
	s1 =	sadd.s32 s1, s30  }
0xbb: {  	s0 =	sor.u32 s3, s0;
	s1 =	sshll.u32 s1, $0x11  }
0xbc: {  	s0 =	sor.u32 s1, s0  }
0xbd: {  	s0 =	sadd.s32 $0x8F2B, s0  }
0xbe: {  	[sflag:s0] =	ssyncadd.remote.s32 $0x1  }
0xbf: {  	_ =	sfence.sel $0xFFFF  }
0xc0: {  	[dreg:$0x0] =	wrdreg $0xFFFFFFFF;
	(pc) =	sbr.abs _section_cstart, $3  }
0xc1: {  	[dreg:$0x1] =	wrdreg $0xFFFFFFFF  }
0xc2: {  	_ =	task.clear_ibuf [dreg:s7], $0x2FFFF;
	_ =	strace $0x9FFFFFFF  }
0xc3: {  	(tm) =	ssettm $0x7FFFFFFF  }
tec
execute0_lowered:
.L_overlay_start_1:
0x0: {  	(tag) =	ssettag $0x1  }
0x1: {  	s0 =	rddreg [dreg:$0x0]  }
0x2: {  	s10 =	rddreg [dreg:$0x1];
	s1 =	srdreg.scid  }
0x3: {  	s3 =	rddreg [dreg:$0x2];
	s2 =	stileid.u32  }
0x4: {  	s4 =	simm.s32 $0x0;
	s14 =	simm.s32 $0x40800;
	s15 =	simm.s32 $0x5  }
0x5: {  	s16 =	simm.s32 $0x100;
	s17 =	simm.s32 $0x80;
	s18 =	simm.s32 $0x4200  }
0x6: {  	s19 =	simm.s32 $0x1;
	s20 =	simm.s32 $0x2;
	s21 =	simm.s32 $0x180  }
0x7: {  	s22 =	simm.s32 $0x3;
	s23 =	simm.s32 $0x4;
	s6 =	smul.u32 $0x2800, s2  }
0x8: {  	s7 =	sand.u32 $0x1, s1;
	s1 =	rddreg [dreg:$0x3];
	s30 =	smul.u32 $0x50000, s2  }
0x9: {  	s24 =	simm.s32 $0x0;
	[smem:$0x7FF] =	sst s4;
	s11 =	smul.u32 $0x14000, s2  }
0xa: {  	s5 =	smul.u32 $0x28000, s7;
	s8 =	ssub.s32 $0x2, s7;
	p0 =	seq.s32 s7, $0x1  }
0xb: {  	_ =	strace $0x8000004A;
	s31 =	sshrl.u32 s8, $0x1;
	s14 =	simm.s32 @!p0 $0x18800  }
0xc: {  	s5 =	sadd.s32 s6, s5;
	s6 =	sshrl.u32 s30, $0x2;
	s12 =	ssub.s32 s8, s31  }
0xd: {  	s14 =	sadd.s32 s14, s10;
	s5 =	sshrl.u32 s5, $0x3;
	s9 =	sadd.s32 s6, s3  }
0xe: {  	s13 =	sadd.s32 s5, s10;
	s5 =	sadd.s32 s11, s3;
	s6 =	sadd.s32 $0x4000, s9  }
0xf: {  	s7 =	sadd.s32 $0x8000, s9;
	s8 =	sadd.s32 $0xC000, s9;
	s11 =	sshrl.u32 s11, $0x3  }
0x10: {  	s9 =	sadd.s32 $0x10000, s9;
	s10 =	smax.u32 s12, $0x1;
	s11 =	sadd.s32 s14, s11  }
0x11: {  	v0 =	vimm.f32 $0.0e+00;
	s12 =	sadd.s32 $0xE800, s13;
	s13 =	sadd.s32 $0x4800, s13;
	s14 =	simm.s32 $0x200  }
.LBB2_1:
0x12: {  	s25 =	simm.s32 $0x0;
	s26 =	simm.s32 $0x200  }
.LBB2_2:
0x13: {  	p0 =	sne.s32 s26, $0xFE00;
	[tilespmem:s25+$0x270] =	vst v0  }
0x14: {  	[tilespmem:s25+$0x200] =	vst v0  }
0x15: {  	[tilespmem:s25+$0x210] =	vst v0  }
.Ltmp0:
0x16: {  	[tilespmem:s25+$0x220] =	vst v0;
	(pc) =	sbr.rel @p0 .LBB2_2-.Ltmp0, $4  }
0x17: {  	[tilespmem:s25+$0x230] =	vst v0  }
0x18: {  	[tilespmem:s25+$0x240] =	vst v0  }
0x19: {  	[tilespmem:s25+$0x250] =	vst v0  }
0x1a: {  	[tilespmem:s25+$0x260] =	vst v0;
	s25 =	sshra.s32 s26, $0x2;
	s26 =	sadd.s32 $0x200, s26  }
0x1b: {  	[tilespmem:s25+$0x270] =	vst v0  }
0x1c: {  	[tilespmem:s25+$0x200] =	vst v0  }
0x1d: {  	[tilespmem:s25+$0x210] =	vst v0  }
0x1e: {  	[tilespmem:s25+$0x220] =	vst v0  }
0x1f: {  	[tilespmem:s25+$0x230] =	vst v0  }
0x20: {  	[tilespmem:s25+$0x240] =	vst v0  }
0x21: {  	[tilespmem:s25+$0x250] =	vst v0  }
0x22: {  	[tilespmem:s25+$0x260] =	vst v0  }
0x23: {  	[spmem:s5] =	stream.linear.scatter [tilespmem:s14], [sflag:$0x5], $0x4000, $0x38;
	[tilespmem:$0x1C200] =	vst v63  }
0x24: {  	_ =	swait.ge [sflag:s15], $0x4000  }
0x25: {  	[sflag:s15] =	ssyncset.done $0x0  }
0x26: {  	[sflag:s15] =	ssyncadd.s32 $0xFFFFC000  }
0x27: {  	[spmem:s6] =	stream.linear.scatter [tilespmem:s14], [sflag:$0x5], $0x4000, $0x38;
	[tilespmem:$0x1C200] =	vst v63  }
0x28: {  	_ =	swait.ge [sflag:s15], $0x4000  }
0x29: {  	[sflag:s15] =	ssyncset.done $0x0  }
0x2a: {  	[sflag:s15] =	ssyncadd.s32 $0xFFFFC000  }
0x2b: {  	[spmem:s7] =	stream.linear.scatter [tilespmem:s14], [sflag:$0x5], $0x4000, $0x38;
	[tilespmem:$0x1C200] =	vst v63  }
0x2c: {  	_ =	swait.ge [sflag:s15], $0x4000  }
0x2d: {  	[sflag:s15] =	ssyncset.done $0x0  }
0x2e: {  	[sflag:s15] =	ssyncadd.s32 $0xFFFFC000  }
0x2f: {  	[spmem:s8] =	stream.linear.scatter [tilespmem:s14], [sflag:$0x5], $0x4000, $0x38;
	[tilespmem:$0x1C200] =	vst v63  }
0x30: {  	_ =	swait.ge [sflag:s15], $0x4000  }
0x31: {  	[sflag:s15] =	ssyncset.done $0x0  }
0x32: {  	[sflag:s15] =	ssyncadd.s32 $0xFFFFC000  }
0x33: {  	[spmem:s9] =	stream.linear.scatter [tilespmem:s14], [sflag:$0x5], $0x4000, $0x38;
	[tilespmem:$0x1C200] =	vst v63  }
0x34: {  	_ =	swait.ge [sflag:s15], $0x4000  }
0x35: {  	[sflag:s15] =	ssyncset.done $0x0  }
0x36: {  	[sflag:s15] =	ssyncadd.s32 $0xFFFFC000  }
0x37: {  	s30 =	sadd.s32 $0x0, s13;
	[bflag:$0x0] =	sbarrier.arrive $0xFFFF  }
0x38: {  	[tilespmem:s4], [sflag:$0x5] =	stream.linear.gather [hbm4b:s30+s4], $0x100, $0x38;
	[tilespmem:$0x1C200] =	vst v63  }
0x39: {  	_ =	swait.ge [sflag:s15], $0x100  }
0x3a: {  	[sflag:s15] =	ssyncset.done $0x0  }
0x3b: {  	s31 =	sadd.s32 $0x0, s12;
	[sflag:s15] =	ssyncadd.s32 $0xFFFFFF00  }
0x3c: {  	[tilespmem:s16], [sflag:$0x5] =	stream.linear.gather [hbm4b:s31+s4], $0x100, $0x38;
	[tilespmem:$0x1C200] =	vst v63  }
0x3d: {  	_ =	swait.ge [sflag:s15], $0x100  }
0x3e: {  	[sflag:s15] =	ssyncset.done $0x0  }
0x3f: {  	[sflag:s15] =	ssyncadd.s32 $0xFFFFFF00  }
0x40: {  	[tilespmem:s14], [sflag:$0x1] =	stream.indirect.gather [hbm4b:s0+s17], $0x80, s4, s17, $0xb8;
	[tilespmem:$0x1C200] =	vst v63  }
0x41: {  	_ = 	snop  }
0x42: {  	[tilespmem:s18], [sflag:$0x2] =	stream.indirect.gather [hbm4b:s0+s17], $0x80, s17, s17, $0xb8;
	[tilespmem:$0x1C200] =	vst v63  }
0x43: {  	_ =	swait.ge [sflag:s19], $0x4000  }
0x44: {  	[sflag:s19] =	ssyncset.done $0x0  }
0x45: {  	[sflag:s19] =	ssyncadd.s32 $0xFFFFC000  }
0x46: {  	[spmem:s3] =	stream.indirect.scatter.add.f32 [tilespmem:s14], [sflag:$0x3], $0x80, s16, s17, $0xb8;
	[tilespmem:$0x1C200] =	vst v63  }
0x47: {  	_ =	swait.ge [sflag:s20], $0x4000  }
0x48: {  	[sflag:s20] =	ssyncset.done $0x0  }
0x49: {  	[sflag:s20] =	ssyncadd.s32 $0xFFFFC000  }
0x4a: {  	[spmem:s3] =	stream.indirect.scatter.add.f32 [tilespmem:s18], [sflag:$0x4], $0x80, s21, s17, $0xb8;
	[tilespmem:$0x1C200] =	vst v63  }
0x4b: {  	_ =	swait.ge [sflag:s22], $0x4000  }
0x4c: {  	[sflag:s22] =	ssyncset.done $0x0  }
0x4d: {  	[sflag:s22] =	ssyncadd.s32 $0xFFFFC000  }
0x4e: {  	_ =	swait.ge [sflag:s23], $0x4000  }
0x4f: {  	s25 =	simm.s32 $0x20;
	s26 =	simm.s32 $0x40;
	[sflag:s23] =	ssyncset.done $0x0  }
.LBB2_4:
0x50: {  	s28 =	sadd.s32 s25, s13  }
0x51: {  	[sflag:s23] =	ssyncadd.s32 $0xFFFFC000;
	s29 =	smov.u32 s26;
	s30 =	sadd.s32 $0x20, s26  }
0x52: {  	[tilespmem:s4], [sflag:$0x5] =	stream.linear.gather [hbm4b:s28+s4], $0x100, $0x38;
	[tilespmem:$0x1C200] =	vst v63  }
0x53: {  	p0 =	sne.s32 s26, $0x4E0;
	_ =	swait.ge [sflag:s15], $0x100  }
0x54: {  	[sflag:s15] =	ssyncset.done $0x0  }
0x55: {  	s26 =	sadd.s32 s25, s12;
	s25 =	smov.u32 s29;
	[sflag:s15] =	ssyncadd.s32 $0xFFFFFF00  }
0x56: {  	[tilespmem:s16], [sflag:$0x5] =	stream.linear.gather [hbm4b:s26+s4], $0x100, $0x38;
	[tilespmem:$0x1C200] =	vst v63  }
0x57: {  	_ =	swait.ge [sflag:s15], $0x100  }
0x58: {  	[sflag:s15] =	ssyncset.done $0x0  }
0x59: {  	[sflag:s15] =	ssyncadd.s32 $0xFFFFFF00  }
0x5a: {  	[tilespmem:s14], [sflag:$0x1] =	stream.indirect.gather [hbm4b:s0+s17], $0x80, s4, s17, $0xb8;
	[tilespmem:$0x1C200] =	vst v63  }
0x5b: {  	_ = 	snop  }
0x5c: {  	[tilespmem:s18], [sflag:$0x2] =	stream.indirect.gather [hbm4b:s0+s17], $0x80, s17, s17, $0xb8;
	[tilespmem:$0x1C200] =	vst v63  }
0x5d: {  	_ =	swait.ge [sflag:s19], $0x4000  }
0x5e: {  	[sflag:s19] =	ssyncset.done $0x0  }
0x5f: {  	[sflag:s19] =	ssyncadd.s32 $0xFFFFC000  }
0x60: {  	[spmem:s3] =	stream.indirect.scatter.add.f32 [tilespmem:s14], [sflag:$0x3], $0x80, s16, s17, $0xb8;
	[tilespmem:$0x1C200] =	vst v63  }
0x61: {  	_ =	swait.ge [sflag:s20], $0x4000  }
0x62: {  	[sflag:s20] =	ssyncset.done $0x0  }
0x63: {  	[sflag:s20] =	ssyncadd.s32 $0xFFFFC000  }
0x64: {  	[spmem:s3] =	stream.indirect.scatter.add.f32 [tilespmem:s18], [sflag:$0x4], $0x80, s21, s17, $0xb8;
	[tilespmem:$0x1C200] =	vst v63  }
.Ltmp1:
0x65: {  	_ =	swait.ge [sflag:s22], $0x4000;
	(pc) =	sbr.rel @p0 .LBB2_4-.Ltmp1, $4  }
0x66: {  	[sflag:s22] =	ssyncset.done $0x0  }
0x67: {  	[sflag:s22] =	ssyncadd.s32 $0xFFFFC000  }
0x68: {  	_ =	swait.ge [sflag:s23], $0x4000  }
0x69: {  	s26 =	smov.u32 s30;
	[sflag:s23] =	ssyncset.done $0x0  }
0x6a: {  	s26 =	sadd.s32 s25, s13;
	[sflag:s23] =	ssyncadd.s32 $0xFFFFC000  }
0x6b: {  	[tilespmem:s4], [sflag:$0x5] =	stream.linear.gather [hbm4b:s26+s4], $0x100, $0x38;
	[tilespmem:$0x1C200] =	vst v63  }
0x6c: {  	_ =	swait.ge [sflag:s15], $0x100  }
0x6d: {  	[sflag:s15] =	ssyncset.done $0x0  }
0x6e: {  	s29 =	sadd.s32 s25, s12;
	[sflag:s15] =	ssyncadd.s32 $0xFFFFFF00  }
0x6f: {  	[tilespmem:s16], [sflag:$0x5] =	stream.linear.gather [hbm4b:s29+s4], $0x100, $0x38;
	[tilespmem:$0x1C200] =	vst v63  }
0x70: {  	_ =	swait.ge [sflag:s15], $0x100  }
0x71: {  	[sflag:s15] =	ssyncset.done $0x0  }
0x72: {  	[sflag:s15] =	ssyncadd.s32 $0xFFFFFF00  }
0x73: {  	[tilespmem:s14], [sflag:$0x1] =	stream.indirect.gather [hbm4b:s0+s17], $0x80, s4, s17, $0xb8;
	[tilespmem:$0x1C200] =	vst v63  }
0x74: {  	_ = 	snop  }
0x75: {  	[tilespmem:s18], [sflag:$0x2] =	stream.indirect.gather [hbm4b:s0+s17], $0x80, s17, s17, $0xb8;
	[tilespmem:$0x1C200] =	vst v63  }
0x76: {  	_ =	swait.ge [sflag:s19], $0x4000  }
0x77: {  	[sflag:s19] =	ssyncset.done $0x0  }
0x78: {  	[sflag:s19] =	ssyncadd.s32 $0xFFFFC000  }
0x79: {  	[spmem:s3] =	stream.indirect.scatter.add.f32 [tilespmem:s14], [sflag:$0x3], $0x80, s16, s17, $0xb8;
	[tilespmem:$0x1C200] =	vst v63  }
0x7a: {  	_ =	swait.ge [sflag:s20], $0x4000  }
0x7b: {  	[sflag:s20] =	ssyncset.done $0x0  }
0x7c: {  	[sflag:s20] =	ssyncadd.s32 $0xFFFFC000  }
0x7d: {  	[spmem:s3] =	stream.indirect.scatter.add.f32 [tilespmem:s18], [sflag:$0x4], $0x80, s21, s17, $0xb8;
	[tilespmem:$0x1C200] =	vst v63  }
0x7e: {  	_ =	swait.ge [sflag:s22], $0x4000  }
0x7f: {  	[sflag:s22] =	ssyncset.done $0x0  }
0x80: {  	[sflag:s22] =	ssyncadd.s32 $0xFFFFC000  }
0x81: {  	_ =	swait.ge [sflag:s23], $0x4000  }
0x82: {  	s30 =	sshll.u32 s2, $0x6;
	s24 =	sadd.s32 $0x1, s24;
	[sflag:s23] =	ssyncset.done $0x0  }
0x83: {  	s31 =	sshrl.u32 s5, $0x3;
	p0 =	sne.s32 s24, s10;
	[sflag:s23] =	ssyncadd.s32 $0xFFFFC000  }
.Ltmp2:
0x84: {  	s25 =	sor.u32 $0x1C05, s30;
	[bflag:$0x0] =	sbarrier.arrive $0xFFFF;
	(pc) =	sbr.rel @p0 .LBB2_1-.Ltmp2, $4  }
0x85: {  	[hbm:s11], [sflag:s25] =	dma.local [spmem:s31], $0x2800  }
0x86: {  	_ =	swait.ge [sflag:s15], $0x2800  }
0x87: {  	[sflag:s15] =	ssyncset.done $0x0  }
0x88: {  	[sflag:s15] =	ssyncadd.s32 $0xFFFFD800  }
0x89: {  	_ =	sfence.sel $0x180000  }
0x8a: {  	[bflag:$0x0] =	sbarrier.arrive $0xFFFF  }
0x8b: {  	p0 =	sne.s32 s2, $0x0;
	_ =	strace $0x9000004A  }
0x8c: {  	s0 =	sadd.s32 @!p0 $0x100000, s1;
	[bflag:$0x2] =	sbarrier.arrive $0xFFFF  }
0x8d: {  	[sflag:s0] =	ssyncadd.tile.s32 @!p0 $0x1;
	_ =	shalt  }
.Lfunc_end2:
_tile_overlayer_lowered:
.L_overlay_start_2:
0x8e: {  	(tag) =	ssettag $0x2  }
0x8f: {  	s0 =	rddreg [dreg:$0x0];
	s2 =	stileid.u32  }
0x90: {  	s1 =	rddreg [dreg:$0x1];
	p0 =	sne.s32 s2, $0x0  }
0x91: {  	s3 =	rddreg [dreg:$0x2];
	[bflag:$0x3] =	sbarrier.arrive $0xFFFF;
	s2 =	simm.s32 @!p0 $0x1C05  }
0x92: {  	[timem:s3], [sflag:s2] =	dma.local @!p0 [hbm:s0], s1  }
0x93: {  	s0 =	simm.s32 @!p0 $0x5  }
0x94: {  	_ =	swait.ge @!p0 [sflag:s0], s1  }
0x95: {  	s1 =	ssub.s32 @!p0 $0x0, s1;
	[sflag:s0] =	ssyncset.done @!p0 $0x0  }
0x96: {  	[sflag:s0] =	ssyncadd.s32 @!p0 s1  }
0x97: {  	[bflag:$0x3] =	sbarrier.arrive $0xFFFF  }
0x98: {  	_ =	shalt  }

// kernel: kernel.17.cloned.1.call-start
scs
__scs_entry_jumppad:
0x0: {  	(pc) =	sbr.rel $0x88, $3  }
0x1: {  	(tag) =	ssettag $0x0;
	lr =	simm.s32 $0x1  }
0x2: {  	[smem:$0x3F96] =	sst lr;
	_ =	strace $0xD0000000  }
0x3: {  	_ = 	snop  }
0x4: {  	_ = 	snop  }
0x5: {  	_ = 	snop  }
0x6: {  	_ = 	snop  }
0x7: {  	_ = 	snop  }
__scs_overlays_trampoline_lowered:
0x8: {  	[smem:$0x3FA5] =	sst s0  }
0x9: {  	[smem:$0x3FA6] =	sst s1  }
0xa: {  	[smem:$0x3FA7] =	sst s2  }
0xb: {  	[smem:$0x3FA8] =	sst s3  }
0xc: {  	[smem:$0x3FA9] =	sst s4  }
0xd: {  	[smem:$0x3FAA] =	sst s5  }
0xe: {  	[smem:$0x3FAB] =	sst s6  }
0xf: {  	[smem:$0x3FAC] =	sst s7  }
0x10: {  	[smem:$0x3FAD] =	sst s8  }
0x11: {  	[smem:$0x3FAE] =	sst s9;
	s0 =	simm.s32 @!p0 $0x0  }
0x12: {  	s1 =	sld [smem:$0x3F94];
	s0 =	simm.s32 @p0 $0x1  }
0x13: {  	[smem:$0x3FAF] =	sst s0;
	s0 =	simm.s32 @!p1 $0x0  }
0x14: {  	s2 =	sld [smem:$0x3F93];
	s0 =	simm.s32 @p1 $0x1  }
0x15: {  	[smem:$0x3FB0] =	sst s0;
	s0 =	simm.s32 @!p2 $0x0  }
0x16: {  	s3 =	sld [smem:$0x3FDB];
	s0 =	simm.s32 @p2 $0x1  }
0x17: {  	s4 =	simm.s32 $0x1BF5;
	[smem:$0x3FB2] =	sst s0  }
0x18: {  	s0 =	sld [smem:$0x3F95];
	_ =	swait.ge [sflag:s4], $0x0  }
0x19: {  	s7 =	sld [smem:$0x3F96]  }
0x1a: {  	s8 =	sadd.s32 $0xFFFFE003, lr  }
0x1b: {  	s9 =	sadd.s32 $0xFFFFFEF7, lr;
	s5 =	simm.s32 $0xFFFFFFFF;
	p2 =	slt.u32 s8, $0xFFFFF086  }
0x1c: {  	p1 =	slt.u32 s9, $0xF7A;
	s5 =	simm.s32 @!p2 $0x0  }
0x1d: {  	s5 =	simm.s32 @p1 $0x1;
	p0 =	seq.s32 s7, s2  }
0x1e: {  	s7 =	smul.u32 @!p0 $0xF7A, s2;
	p2 =	seq.s32 @!p0 s5, $0x0  }
0x1f: {  	s9 =	smul.u32 $0xF7A, s1;
	s8 =	simm.s32 @!p0 $0x1BF5;
	p2 =	por !p2, p0  }
0x20: {  	[sflag:s8] =	ssyncset.s32 @!p0 $0xFFFFF086;
	s6 =	sadd.s32 @!p0 s3, s7;
	s7 =	simm.s32 @!p0 $0x108  }
0x21: {  	s3 =	sadd.s32 s3, s9;
	s6 =	sadd.s32 @!p0 $0x88, s6;
	s7 =	simm.s32 @p2 $0x1082  }
0x22: {  	[simem:s7], [sflag:s8] =	dma.local @!p0 [hbm:s6], $0xF7A  }
0x23: {  	s9 =	sor.u32 $0xD0000000, s2;
	s6 =	simm.s32 $0x108;
	_ =	swait.ge @!p0 [sflag:s8], $0x0  }
0x24: {  	s3 =	sadd.s32 $0x88, s3;
	s6 =	simm.s32 @!p1 $0x1082;
	[sflag:s4] =	ssyncset.s32 $0xFFFFF086  }
0x25: {  	[simem:s6], [sflag:s4] =	dma.local [hbm:s3], $0xF7A  }
0x26: {  	[smem:$0x3F96] =	sst s1;
	(tag) =	ssettag s2;
	_ =	strace s9  }
0x27: {  	s1 =	sld [smem:$0x3FA6]  }
0x28: {  	s2 =	sld [smem:$0x3FA7]  }
0x29: {  	s4 =	sld [smem:$0x3FA9]  }
0x2a: {  	p0 =	seq.s32 s5, $0x0;
	s5 =	sld [smem:$0x3FAA]  }
0x2b: {  	s6 =	sld [smem:$0x3FAB]  }
0x2c: {  	s7 =	sld [smem:$0x3FAC]  }
0x2d: {  	s3 =	simm.s32 $0x108;
	s8 =	sld [smem:$0x3FAD]  }
0x2e: {  	s3 =	simm.s32 @!p0 $0x1082;
	s9 =	sld [smem:$0x3FAE]  }
0x2f: {  	lr =	sadd.s32 s0, s3;
	s0 =	sld [smem:$0x3FA5]  }
0x30: {  	s3 =	sld [smem:$0x3FA8]  }
0x31: {  	[smem:$0x3FB1] =	sst s10  }
0x32: {  	s10 =	sld [smem:$0x3FAF];
	_ =	sdelay $0x3  }
0x33: {  	p0 =	seq.s32 s10, $0x1;
	s10 =	sld [smem:$0x3FB1];
	_ =	sdelay $0x3  }
0x34: {  	[smem:$0x3FB1] =	sst s10  }
0x35: {  	s10 =	sld [smem:$0x3FB0];
	_ =	sdelay $0x3  }
0x36: {  	p1 =	seq.s32 s10, $0x1;
	s10 =	sld [smem:$0x3FB1];
	_ =	sdelay $0x3  }
0x37: {  	[smem:$0x3FB1] =	sst s10  }
0x38: {  	s10 =	sld [smem:$0x3FB2]  }
0x39: {  	_ = 	snop;
	(pc) =	sbr.ind lr, $3  }
0x3a: {  	_ = 	snop  }
0x3b: {  	_ = 	snop  }
0x3c: {  	p2 =	seq.s32 s10, $0x1;
	s10 =	sld [smem:$0x3FB1]  }
0x3d: {  	_ =	shalt  }
0x3e: {  	_ =	shalt  }
0x3f: {  	_ =	shalt  }
0x40: {  	_ =	shalt  }
0x41: {  	_ =	shalt  }
0x42: {  	_ =	shalt  }
0x43: {  	_ =	shalt  }
0x44: {  	_ =	shalt  }
0x45: {  	_ =	shalt  }
0x46: {  	_ =	shalt  }
0x47: {  	_ =	shalt  }
0x48: {  	_ =	shalt  }
0x49: {  	_ =	shalt  }
0x4a: {  	_ =	shalt  }
0x4b: {  	_ =	shalt  }
0x4c: {  	_ =	shalt  }
0x4d: {  	_ =	shalt  }
0x4e: {  	_ =	shalt  }
0x4f: {  	_ =	shalt  }
0x50: {  	_ =	shalt  }
0x51: {  	_ =	shalt  }
0x52: {  	_ =	shalt  }
0x53: {  	_ =	shalt  }
0x54: {  	_ =	shalt  }
0x55: {  	_ =	shalt  }
0x56: {  	_ =	shalt  }
0x57: {  	_ =	shalt  }
0x58: {  	_ =	shalt  }
0x59: {  	_ =	shalt  }
0x5a: {  	_ =	shalt  }
0x5b: {  	_ =	shalt  }
0x5c: {  	_ =	shalt  }
0x5d: {  	_ =	shalt  }
0x5e: {  	_ =	shalt  }
0x5f: {  	_ =	shalt  }
0x60: {  	_ =	shalt  }
0x61: {  	_ =	shalt  }
0x62: {  	_ =	shalt  }
0x63: {  	_ =	shalt  }
0x64: {  	_ =	shalt  }
0x65: {  	_ =	shalt  }
0x66: {  	_ =	shalt  }
0x67: {  	_ =	shalt  }
0x68: {  	_ =	shalt  }
0x69: {  	_ =	shalt  }
0x6a: {  	_ =	shalt  }
0x6b: {  	_ =	shalt  }
0x6c: {  	_ =	shalt  }
0x6d: {  	_ =	shalt  }
0x6e: {  	_ =	shalt  }
0x6f: {  	_ =	shalt  }
0x70: {  	_ =	shalt  }
0x71: {  	_ =	shalt  }
0x72: {  	_ =	shalt  }
0x73: {  	_ =	shalt  }
0x74: {  	_ =	shalt  }
0x75: {  	_ =	shalt  }
0x76: {  	_ =	shalt  }
0x77: {  	_ =	shalt  }
0x78: {  	_ =	shalt  }
0x79: {  	_ =	shalt  }
0x7a: {  	_ =	shalt  }
0x7b: {  	_ =	shalt  }
0x7c: {  	_ =	shalt  }
0x7d: {  	_ =	shalt  }
0x7e: {  	_ =	shalt  }
0x7f: {  	_ =	shalt  }
0x80: {  	_ =	shalt  }
0x81: {  	_ =	shalt  }
0x82: {  	_ =	shalt  }
0x83: {  	_ =	shalt  }
0x84: {  	_ =	shalt  }
0x85: {  	_ =	shalt  }
0x86: {  	_ =	shalt  }
0x87: {  	_ =	shalt  }
.Lfunc_end0:
.L_simem_size_0:
called_computation.2_lowered:
.L_overlay_start_0:
0x88: {  	s2 =	sld [smem:$0x3FD9]  }
0x89: {  	s3 =	sld [smem:$0x3FFE];
	_ =	sdelay $0x1  }
0x8a: {  	s1 =	srdreg.scid  }
0x8b: {  	s0 =	sand.u32 $0x1, s1  }
0x8c: {  	s17 =	sshll.u32 s0, $0xA;
	s2 =	sadd.s32 s3, s2  }
0x8d: {  	s2 =	sadd.s32 s2, s17  }
0x8e: {  	[smem:$0x3FBD] =	sst s2  }
0x8f: {  	_ = 	snop  }
0x90: {  	s2 =	sld [smem:$0x3FD0];
	(tm) =	ssettm $0x1  }
0x91: {  	s18 =	sld [smem:$0x3FFB];
	_ =	sdelay $0x3  }
0x92: {  	_ =	strace s18  }
0x93: {  	s3 =	sld [smem:$0x3FFC];
	_ =	sdelay $0x3  }
0x94: {  	_ =	strace s3  }
0x95: {  	s3 =	sld [smem:$0x3FFD];
	_ =	sdelay $0x3  }
0x96: {  	_ =	strace s3  }
0x97: {  	_ =	strace $0x8FFFFFFF  }
0x98: {  	s19 =	sld [smem:$0x3FDB];
	_ =	sdelay $0x1  }
0x99: {  	s4 =	simm.s32 $_scs_section_size  }
0x9a: {  	s5 =	simm.s32 $_size__tile_overlayer_lowered;
	s6 =	simm.s32 $_tile_overlayer_lowered  }
0x9b: {  	s22 =	simm.s32 $0x1BFF;
	s21 =	sshll.u32 s6, $0x1;
	s3 =	sadd.s32 s4, s19  }
0x9c: {  	s7 =	simm.s32 $0x0;
	s20 =	sshll.u32 s5, $0x1;
	s5 =	sadd.s32 s21, s3  }
0x9d: {  	[timem:s7], [sflag:s22] =	dma.local [hbm:s5], s20  }
0x9e: {  	_ =	swait.ge [sflag:s22], s20  }
0x9f: {  	s4 =	ssub.s32 $0x0, s20;
	[sflag:s22] =	ssyncset.done $0x0  }
0xa0: {  	[sflag:s22] =	ssyncadd.s32 s4;
	_ =	sdelay $0x1  }
0xa1: {  	s23 =	simm.s32 $0x1B8B  }
0xa2: {  	_ =	swait.ge [sflag:s23], $0x1  }
0xa3: {  	[sflag:s23] =	ssyncset.done $0x0  }
0xa4: {  	s25 =	simm.s32 $0x1B8E;
	s24 =	sld [smem:$0x3FFE];
	[sflag:s23] =	ssyncadd.s32 $0xFFFFFFFF  }
0xa5: {  	s26 =	simm.s32 $execute0_lowered;
	[smem:$0x3FD2] =	sst s25  }
0xa6: {  	s5 =	sshll.u32 s26, $0x1;
	_ =	strace $0x8000004C;
	[dreg:$0x1] =	wrdreg $0xFFFFFFFF  }
0xa7: {  	s28 =	simm.s32 $_size_execute0_lowered;
	s3 =	sadd.s32 s3, s5;
	[dreg:$0x0] =	wrdreg $0x0  }
0xa8: {  	s5 =	sshll.u32 s28, $0x1;
	[dreg:$0x2] =	wrdreg s3  }
0xa9: {  	[dreg:$0x3] =	wrdreg s5  }
0xaa: {  	[dreg:$0x4] =	wrdreg $0xC0  }
0xab: {  	_ =	task [dreg:s7], $0x5FFFF  }
0xac: {  	[dreg:$0x1] =	wrdreg $0xFFFFFFFF  }
0xad: {  	[dreg:$0x0] =	wrdreg $0x60  }
0xae: {  	[dreg:$0x2] =	wrdreg s2  }
0xaf: {  	[dreg:$0x3] =	wrdreg s24  }
0xb0: {  	[dreg:$0x4] =	wrdreg $0x82000  }
0xb1: {  	[dreg:$0x5] =	wrdreg $0x9  }
0xb2: {  	_ =	task.clear_ibuf [dreg:s7], $0x6FFFF;
	_ =	strace $0x9000004C  }
0xb3: {  	s29 =	simm.s32 $0x9;
	_ =	strace $0x8000004E  }
0xb4: {  	_ =	swait.ge [sflag:s29], $0x1  }
0xb5: {  	[sflag:s29] =	ssyncadd.s32 $0xFFFFFFFF  }
0xb6: {  	_ =	strace $0x9000004E  }
0xb7: {  	_ =	sfence  }
0xb8: {  	s30 =	sld [smem:$0x0];
	_ =	sdelay $0x2  }
0xb9: {  	s31 =	sshll.u32 s1, $0xD;
	s1 =	sshrl.u32 s1, $0x2  }
0xba: {  	s3 =	sand.u32 $0x4000, s31;
	s1 =	sadd.s32 s1, s30  }
0xbb: {  	s0 =	sor.u32 s3, s0;
	s1 =	sshll.u32 s1, $0x11  }
0xbc: {  	s0 =	sor.u32 s1, s0  }
0xbd: {  	s0 =	sadd.s32 $0x8F2B, s0  }
0xbe: {  	[sflag:s0] =	ssyncadd.remote.s32 $0x1  }
0xbf: {  	_ =	sfence.sel $0xFFFF  }
0xc0: {  	[dreg:$0x0] =	wrdreg $0xFFFFFFFF;
	(pc) =	sbr.abs _section_cstart, $3  }
0xc1: {  	[dreg:$0x1] =	wrdreg $0xFFFFFFFF  }
0xc2: {  	_ =	task.clear_ibuf [dreg:s7], $0x2FFFF;
	_ =	strace $0x9FFFFFFF  }
0xc3: {  	(tm) =	ssettm $0x7FFFFFFF  }
tec
execute0_lowered:
.L_overlay_start_1:
0x0: {  	(tag) =	ssettag $0x1  }
0x1: {  	s1 =	rddreg [dreg:$0x0]  }
0x2: {  	s7 =	rddreg [dreg:$0x1]  }
0x3: {  	s3 =	rddreg [dreg:$0x2];
	s4 =	simm.s32 $0x0;
	s2 =	stileid.u32  }
0x4: {  	s8 =	srdreg.scid;
	s18 =	simm.s32 $0x5;
	s19 =	simm.s32 $0x100  }
0x5: {  	s20 =	simm.s32 $0x80;
	s21 =	simm.s32 $0x4200;
	s22 =	simm.s32 $0x1  }
0x6: {  	s23 =	simm.s32 $0x2;
	s24 =	simm.s32 $0x180;
	s25 =	simm.s32 $0x3  }
0x7: {  	s26 =	simm.s32 $0x4;
	s28 =	simm.s32 $0x0;
	s6 =	smul.u32 $0xA00, s2  }
0x8: {  	[smem:$0x7FF] =	sst s4;
	s5 =	sadd.s32 $0x18800, s7;
	s31 =	smul.u32 $0x50000, s2  }
0x9: {  	s17 =	sand.u32 $0x1, s8;
	s0 =	sadd.s32 $0x40800, s7;
	s13 =	smul.u32 $0x14000, s2  }
0xa: {  	_ =	strace $0x8000004D;
	[dreg:$0x4] =	wrdreg s0;
	s9 =	ssub.s32 $0x2, s17  }
0xb: {  	p0 =	sne.s32 s17, $0x0;
	s17 =	simm.s32 $0x200;
	s16 =	sadd.s32 s6, s7  }
.Ltmp0:
0xc: {  	s10 =	sshrl.u32 s9, $0x1;
	s8 =	sshrl.u32 s31, $0x2;
	(pc) =	sbr.rel .LBB2_1-.Ltmp0, $4  }
0xd: {  	s7 =	sadd.s32 $0x68800, s7;
	s14 =	ssub.s32 s9, s10;
	s12 =	sadd.s32 s8, s3  }
0xe: {  	s8 =	sadd.s32 s13, s3;
	s13 =	sshrl.u32 s13, $0x3;
	s15 =	sadd.s32 $0xE800, s16  }
0xf: {  	s16 =	sadd.s32 $0x4800, s16;
	s9 =	sadd.s32 $0x4000, s12;
	s10 =	sadd.s32 $0x8000, s12  }
0x10: {  	v0 =	vimm.f32 $0.0e+00;
	s11 =	sadd.s32 $0xC000, s12;
	s12 =	sadd.s32 $0x10000, s12;
	s14 =	smax.u32 s14, $0x1  }
.LBB2_9:
0x11: {  	s0 =	sadd.s32 s29, s16;
	[sflag:s26] =	ssyncadd.s32 $0xFFFFC000  }
0x12: {  	[tilespmem:s4], [sflag:$0x5] =	stream.linear.gather [hbm4b:s0+s4], $0x100, $0x38;
	[tilespmem:$0x1C200] =	vst v63  }
0x13: {  	_ =	swait.ge [sflag:s18], $0x100  }
0x14: {  	[sflag:s18] =	ssyncset.done $0x0  }
0x15: {  	s31 =	sadd.s32 s29, s15;
	[sflag:s18] =	ssyncadd.s32 $0xFFFFFF00  }
0x16: {  	[tilespmem:s19], [sflag:$0x5] =	stream.linear.gather [hbm4b:s31+s4], $0x100, $0x38;
	[tilespmem:$0x1C200] =	vst v63  }
0x17: {  	_ =	swait.ge [sflag:s18], $0x100  }
0x18: {  	[sflag:s18] =	ssyncset.done $0x0  }
0x19: {  	[sflag:s18] =	ssyncadd.s32 $0xFFFFFF00  }
0x1a: {  	[tilespmem:s17], [sflag:$0x1] =	stream.indirect.gather [hbm4b:s5+s20], $0x80, s4, s20, $0xb8;
	[tilespmem:$0x1C200] =	vst v63  }
0x1b: {  	_ = 	snop  }
0x1c: {  	[tilespmem:s21], [sflag:$0x2] =	stream.indirect.gather [hbm4b:s5+s20], $0x80, s20, s20, $0xb8;
	[tilespmem:$0x1C200] =	vst v63  }
0x1d: {  	_ =	swait.ge [sflag:s22], $0x4000  }
0x1e: {  	[sflag:s22] =	ssyncset.done $0x0  }
0x1f: {  	[sflag:s22] =	ssyncadd.s32 $0xFFFFC000  }
0x20: {  	[spmem:s3] =	stream.indirect.scatter.add.f32 [tilespmem:s17], [sflag:$0x3], $0x80, s19, s20, $0xb8;
	[tilespmem:$0x1C200] =	vst v63  }
0x21: {  	_ =	swait.ge [sflag:s23], $0x4000  }
0x22: {  	[sflag:s23] =	ssyncset.done $0x0  }
0x23: {  	[sflag:s23] =	ssyncadd.s32 $0xFFFFC000  }
0x24: {  	[spmem:s3] =	stream.indirect.scatter.add.f32 [tilespmem:s21], [sflag:$0x4], $0x80, s24, s20, $0xb8;
	[tilespmem:$0x1C200] =	vst v63  }
0x25: {  	_ =	swait.ge [sflag:s25], $0x4000  }
0x26: {  	[sflag:s25] =	ssyncset.done $0x0  }
0x27: {  	[sflag:s25] =	ssyncadd.s32 $0xFFFFC000  }
0x28: {  	_ =	swait.ge [sflag:s26], $0x4000  }
0x29: {  	[sflag:s26] =	ssyncset.done $0x0  }
0x2a: {  	s29 =	smov.u32 s7;
	[sflag:s26] =	ssyncadd.s32 $0xFFFFC000  }
.LBB2_10:
0x2b: {  	s0 =	sadd.s32 s29, s13;
	s28 =	sadd.s32 $0x1, s28  }
0x2c: {  	s6 =	sshll.u32 s2, $0x6;
	[bflag:$0x0] =	sbarrier.arrive $0xFFFF;
	p1 =	sne.s32 s28, s14  }
.Ltmp1:
0x2d: {  	s31 =	sshrl.u32 s8, $0x3;
	s6 =	sor.u32 $0x1C05, s6;
	(pc) =	sbr.rel @!p1 .LBB2_11-.Ltmp1, $4  }
0x2e: {  	[hbm:s0], [sflag:s6] =	dma.local [spmem:s31], $0x2800  }
0x2f: {  	_ =	swait.ge [sflag:s18], $0x2800  }
0x30: {  	[sflag:s18] =	ssyncset.done $0x0  }
0x31: {  	[sflag:s18] =	ssyncadd.s32 $0xFFFFD800  }
.LBB2_1:
0x32: {  	s29 =	simm.s32 $0x0;
	s30 =	simm.s32 $0x200  }
.LBB2_2:
0x33: {  	p1 =	sne.s32 s30, $0xFE00;
	[tilespmem:s29+$0x270] =	vst v0  }
0x34: {  	[tilespmem:s29+$0x200] =	vst v0  }
0x35: {  	[tilespmem:s29+$0x210] =	vst v0  }
.Ltmp2:
0x36: {  	[tilespmem:s29+$0x220] =	vst v0;
	(pc) =	sbr.rel @p1 .LBB2_2-.Ltmp2, $4  }
0x37: {  	[tilespmem:s29+$0x230] =	vst v0  }
0x38: {  	[tilespmem:s29+$0x240] =	vst v0  }
0x39: {  	[tilespmem:s29+$0x250] =	vst v0  }
0x3a: {  	[tilespmem:s29+$0x260] =	vst v0;
	s29 =	sshra.s32 s30, $0x2;
	s30 =	sadd.s32 $0x200, s30  }
0x3b: {  	[tilespmem:s29+$0x270] =	vst v0  }
0x3c: {  	[tilespmem:s29+$0x200] =	vst v0  }
0x3d: {  	[tilespmem:s29+$0x210] =	vst v0  }
0x3e: {  	[tilespmem:s29+$0x220] =	vst v0  }
0x3f: {  	[tilespmem:s29+$0x230] =	vst v0  }
0x40: {  	[tilespmem:s29+$0x240] =	vst v0  }
0x41: {  	[tilespmem:s29+$0x250] =	vst v0  }
0x42: {  	[tilespmem:s29+$0x260] =	vst v0  }
0x43: {  	[spmem:s8] =	stream.linear.scatter [tilespmem:s17], [sflag:$0x5], $0x4000, $0x38;
	[tilespmem:$0x1C200] =	vst v63  }
0x44: {  	_ =	swait.ge [sflag:s18], $0x4000  }
0x45: {  	[sflag:s18] =	ssyncset.done $0x0  }
0x46: {  	[sflag:s18] =	ssyncadd.s32 $0xFFFFC000  }
0x47: {  	[spmem:s9] =	stream.linear.scatter [tilespmem:s17], [sflag:$0x5], $0x4000, $0x38;
	[tilespmem:$0x1C200] =	vst v63  }
0x48: {  	_ =	swait.ge [sflag:s18], $0x4000  }
0x49: {  	[sflag:s18] =	ssyncset.done $0x0  }
0x4a: {  	[sflag:s18] =	ssyncadd.s32 $0xFFFFC000  }
0x4b: {  	[spmem:s10] =	stream.linear.scatter [tilespmem:s17], [sflag:$0x5], $0x4000, $0x38;
	[tilespmem:$0x1C200] =	vst v63  }
0x4c: {  	_ =	swait.ge [sflag:s18], $0x4000  }
0x4d: {  	[sflag:s18] =	ssyncset.done $0x0  }
0x4e: {  	[sflag:s18] =	ssyncadd.s32 $0xFFFFC000  }
0x4f: {  	[spmem:s11] =	stream.linear.scatter [tilespmem:s17], [sflag:$0x5], $0x4000, $0x38;
	[tilespmem:$0x1C200] =	vst v63  }
0x50: {  	_ =	swait.ge [sflag:s18], $0x4000  }
0x51: {  	[sflag:s18] =	ssyncset.done $0x0  }
0x52: {  	[sflag:s18] =	ssyncadd.s32 $0xFFFFC000  }
0x53: {  	[spmem:s12] =	stream.linear.scatter [tilespmem:s17], [sflag:$0x5], $0x4000, $0x38;
	[tilespmem:$0x1C200] =	vst v63  }
.Ltmp3:
0x54: {  	_ =	swait.ge [sflag:s18], $0x4000;
	(pc) =	sbr.rel @p0 .LBB2_7-.Ltmp3, $3  }
0x55: {  	[sflag:s18] =	ssyncset.done $0x0  }
0x56: {  	[sflag:s18] =	ssyncadd.s32 $0xFFFFC000  }
0x57: {  	[bflag:$0x0] =	sbarrier.arrive $0xFFFF;
	_ =	sdelay $0x1  }
0x58: {  	s29 =	sadd.s32 $0x0, s16  }
0x59: {  	[tilespmem:s4], [sflag:$0x5] =	stream.linear.gather [hbm4b:s29+s4], $0x100, $0x38;
	[tilespmem:$0x1C200] =	vst v63  }
0x5a: {  	_ =	swait.ge [sflag:s18], $0x100  }
0x5b: {  	[sflag:s18] =	ssyncset.done $0x0  }
0x5c: {  	s29 =	sadd.s32 $0x0, s15;
	[sflag:s18] =	ssyncadd.s32 $0xFFFFFF00  }
0x5d: {  	[tilespmem:s19], [sflag:$0x5] =	stream.linear.gather [hbm4b:s29+s4], $0x100, $0x38;
	[tilespmem:$0x1C200] =	vst v63  }
0x5e: {  	_ =	swait.ge [sflag:s18], $0x100  }
0x5f: {  	[sflag:s18] =	ssyncset.done $0x0  }
0x60: {  	[sflag:s18] =	ssyncadd.s32 $0xFFFFFF00  }
0x61: {  	[tilespmem:s17], [sflag:$0x1] =	stream.indirect.gather [hbm4b:s1+s20], $0x80, s4, s20, $0xb8;
	[tilespmem:$0x1C200] =	vst v63  }
0x62: {  	_ = 	snop  }
0x63: {  	[tilespmem:s21], [sflag:$0x2] =	stream.indirect.gather [hbm4b:s1+s20], $0x80, s20, s20, $0xb8;
	[tilespmem:$0x1C200] =	vst v63  }
0x64: {  	_ =	swait.ge [sflag:s22], $0x4000  }
0x65: {  	[sflag:s22] =	ssyncset.done $0x0  }
0x66: {  	[sflag:s22] =	ssyncadd.s32 $0xFFFFC000  }
0x67: {  	[spmem:s3] =	stream.indirect.scatter.add.f32 [tilespmem:s17], [sflag:$0x3], $0x80, s19, s20, $0xb8;
	[tilespmem:$0x1C200] =	vst v63  }
0x68: {  	_ =	swait.ge [sflag:s23], $0x4000  }
0x69: {  	[sflag:s23] =	ssyncset.done $0x0  }
0x6a: {  	[sflag:s23] =	ssyncadd.s32 $0xFFFFC000  }
0x6b: {  	[spmem:s3] =	stream.indirect.scatter.add.f32 [tilespmem:s21], [sflag:$0x4], $0x80, s24, s20, $0xb8;
	[tilespmem:$0x1C200] =	vst v63  }
0x6c: {  	_ =	swait.ge [sflag:s25], $0x4000  }
0x6d: {  	[sflag:s25] =	ssyncset.done $0x0  }
0x6e: {  	[sflag:s25] =	ssyncadd.s32 $0xFFFFC000  }
0x6f: {  	_ =	swait.ge [sflag:s26], $0x4000  }
0x70: {  	s30 =	simm.s32 $0x40;
	s29 =	simm.s32 $0x20;
	[sflag:s26] =	ssyncset.done $0x0  }
.LBB2_5:
0x71: {  	s31 =	sadd.s32 s29, s16  }
0x72: {  	[sflag:s26] =	ssyncadd.s32 $0xFFFFC000;
	s0 =	smov.u32 s30;
	s6 =	sadd.s32 $0x20, s30  }
0x73: {  	[tilespmem:s4], [sflag:$0x5] =	stream.linear.gather [hbm4b:s31+s4], $0x100, $0x38;
	[tilespmem:$0x1C200] =	vst v63  }
0x74: {  	p1 =	seq.s32 s30, $0x9E0;
	_ =	swait.ge [sflag:s18], $0x100  }
0x75: {  	[sflag:s18] =	ssyncset.done $0x0  }
0x76: {  	s30 =	sadd.s32 s29, s15;
	s29 =	smov.u32 s0;
	[sflag:s18] =	ssyncadd.s32 $0xFFFFFF00  }
0x77: {  	[tilespmem:s19], [sflag:$0x5] =	stream.linear.gather [hbm4b:s30+s4], $0x100, $0x38;
	[tilespmem:$0x1C200] =	vst v63  }
0x78: {  	_ =	swait.ge [sflag:s18], $0x100  }
0x79: {  	[sflag:s18] =	ssyncset.done $0x0  }
0x7a: {  	[sflag:s18] =	ssyncadd.s32 $0xFFFFFF00  }
0x7b: {  	[tilespmem:s17], [sflag:$0x1] =	stream.indirect.gather [hbm4b:s1+s20], $0x80, s4, s20, $0xb8;
	[tilespmem:$0x1C200] =	vst v63  }
0x7c: {  	_ = 	snop  }
0x7d: {  	[tilespmem:s21], [sflag:$0x2] =	stream.indirect.gather [hbm4b:s1+s20], $0x80, s20, s20, $0xb8;
	[tilespmem:$0x1C200] =	vst v63  }
0x7e: {  	_ =	swait.ge [sflag:s22], $0x4000  }
0x7f: {  	[sflag:s22] =	ssyncset.done $0x0  }
0x80: {  	[sflag:s22] =	ssyncadd.s32 $0xFFFFC000  }
0x81: {  	[spmem:s3] =	stream.indirect.scatter.add.f32 [tilespmem:s17], [sflag:$0x3], $0x80, s19, s20, $0xb8;
	[tilespmem:$0x1C200] =	vst v63  }
0x82: {  	_ =	swait.ge [sflag:s23], $0x4000  }
0x83: {  	[sflag:s23] =	ssyncset.done $0x0  }
0x84: {  	[sflag:s23] =	ssyncadd.s32 $0xFFFFC000  }
0x85: {  	[spmem:s3] =	stream.indirect.scatter.add.f32 [tilespmem:s21], [sflag:$0x4], $0x80, s24, s20, $0xb8;
	[tilespmem:$0x1C200] =	vst v63  }
.Ltmp4:
0x86: {  	_ =	swait.ge [sflag:s25], $0x4000;
	(pc) =	sbr.rel @!p1 .LBB2_5-.Ltmp4, $4  }
0x87: {  	[sflag:s25] =	ssyncset.done $0x0  }
0x88: {  	[sflag:s25] =	ssyncadd.s32 $0xFFFFC000  }
0x89: {  	_ =	swait.ge [sflag:s26], $0x4000  }
0x8a: {  	s30 =	smov.u32 s6;
	[sflag:s26] =	ssyncset.done $0x0  }
0x8b: {  	s0 =	sadd.s32 s29, s16;
	[sflag:s26] =	ssyncadd.s32 $0xFFFFC000  }
0x8c: {  	[tilespmem:s4], [sflag:$0x5] =	stream.linear.gather [hbm4b:s0+s4], $0x100, $0x38;
	[tilespmem:$0x1C200] =	vst v63  }
0x8d: {  	_ =	swait.ge [sflag:s18], $0x100  }
0x8e: {  	[sflag:s18] =	ssyncset.done $0x0  }
0x8f: {  	s31 =	sadd.s32 s29, s15;
	[sflag:s18] =	ssyncadd.s32 $0xFFFFFF00  }
0x90: {  	[tilespmem:s19], [sflag:$0x5] =	stream.linear.gather [hbm4b:s31+s4], $0x100, $0x38;
	[tilespmem:$0x1C200] =	vst v63  }
0x91: {  	_ =	swait.ge [sflag:s18], $0x100  }
0x92: {  	[sflag:s18] =	ssyncset.done $0x0  }
0x93: {  	[sflag:s18] =	ssyncadd.s32 $0xFFFFFF00  }
0x94: {  	[tilespmem:s17], [sflag:$0x1] =	stream.indirect.gather [hbm4b:s1+s20], $0x80, s4, s20, $0xb8;
	[tilespmem:$0x1C200] =	vst v63  }
0x95: {  	_ = 	snop  }
0x96: {  	[tilespmem:s21], [sflag:$0x2] =	stream.indirect.gather [hbm4b:s1+s20], $0x80, s20, s20, $0xb8;
	[tilespmem:$0x1C200] =	vst v63  }
0x97: {  	_ =	swait.ge [sflag:s22], $0x4000  }
0x98: {  	[sflag:s22] =	ssyncset.done $0x0  }
0x99: {  	[sflag:s22] =	ssyncadd.s32 $0xFFFFC000  }
0x9a: {  	[spmem:s3] =	stream.indirect.scatter.add.f32 [tilespmem:s17], [sflag:$0x3], $0x80, s19, s20, $0xb8;
	[tilespmem:$0x1C200] =	vst v63  }
0x9b: {  	_ =	swait.ge [sflag:s23], $0x4000  }
0x9c: {  	[sflag:s23] =	ssyncset.done $0x0  }
0x9d: {  	[sflag:s23] =	ssyncadd.s32 $0xFFFFC000  }
0x9e: {  	[spmem:s3] =	stream.indirect.scatter.add.f32 [tilespmem:s21], [sflag:$0x4], $0x80, s24, s20, $0xb8;
	[tilespmem:$0x1C200] =	vst v63  }
0x9f: {  	_ =	swait.ge [sflag:s25], $0x4000  }
.Ltmp5:
0xa0: {  	[sflag:s25] =	ssyncset.done $0x0;
	(pc) =	sbr.rel .LBB2_10-.Ltmp5, $4  }
0xa1: {  	[sflag:s25] =	ssyncadd.s32 $0xFFFFC000  }
0xa2: {  	_ =	swait.ge [sflag:s26], $0x4000  }
0xa3: {  	[sflag:s26] =	ssyncset.done $0x0  }
0xa4: {  	s29 =	rddreg [dreg:$0x4];
	[sflag:s26] =	ssyncadd.s32 $0xFFFFC000  }
.LBB2_7:
0xa5: {  	s0 =	sadd.s32 $0x0, s16  }
0xa6: {  	[tilespmem:s4], [sflag:$0x5] =	stream.linear.gather [hbm4b:s0+s4], $0x100, $0x38;
	[tilespmem:$0x1C200] =	vst v63  }
0xa7: {  	_ =	swait.ge [sflag:s18], $0x100  }
0xa8: {  	[sflag:s18] =	ssyncset.done $0x0  }
0xa9: {  	s31 =	sadd.s32 $0x0, s15;
	[sflag:s18] =	ssyncadd.s32 $0xFFFFFF00  }
0xaa: {  	[tilespmem:s19], [sflag:$0x5] =	stream.linear.gather [hbm4b:s31+s4], $0x100, $0x38;
	[tilespmem:$0x1C200] =	vst v63  }
0xab: {  	_ =	swait.ge [sflag:s18], $0x100  }
0xac: {  	[sflag:s18] =	ssyncset.done $0x0  }
0xad: {  	[sflag:s18] =	ssyncadd.s32 $0xFFFFFF00  }
0xae: {  	[tilespmem:s17], [sflag:$0x1] =	stream.indirect.gather [hbm4b:s5+s20], $0x80, s4, s20, $0xb8;
	[tilespmem:$0x1C200] =	vst v63  }
0xaf: {  	_ = 	snop  }
0xb0: {  	[tilespmem:s21], [sflag:$0x2] =	stream.indirect.gather [hbm4b:s5+s20], $0x80, s20, s20, $0xb8;
	[tilespmem:$0x1C200] =	vst v63  }
0xb1: {  	_ =	swait.ge [sflag:s22], $0x4000  }
0xb2: {  	[sflag:s22] =	ssyncset.done $0x0  }
0xb3: {  	[sflag:s22] =	ssyncadd.s32 $0xFFFFC000  }
0xb4: {  	[spmem:s3] =	stream.indirect.scatter.add.f32 [tilespmem:s17], [sflag:$0x3], $0x80, s19, s20, $0xb8;
	[tilespmem:$0x1C200] =	vst v63  }
0xb5: {  	_ =	swait.ge [sflag:s23], $0x4000  }
0xb6: {  	[sflag:s23] =	ssyncset.done $0x0  }
0xb7: {  	[sflag:s23] =	ssyncadd.s32 $0xFFFFC000  }
0xb8: {  	[spmem:s3] =	stream.indirect.scatter.add.f32 [tilespmem:s21], [sflag:$0x4], $0x80, s24, s20, $0xb8;
	[tilespmem:$0x1C200] =	vst v63  }
0xb9: {  	_ =	swait.ge [sflag:s25], $0x4000  }
0xba: {  	[sflag:s25] =	ssyncset.done $0x0  }
0xbb: {  	[sflag:s25] =	ssyncadd.s32 $0xFFFFC000  }
0xbc: {  	_ =	swait.ge [sflag:s26], $0x4000  }
0xbd: {  	s29 =	simm.s32 $0x20;
	s30 =	simm.s32 $0x40;
	[sflag:s26] =	ssyncset.done $0x0  }
.LBB2_8:
0xbe: {  	s0 =	sadd.s32 s29, s16  }
0xbf: {  	[sflag:s26] =	ssyncadd.s32 $0xFFFFC000;
	s6 =	smov.u32 s30;
	s31 =	sadd.s32 $0x20, s30  }
0xc0: {  	[tilespmem:s4], [sflag:$0x5] =	stream.linear.gather [hbm4b:s0+s4], $0x100, $0x38;
	[tilespmem:$0x1C200] =	vst v63  }
0xc1: {  	p1 =	sne.s32 s30, $0x9E0;
	_ =	swait.ge [sflag:s18], $0x100  }
0xc2: {  	[sflag:s18] =	ssyncset.done $0x0  }
0xc3: {  	s0 =	sadd.s32 s29, s15;
	s29 =	smov.u32 s6;
	[sflag:s18] =	ssyncadd.s32 $0xFFFFFF00  }
0xc4: {  	[tilespmem:s19], [sflag:$0x5] =	stream.linear.gather [hbm4b:s0+s4], $0x100, $0x38;
	[tilespmem:$0x1C200] =	vst v63  }
0xc5: {  	_ =	swait.ge [sflag:s18], $0x100  }
0xc6: {  	[sflag:s18] =	ssyncset.done $0x0  }
0xc7: {  	[sflag:s18] =	ssyncadd.s32 $0xFFFFFF00  }
0xc8: {  	[tilespmem:s17], [sflag:$0x1] =	stream.indirect.gather [hbm4b:s5+s20], $0x80, s4, s20, $0xb8;
	[tilespmem:$0x1C200] =	vst v63  }
0xc9: {  	_ = 	snop  }
0xca: {  	[tilespmem:s21], [sflag:$0x2] =	stream.indirect.gather [hbm4b:s5+s20], $0x80, s20, s20, $0xb8;
	[tilespmem:$0x1C200] =	vst v63  }
0xcb: {  	_ =	swait.ge [sflag:s22], $0x4000  }
0xcc: {  	[sflag:s22] =	ssyncset.done $0x0  }
0xcd: {  	[sflag:s22] =	ssyncadd.s32 $0xFFFFC000  }
0xce: {  	[spmem:s3] =	stream.indirect.scatter.add.f32 [tilespmem:s17], [sflag:$0x3], $0x80, s19, s20, $0xb8;
	[tilespmem:$0x1C200] =	vst v63  }
0xcf: {  	_ =	swait.ge [sflag:s23], $0x4000  }
0xd0: {  	[sflag:s23] =	ssyncset.done $0x0  }
0xd1: {  	[sflag:s23] =	ssyncadd.s32 $0xFFFFC000  }
0xd2: {  	[spmem:s3] =	stream.indirect.scatter.add.f32 [tilespmem:s21], [sflag:$0x4], $0x80, s24, s20, $0xb8;
	[tilespmem:$0x1C200] =	vst v63  }
.Ltmp6:
0xd3: {  	_ =	swait.ge [sflag:s25], $0x4000;
	(pc) =	sbr.rel @p1 .LBB2_8-.Ltmp6, $4  }
0xd4: {  	[sflag:s25] =	ssyncset.done $0x0  }
0xd5: {  	[sflag:s25] =	ssyncadd.s32 $0xFFFFC000  }
0xd6: {  	_ =	swait.ge [sflag:s26], $0x4000  }
0xd7: {  	s30 =	smov.u32 s31;
	[sflag:s26] =	ssyncset.done $0x0  }
.Ltmp7:
0xd8: {  	_ = 	snop;
	(pc) =	sbr.rel .LBB2_9-.Ltmp7, $1  }
0xd9: {  	_ =	sdelay $0x3  }
.LBB2_11:
0xda: {  	_ =	sfence.sel $0x180000  }
0xdb: {  	[bflag:$0x0] =	sbarrier.arrive $0xFFFF  }
0xdc: {  	_ =	strace $0x9000004D  }
0xdd: {  	[bflag:$0x2] =	sbarrier.arrive $0xFFFF  }
0xde: {  	p0 =	sne.s32 s2, $0x0;
	s0 =	rddreg [dreg:$0x3]  }
0xdf: {  	s0 =	sadd.s32 @!p0 $0x100000, s0  }
0xe0: {  	[sflag:s0] =	ssyncadd.tile.s32 @!p0 $0x1;
	_ =	shalt  }
.Lfunc_end2:
_tile_overlayer_lowered:
.L_overlay_start_2:
0xe1: {  	(tag) =	ssettag $0x2  }
0xe2: {  	s0 =	rddreg [dreg:$0x0];
	s2 =	stileid.u32  }
0xe3: {  	s1 =	rddreg [dreg:$0x1];
	p0 =	sne.s32 s2, $0x0  }
0xe4: {  	s3 =	rddreg [dreg:$0x2];
	[bflag:$0x3] =	sbarrier.arrive $0xFFFF;
	s2 =	simm.s32 @!p0 $0x1C05  }
0xe5: {  	[timem:s3], [sflag:s2] =	dma.local @!p0 [hbm:s0], s1  }
0xe6: {  	s0 =	simm.s32 @!p0 $0x5  }
0xe7: {  	_ =	swait.ge @!p0 [sflag:s0], s1  }
0xe8: {  	s1 =	ssub.s32 @!p0 $0x0, s1;
	[sflag:s0] =	ssyncset.done @!p0 $0x0  }
0xe9: {  	[sflag:s0] =	ssyncadd.s32 @!p0 s1  }
0xea: {  	[bflag:$0x3] =	sbarrier.arrive $0xFFFF  }
0xeb: {  	_ =	shalt  }

// kernel: kernel.20.cloned.1.call-start
scs
__scs_entry_jumppad:
0x0: {  	(pc) =	sbr.rel $0x88, $3  }
0x1: {  	(tag) =	ssettag $0x0;
	lr =	simm.s32 $0x1  }
0x2: {  	[smem:$0x3F96] =	sst lr;
	_ =	strace $0xD0000000  }
0x3: {  	_ = 	snop  }
0x4: {  	_ = 	snop  }
0x5: {  	_ = 	snop  }
0x6: {  	_ = 	snop  }
0x7: {  	_ = 	snop  }
__scs_overlays_trampoline_lowered:
0x8: {  	[smem:$0x3FA5] =	sst s0  }
0x9: {  	[smem:$0x3FA6] =	sst s1  }
0xa: {  	[smem:$0x3FA7] =	sst s2  }
0xb: {  	[smem:$0x3FA8] =	sst s3  }
0xc: {  	[smem:$0x3FA9] =	sst s4  }
0xd: {  	[smem:$0x3FAA] =	sst s5  }
0xe: {  	[smem:$0x3FAB] =	sst s6  }
0xf: {  	[smem:$0x3FAC] =	sst s7  }
0x10: {  	[smem:$0x3FAD] =	sst s8  }
0x11: {  	[smem:$0x3FAE] =	sst s9;
	s0 =	simm.s32 @!p0 $0x0  }
0x12: {  	s1 =	sld [smem:$0x3F94];
	s0 =	simm.s32 @p0 $0x1  }
0x13: {  	[smem:$0x3FAF] =	sst s0;
	s0 =	simm.s32 @!p1 $0x0  }
0x14: {  	s2 =	sld [smem:$0x3F93];
	s0 =	simm.s32 @p1 $0x1  }
0x15: {  	[smem:$0x3FB0] =	sst s0;
	s0 =	simm.s32 @!p2 $0x0  }
0x16: {  	s3 =	sld [smem:$0x3FDB];
	s0 =	simm.s32 @p2 $0x1  }
0x17: {  	s4 =	simm.s32 $0x1BF5;
	[smem:$0x3FB2] =	sst s0  }
0x18: {  	s0 =	sld [smem:$0x3F95];
	_ =	swait.ge [sflag:s4], $0x0  }
0x19: {  	s7 =	sld [smem:$0x3F96]  }
0x1a: {  	s8 =	sadd.s32 $0xFFFFE003, lr  }
0x1b: {  	s9 =	sadd.s32 $0xFFFFFEF7, lr;
	s5 =	simm.s32 $0xFFFFFFFF;
	p2 =	slt.u32 s8, $0xFFFFF086  }
0x1c: {  	p1 =	slt.u32 s9, $0xF7A;
	s5 =	simm.s32 @!p2 $0x0  }
0x1d: {  	s5 =	simm.s32 @p1 $0x1;
	p0 =	seq.s32 s7, s2  }
0x1e: {  	s7 =	smul.u32 @!p0 $0xF7A, s2;
	p2 =	seq.s32 @!p0 s5, $0x0  }
0x1f: {  	s9 =	smul.u32 $0xF7A, s1;
	s8 =	simm.s32 @!p0 $0x1BF5;
	p2 =	por !p2, p0  }
0x20: {  	[sflag:s8] =	ssyncset.s32 @!p0 $0xFFFFF086;
	s6 =	sadd.s32 @!p0 s3, s7;
	s7 =	simm.s32 @!p0 $0x108  }
0x21: {  	s3 =	sadd.s32 s3, s9;
	s6 =	sadd.s32 @!p0 $0x88, s6;
	s7 =	simm.s32 @p2 $0x1082  }
0x22: {  	[simem:s7], [sflag:s8] =	dma.local @!p0 [hbm:s6], $0xF7A  }
0x23: {  	s9 =	sor.u32 $0xD0000000, s2;
	s6 =	simm.s32 $0x108;
	_ =	swait.ge @!p0 [sflag:s8], $0x0  }
0x24: {  	s3 =	sadd.s32 $0x88, s3;
	s6 =	simm.s32 @!p1 $0x1082;
	[sflag:s4] =	ssyncset.s32 $0xFFFFF086  }
0x25: {  	[simem:s6], [sflag:s4] =	dma.local [hbm:s3], $0xF7A  }
0x26: {  	[smem:$0x3F96] =	sst s1;
	(tag) =	ssettag s2;
	_ =	strace s9  }
0x27: {  	s1 =	sld [smem:$0x3FA6]  }
0x28: {  	s2 =	sld [smem:$0x3FA7]  }
0x29: {  	s4 =	sld [smem:$0x3FA9]  }
0x2a: {  	p0 =	seq.s32 s5, $0x0;
	s5 =	sld [smem:$0x3FAA]  }
0x2b: {  	s6 =	sld [smem:$0x3FAB]  }
0x2c: {  	s7 =	sld [smem:$0x3FAC]  }
0x2d: {  	s3 =	simm.s32 $0x108;
	s8 =	sld [smem:$0x3FAD]  }
0x2e: {  	s3 =	simm.s32 @!p0 $0x1082;
	s9 =	sld [smem:$0x3FAE]  }
0x2f: {  	lr =	sadd.s32 s0, s3;
	s0 =	sld [smem:$0x3FA5]  }
0x30: {  	s3 =	sld [smem:$0x3FA8]  }
0x31: {  	[smem:$0x3FB1] =	sst s10  }
0x32: {  	s10 =	sld [smem:$0x3FAF];
	_ =	sdelay $0x3  }
0x33: {  	p0 =	seq.s32 s10, $0x1;
	s10 =	sld [smem:$0x3FB1];
	_ =	sdelay $0x3  }
0x34: {  	[smem:$0x3FB1] =	sst s10  }
0x35: {  	s10 =	sld [smem:$0x3FB0];
	_ =	sdelay $0x3  }
0x36: {  	p1 =	seq.s32 s10, $0x1;
	s10 =	sld [smem:$0x3FB1];
	_ =	sdelay $0x3  }
0x37: {  	[smem:$0x3FB1] =	sst s10  }
0x38: {  	s10 =	sld [smem:$0x3FB2]  }
0x39: {  	_ = 	snop;
	(pc) =	sbr.ind lr, $3  }
0x3a: {  	_ = 	snop  }
0x3b: {  	_ = 	snop  }
0x3c: {  	p2 =	seq.s32 s10, $0x1;
	s10 =	sld [smem:$0x3FB1]  }
0x3d: {  	_ =	shalt  }
0x3e: {  	_ =	shalt  }
0x3f: {  	_ =	shalt  }
0x40: {  	_ =	shalt  }
0x41: {  	_ =	shalt  }
0x42: {  	_ =	shalt  }
0x43: {  	_ =	shalt  }
0x44: {  	_ =	shalt  }
0x45: {  	_ =	shalt  }
0x46: {  	_ =	shalt  }
0x47: {  	_ =	shalt  }
0x48: {  	_ =	shalt  }
0x49: {  	_ =	shalt  }
0x4a: {  	_ =	shalt  }
0x4b: {  	_ =	shalt  }
0x4c: {  	_ =	shalt  }
0x4d: {  	_ =	shalt  }
0x4e: {  	_ =	shalt  }
0x4f: {  	_ =	shalt  }
0x50: {  	_ =	shalt  }
0x51: {  	_ =	shalt  }
0x52: {  	_ =	shalt  }
0x53: {  	_ =	shalt  }
0x54: {  	_ =	shalt  }
0x55: {  	_ =	shalt  }
0x56: {  	_ =	shalt  }
0x57: {  	_ =	shalt  }
0x58: {  	_ =	shalt  }
0x59: {  	_ =	shalt  }
0x5a: {  	_ =	shalt  }
0x5b: {  	_ =	shalt  }
0x5c: {  	_ =	shalt  }
0x5d: {  	_ =	shalt  }
0x5e: {  	_ =	shalt  }
0x5f: {  	_ =	shalt  }
0x60: {  	_ =	shalt  }
0x61: {  	_ =	shalt  }
0x62: {  	_ =	shalt  }
0x63: {  	_ =	shalt  }
0x64: {  	_ =	shalt  }
0x65: {  	_ =	shalt  }
0x66: {  	_ =	shalt  }
0x67: {  	_ =	shalt  }
0x68: {  	_ =	shalt  }
0x69: {  	_ =	shalt  }
0x6a: {  	_ =	shalt  }
0x6b: {  	_ =	shalt  }
0x6c: {  	_ =	shalt  }
0x6d: {  	_ =	shalt  }
0x6e: {  	_ =	shalt  }
0x6f: {  	_ =	shalt  }
0x70: {  	_ =	shalt  }
0x71: {  	_ =	shalt  }
0x72: {  	_ =	shalt  }
0x73: {  	_ =	shalt  }
0x74: {  	_ =	shalt  }
0x75: {  	_ =	shalt  }
0x76: {  	_ =	shalt  }
0x77: {  	_ =	shalt  }
0x78: {  	_ =	shalt  }
0x79: {  	_ =	shalt  }
0x7a: {  	_ =	shalt  }
0x7b: {  	_ =	shalt  }
0x7c: {  	_ =	shalt  }
0x7d: {  	_ =	shalt  }
0x7e: {  	_ =	shalt  }
0x7f: {  	_ =	shalt  }
0x80: {  	_ =	shalt  }
0x81: {  	_ =	shalt  }
0x82: {  	_ =	shalt  }
0x83: {  	_ =	shalt  }
0x84: {  	_ =	shalt  }
0x85: {  	_ =	shalt  }
0x86: {  	_ =	shalt  }
0x87: {  	_ =	shalt  }
.Lfunc_end0:
.L_simem_size_0:
called_computation.3_lowered:
.L_overlay_start_0:
0x88: {  	s2 =	sld [smem:$0x3FD9]  }
0x89: {  	s3 =	sld [smem:$0x3FFE];
	_ =	sdelay $0x1  }
0x8a: {  	s1 =	srdreg.scid  }
0x8b: {  	s0 =	sand.u32 $0x1, s1  }
0x8c: {  	s17 =	sshll.u32 s0, $0xA;
	s2 =	sadd.s32 s3, s2  }
0x8d: {  	s2 =	sadd.s32 s2, s17  }
0x8e: {  	[smem:$0x3FBD] =	sst s2  }
0x8f: {  	_ = 	snop  }
0x90: {  	s2 =	sld [smem:$0x3FD0];
	(tm) =	ssettm $0x1  }
0x91: {  	s18 =	sld [smem:$0x3FFB];
	_ =	sdelay $0x3  }
0x92: {  	_ =	strace s18  }
0x93: {  	s3 =	sld [smem:$0x3FFC];
	_ =	sdelay $0x3  }
0x94: {  	_ =	strace s3  }
0x95: {  	s3 =	sld [smem:$0x3FFD];
	_ =	sdelay $0x3  }
0x96: {  	_ =	strace s3  }
0x97: {  	_ =	strace $0x8FFFFFFF  }
0x98: {  	s19 =	sld [smem:$0x3FDB];
	_ =	sdelay $0x1  }
0x99: {  	s4 =	simm.s32 $_scs_section_size  }
0x9a: {  	s5 =	simm.s32 $_size__tile_overlayer_lowered;
	s6 =	simm.s32 $_tile_overlayer_lowered  }
0x9b: {  	s22 =	simm.s32 $0x1BFF;
	s21 =	sshll.u32 s6, $0x1;
	s3 =	sadd.s32 s4, s19  }
0x9c: {  	s7 =	simm.s32 $0x0;
	s20 =	sshll.u32 s5, $0x1;
	s5 =	sadd.s32 s21, s3  }
0x9d: {  	[timem:s7], [sflag:s22] =	dma.local [hbm:s5], s20  }
0x9e: {  	_ =	swait.ge [sflag:s22], s20  }
0x9f: {  	s4 =	ssub.s32 $0x0, s20;
	[sflag:s22] =	ssyncset.done $0x0  }
0xa0: {  	[sflag:s22] =	ssyncadd.s32 s4;
	_ =	sdelay $0x1  }
0xa1: {  	s23 =	simm.s32 $0x1B8B  }
0xa2: {  	_ =	swait.ge [sflag:s23], $0x1  }
0xa3: {  	[sflag:s23] =	ssyncset.done $0x0  }
0xa4: {  	s25 =	simm.s32 $0x1B8E;
	s24 =	sld [smem:$0x3FFE];
	[sflag:s23] =	ssyncadd.s32 $0xFFFFFFFF  }
0xa5: {  	s26 =	simm.s32 $execute0_lowered;
	[smem:$0x3FD2] =	sst s25  }
0xa6: {  	s5 =	sshll.u32 s26, $0x1;
	_ =	strace $0x8000004F;
	[dreg:$0x1] =	wrdreg $0xFFFFFFFF  }
0xa7: {  	s28 =	simm.s32 $_size_execute0_lowered;
	s3 =	sadd.s32 s3, s5;
	[dreg:$0x0] =	wrdreg $0x0  }
0xa8: {  	s5 =	sshll.u32 s28, $0x1;
	[dreg:$0x2] =	wrdreg s3  }
0xa9: {  	[dreg:$0x3] =	wrdreg s5  }
0xaa: {  	[dreg:$0x4] =	wrdreg $0xC0  }
0xab: {  	_ =	task [dreg:s7], $0x5FFFF  }
0xac: {  	[dreg:$0x1] =	wrdreg $0xFFFFFFFF  }
0xad: {  	[dreg:$0x0] =	wrdreg $0x60  }
0xae: {  	[dreg:$0x2] =	wrdreg s2  }
0xaf: {  	[dreg:$0x3] =	wrdreg s24  }
0xb0: {  	[dreg:$0x4] =	wrdreg $0x84000  }
0xb1: {  	[dreg:$0x5] =	wrdreg $0x9  }
0xb2: {  	_ =	task.clear_ibuf [dreg:s7], $0x6FFFF;
	_ =	strace $0x9000004F  }
0xb3: {  	s29 =	simm.s32 $0x9;
	_ =	strace $0x80000051  }
0xb4: {  	_ =	swait.ge [sflag:s29], $0x1  }
0xb5: {  	[sflag:s29] =	ssyncadd.s32 $0xFFFFFFFF  }
0xb6: {  	_ =	strace $0x90000051  }
0xb7: {  	_ =	sfence  }
0xb8: {  	s30 =	sld [smem:$0x0];
	_ =	sdelay $0x2  }
0xb9: {  	s31 =	sshll.u32 s1, $0xD;
	s1 =	sshrl.u32 s1, $0x2  }
0xba: {  	s3 =	sand.u32 $0x4000, s31;
	s1 =	sadd.s32 s1, s30  }
0xbb: {  	s0 =	sor.u32 s3, s0;
	s1 =	sshll.u32 s1, $0x11  }
0xbc: {  	s0 =	sor.u32 s1, s0  }
0xbd: {  	s0 =	sadd.s32 $0x8F2B, s0  }
0xbe: {  	[sflag:s0] =	ssyncadd.remote.s32 $0x1  }
0xbf: {  	_ =	sfence.sel $0xFFFF  }
0xc0: {  	[dreg:$0x0] =	wrdreg $0xFFFFFFFF;
	(pc) =	sbr.abs _section_cstart, $3  }
0xc1: {  	[dreg:$0x1] =	wrdreg $0xFFFFFFFF  }
0xc2: {  	_ =	task.clear_ibuf [dreg:s7], $0x2FFFF;
	_ =	strace $0x9FFFFFFF  }
0xc3: {  	(tm) =	ssettm $0x7FFFFFFF  }
tec
execute0_lowered:
.L_overlay_start_1:
0x0: {  	(tag) =	ssettag $0x1  }
0x1: {  	s1 =	rddreg [dreg:$0x0]  }
0x2: {  	s0 =	srdreg.scid;
	s2 =	rddreg [dreg:$0x1]  }
0x3: {  	s8 =	stileid.u32;
	s3 =	rddreg [dreg:$0x2];
	s4 =	simm.s32 $0x0  }
0x4: {  	s14 =	simm.s32 $0x400;
	s15 =	simm.s32 $0x9;
	s16 =	simm.s32 $0x200  }
0x5: {  	s17 =	simm.s32 $0x80;
	s18 =	simm.s32 $0x2400;
	s6 =	smul.u32 $0x2800, s8  }
0x6: {  	s28 =	simm.s32 $0x300;
	s29 =	simm.s32 $0x4;
	s19 =	smul.u32 $0x28000, s8  }
0x7: {  	s30 =	simm.s32 $0x380;
	s0 =	sand.u32 $0x1, s0;
	s8 =	smul.u32 $0xA000, s8  }
0x8: {  	s31 =	simm.s32 $0x5;
	[smem:$0x7FF] =	sst s4;
	s5 =	smul.u32 $0x28000, s0  }
0x9: {  	_ =	strace $0x80000050;
	s7 =	ssub.s32 $0x2, s0;
	p0 =	seq.s32 s0, $0x1  }
0xa: {  	s0 =	simm.s32 $0x40800;
	s20 =	sshrl.u32 s7, $0x1;
	s11 =	sadd.s32 s8, s3  }
0xb: {  	s0 =	simm.s32 @!p0 $0x54800;
	s25 =	sshrl.u32 s8, $0x3;
	s5 =	sadd.s32 s6, s5  }
0xc: {  	s6 =	sshrl.u32 s19, $0x2;
	s7 =	ssub.s32 s7, s20;
	s0 =	sadd.s32 s0, s2  }
0xd: {  	s19 =	simm.s32 $0x100;
	s20 =	simm.s32 $0x4400;
	[dreg:$0x4] =	wrdreg s11  }
0xe: {  	s5 =	sshrl.u32 s5, $0x3;
	s6 =	sadd.s32 s6, s3;
	s26 =	smax.u32 s7, $0x1  }
0xf: {  	s0 =	sadd.s32 s0, s25;
	s25 =	simm.s32 $0x280;
	[dreg:$0x9] =	wrdreg s26  }
0x10: {  	s7 =	simm.s32 $0x0;
	s21 =	sadd.s32 $0x2000, s6;
	[dreg:$0xa] =	wrdreg s0  }
0x11: {  	s9 =	sadd.s32 s5, s2;
	s22 =	sadd.s32 $0x4000, s6;
	[dreg:$0x5] =	wrdreg s21  }
0x12: {  	s23 =	sadd.s32 $0x6000, s6;
	s24 =	sadd.s32 $0x8000, s6;
	[dreg:$0x6] =	wrdreg s22  }
0x13: {  	s26 =	simm.s32 $0x3;
	s2 =	simm.s32 $0x6;
	[dreg:$0x7] =	wrdreg s23  }
0x14: {  	s0 =	simm.s32 $0x7;
	s6 =	simm.s32 $0x8;
	[dreg:$0x8] =	wrdreg s24  }
0x15: {  	s12 =	sadd.s32 $0xE800, s9;
	s13 =	sadd.s32 $0x4800, s9;
	s21 =	simm.s32 $0x180  }
0x16: {  	v0 =	vimm.f32 $0.0e+00;
	s22 =	simm.s32 $0x6400;
	s23 =	simm.s32 $0x1;
	s24 =	simm.s32 $0x2  }
.LBB2_1:
0x17: {  	s9 =	simm.s32 $0x100;
	s8 =	simm.s32 $0x0  }
.LBB2_2:
0x18: {  	p0 =	sne.s32 s9, $0x7F00;
	[tilespmem:s8+$0x430] =	vst v0;
	s10 =	smov.u32 s9;
	s9 =	sadd.s32 $0x100, s9  }
.Ltmp0:
0x19: {  	[tilespmem:s8+$0x420] =	vst v0;
	(pc) =	sbr.rel @p0 .LBB2_2-.Ltmp0, $3  }
0x1a: {  	[tilespmem:s8+$0x400] =	vst v0  }
0x1b: {  	[tilespmem:s8+$0x410] =	vst v0;
	_ =	sdelay $0x1  }
0x1c: {  	s8 =	sshra.s32 s10, $0x2  }
0x1d: {  	[tilespmem:s8+$0x430] =	vst v0  }
0x1e: {  	[tilespmem:s8+$0x420] =	vst v0  }
0x1f: {  	[tilespmem:s8+$0x400] =	vst v0  }
0x20: {  	[tilespmem:s8+$0x410] =	vst v0  }
0x21: {  	[spmem:s11] =	stream.linear.scatter [tilespmem:s14], [sflag:$0x9], $0x2000, $0x38;
	[tilespmem:$0x12400] =	vst v63  }
0x22: {  	_ =	swait.ge [sflag:s15], $0x2000  }
0x23: {  	[sflag:s15] =	ssyncset.done $0x0  }
0x24: {  	s5 =	rddreg [dreg:$0x5];
	[sflag:s15] =	ssyncadd.s32 $0xFFFFE000  }
0x25: {  	[spmem:s5] =	stream.linear.scatter [tilespmem:s14], [sflag:$0x9], $0x2000, $0x38;
	[tilespmem:$0x12400] =	vst v63  }
0x26: {  	_ =	swait.ge [sflag:s15], $0x2000  }
0x27: {  	[sflag:s15] =	ssyncset.done $0x0  }
0x28: {  	s11 =	rddreg [dreg:$0x6];
	[sflag:s15] =	ssyncadd.s32 $0xFFFFE000  }
0x29: {  	[spmem:s11] =	stream.linear.scatter [tilespmem:s14], [sflag:$0x9], $0x2000, $0x38;
	[tilespmem:$0x12400] =	vst v63  }
0x2a: {  	_ =	swait.ge [sflag:s15], $0x2000  }
0x2b: {  	[sflag:s15] =	ssyncset.done $0x0  }
0x2c: {  	s8 =	rddreg [dreg:$0x7];
	[sflag:s15] =	ssyncadd.s32 $0xFFFFE000  }
0x2d: {  	[spmem:s8] =	stream.linear.scatter [tilespmem:s14], [sflag:$0x9], $0x2000, $0x38;
	[tilespmem:$0x12400] =	vst v63  }
0x2e: {  	_ =	swait.ge [sflag:s15], $0x2000  }
0x2f: {  	[sflag:s15] =	ssyncset.done $0x0  }
0x30: {  	s9 =	rddreg [dreg:$0x8];
	[sflag:s15] =	ssyncadd.s32 $0xFFFFE000  }
0x31: {  	[spmem:s9] =	stream.linear.scatter [tilespmem:s14], [sflag:$0x9], $0x2000, $0x38;
	[tilespmem:$0x12400] =	vst v63  }
0x32: {  	_ =	swait.ge [sflag:s15], $0x2000  }
0x33: {  	[sflag:s15] =	ssyncset.done $0x0  }
0x34: {  	[sflag:s15] =	ssyncadd.s32 $0xFFFFE000  }
0x35: {  	s10 =	sadd.s32 $0x0, s13;
	[bflag:$0x0] =	sbarrier.arrive $0xFFFF  }
0x36: {  	[tilespmem:s4], [sflag:$0x9] =	stream.linear.gather [hbm4b:s10+s4], $0x200, $0x38;
	[tilespmem:$0x12400] =	vst v63  }
0x37: {  	_ =	swait.ge [sflag:s15], $0x200  }
0x38: {  	[sflag:s15] =	ssyncset.done $0x0  }
0x39: {  	s11 =	sadd.s32 $0x0, s12;
	[sflag:s15] =	ssyncadd.s32 $0xFFFFFE00  }
0x3a: {  	[tilespmem:s16], [sflag:$0x9] =	stream.linear.gather [hbm4b:s11+s4], $0x200, $0x38;
	[tilespmem:$0x12400] =	vst v63  }
0x3b: {  	_ =	swait.ge [sflag:s15], $0x200  }
0x3c: {  	[sflag:s15] =	ssyncset.done $0x0  }
0x3d: {  	[sflag:s15] =	ssyncadd.s32 $0xFFFFFE00  }
0x3e: {  	[tilespmem:s14], [sflag:$0x1] =	stream.indirect.gather [hbm4b:s1+s17], $0x40, s4, s17, $0xb8;
	[tilespmem:$0x12400] =	vst v63  }
0x3f: {  	_ = 	snop  }
0x40: {  	[tilespmem:s18], [sflag:$0x2] =	stream.indirect.gather [hbm4b:s1+s17], $0x40, s17, s17, $0xb8;
	[tilespmem:$0x12400] =	vst v63  }
0x41: {  	_ = 	snop  }
0x42: {  	[tilespmem:s20], [sflag:$0x3] =	stream.indirect.gather [hbm4b:s1+s17], $0x40, s19, s17, $0xb8;
	[tilespmem:$0x12400] =	vst v63  }
0x43: {  	_ = 	snop  }
0x44: {  	[tilespmem:s22], [sflag:$0x4] =	stream.indirect.gather [hbm4b:s1+s17], $0x40, s21, s17, $0xb8;
	[tilespmem:$0x12400] =	vst v63  }
0x45: {  	_ =	swait.ge [sflag:s23], $0x2000  }
0x46: {  	[sflag:s23] =	ssyncset.done $0x0  }
0x47: {  	[sflag:s23] =	ssyncadd.s32 $0xFFFFE000  }
0x48: {  	[spmem:s3] =	stream.indirect.scatter.add.f32 [tilespmem:s14], [sflag:$0x5], $0x40, s16, s17, $0xb8;
	[tilespmem:$0x12400] =	vst v63  }
0x49: {  	_ =	swait.ge [sflag:s24], $0x2000  }
0x4a: {  	[sflag:s24] =	ssyncset.done $0x0  }
0x4b: {  	[sflag:s24] =	ssyncadd.s32 $0xFFFFE000  }
0x4c: {  	[spmem:s3] =	stream.indirect.scatter.add.f32 [tilespmem:s18], [sflag:$0x6], $0x40, s25, s17, $0xb8;
	[tilespmem:$0x12400] =	vst v63  }
0x4d: {  	_ =	swait.ge [sflag:s26], $0x2000  }
0x4e: {  	[sflag:s26] =	ssyncset.done $0x0  }
0x4f: {  	[sflag:s26] =	ssyncadd.s32 $0xFFFFE000  }
0x50: {  	[spmem:s3] =	stream.indirect.scatter.add.f32 [tilespmem:s20], [sflag:$0x7], $0x40, s28, s17, $0xb8;
	[tilespmem:$0x12400] =	vst v63  }
0x51: {  	_ =	swait.ge [sflag:s29], $0x2000  }
0x52: {  	[sflag:s29] =	ssyncset.done $0x0  }
0x53: {  	[sflag:s29] =	ssyncadd.s32 $0xFFFFE000  }
0x54: {  	[spmem:s3] =	stream.indirect.scatter.add.f32 [tilespmem:s22], [sflag:$0x8], $0x40, s30, s17, $0xb8;
	[tilespmem:$0x12400] =	vst v63  }
0x55: {  	_ =	swait.ge [sflag:s31], $0x2000  }
0x56: {  	[sflag:s31] =	ssyncset.done $0x0  }
0x57: {  	[sflag:s31] =	ssyncadd.s32 $0xFFFFE000  }
0x58: {  	_ =	swait.ge [sflag:s2], $0x2000  }
0x59: {  	[sflag:s2] =	ssyncset.done $0x0  }
0x5a: {  	[sflag:s2] =	ssyncadd.s32 $0xFFFFE000  }
0x5b: {  	_ =	swait.ge [sflag:s0], $0x2000  }
0x5c: {  	[sflag:s0] =	ssyncset.done $0x0  }
0x5d: {  	[sflag:s0] =	ssyncadd.s32 $0xFFFFE000  }
0x5e: {  	_ =	swait.ge [sflag:s6], $0x2000  }
0x5f: {  	s8 =	simm.s32 $0x40;
	s9 =	simm.s32 $0x80;
	[sflag:s6] =	ssyncset.done $0x0  }
.LBB2_4:
0x60: {  	s11 =	sadd.s32 s8, s13  }
0x61: {  	[sflag:s6] =	ssyncadd.s32 $0xFFFFE000;
	s5 =	smov.u32 s9;
	s10 =	sadd.s32 $0x40, s9  }
0x62: {  	[tilespmem:s4], [sflag:$0x9] =	stream.linear.gather [hbm4b:s11+s4], $0x200, $0x38;
	[tilespmem:$0x12400] =	vst v63  }
0x63: {  	p0 =	sne.s32 s9, $0x4C0;
	_ =	swait.ge [sflag:s15], $0x200  }
0x64: {  	[sflag:s15] =	ssyncset.done $0x0  }
0x65: {  	s9 =	sadd.s32 s8, s12;
	s8 =	smov.u32 s5;
	[sflag:s15] =	ssyncadd.s32 $0xFFFFFE00  }
0x66: {  	[tilespmem:s16], [sflag:$0x9] =	stream.linear.gather [hbm4b:s9+s4], $0x200, $0x38;
	[tilespmem:$0x12400] =	vst v63  }
0x67: {  	_ =	swait.ge [sflag:s15], $0x200  }
0x68: {  	[sflag:s15] =	ssyncset.done $0x0  }
0x69: {  	[sflag:s15] =	ssyncadd.s32 $0xFFFFFE00  }
0x6a: {  	[tilespmem:s14], [sflag:$0x1] =	stream.indirect.gather [hbm4b:s1+s17], $0x40, s4, s17, $0xb8;
	[tilespmem:$0x12400] =	vst v63  }
0x6b: {  	_ = 	snop  }
0x6c: {  	[tilespmem:s18], [sflag:$0x2] =	stream.indirect.gather [hbm4b:s1+s17], $0x40, s17, s17, $0xb8;
	[tilespmem:$0x12400] =	vst v63  }
0x6d: {  	_ = 	snop  }
0x6e: {  	[tilespmem:s20], [sflag:$0x3] =	stream.indirect.gather [hbm4b:s1+s17], $0x40, s19, s17, $0xb8;
	[tilespmem:$0x12400] =	vst v63  }
0x6f: {  	_ = 	snop  }
0x70: {  	[tilespmem:s22], [sflag:$0x4] =	stream.indirect.gather [hbm4b:s1+s17], $0x40, s21, s17, $0xb8;
	[tilespmem:$0x12400] =	vst v63  }
0x71: {  	_ =	swait.ge [sflag:s23], $0x2000  }
0x72: {  	[sflag:s23] =	ssyncset.done $0x0  }
0x73: {  	[sflag:s23] =	ssyncadd.s32 $0xFFFFE000  }
0x74: {  	[spmem:s3] =	stream.indirect.scatter.add.f32 [tilespmem:s14], [sflag:$0x5], $0x40, s16, s17, $0xb8;
	[tilespmem:$0x12400] =	vst v63  }
0x75: {  	_ =	swait.ge [sflag:s24], $0x2000  }
0x76: {  	[sflag:s24] =	ssyncset.done $0x0  }
0x77: {  	[sflag:s24] =	ssyncadd.s32 $0xFFFFE000  }
0x78: {  	[spmem:s3] =	stream.indirect.scatter.add.f32 [tilespmem:s18], [sflag:$0x6], $0x40, s25, s17, $0xb8;
	[tilespmem:$0x12400] =	vst v63  }
0x79: {  	_ =	swait.ge [sflag:s26], $0x2000  }
0x7a: {  	[sflag:s26] =	ssyncset.done $0x0  }
0x7b: {  	[sflag:s26] =	ssyncadd.s32 $0xFFFFE000  }
0x7c: {  	[spmem:s3] =	stream.indirect.scatter.add.f32 [tilespmem:s20], [sflag:$0x7], $0x40, s28, s17, $0xb8;
	[tilespmem:$0x12400] =	vst v63  }
0x7d: {  	_ =	swait.ge [sflag:s29], $0x2000  }
0x7e: {  	[sflag:s29] =	ssyncset.done $0x0  }
0x7f: {  	[sflag:s29] =	ssyncadd.s32 $0xFFFFE000  }
0x80: {  	[spmem:s3] =	stream.indirect.scatter.add.f32 [tilespmem:s22], [sflag:$0x8], $0x40, s30, s17, $0xb8;
	[tilespmem:$0x12400] =	vst v63  }
0x81: {  	_ =	swait.ge [sflag:s31], $0x2000  }
0x82: {  	[sflag:s31] =	ssyncset.done $0x0  }
0x83: {  	[sflag:s31] =	ssyncadd.s32 $0xFFFFE000  }
0x84: {  	_ =	swait.ge [sflag:s2], $0x2000  }
0x85: {  	[sflag:s2] =	ssyncset.done $0x0  }
0x86: {  	[sflag:s2] =	ssyncadd.s32 $0xFFFFE000  }
.Ltmp1:
0x87: {  	_ =	swait.ge [sflag:s0], $0x2000;
	(pc) =	sbr.rel @p0 .LBB2_4-.Ltmp1, $4  }
0x88: {  	[sflag:s0] =	ssyncset.done $0x0  }
0x89: {  	[sflag:s0] =	ssyncadd.s32 $0xFFFFE000  }
0x8a: {  	_ =	swait.ge [sflag:s6], $0x2000  }
0x8b: {  	s9 =	smov.u32 s10;
	[sflag:s6] =	ssyncset.done $0x0  }
0x8c: {  	s5 =	sadd.s32 s8, s13;
	[sflag:s6] =	ssyncadd.s32 $0xFFFFE000  }
0x8d: {  	[tilespmem:s4], [sflag:$0x9] =	stream.linear.gather [hbm4b:s5+s4], $0x200, $0x38;
	[tilespmem:$0x12400] =	vst v63  }
0x8e: {  	_ =	swait.ge [sflag:s15], $0x200  }
0x8f: {  	[sflag:s15] =	ssyncset.done $0x0  }
0x90: {  	s8 =	sadd.s32 s8, s12;
	[sflag:s15] =	ssyncadd.s32 $0xFFFFFE00  }
0x91: {  	[tilespmem:s16], [sflag:$0x9] =	stream.linear.gather [hbm4b:s8+s4], $0x200, $0x38;
	[tilespmem:$0x12400] =	vst v63  }
0x92: {  	_ =	swait.ge [sflag:s15], $0x200  }
0x93: {  	[sflag:s15] =	ssyncset.done $0x0  }
0x94: {  	[sflag:s15] =	ssyncadd.s32 $0xFFFFFE00  }
0x95: {  	[tilespmem:s14], [sflag:$0x1] =	stream.indirect.gather [hbm4b:s1+s17], $0x40, s4, s17, $0xb8;
	[tilespmem:$0x12400] =	vst v63  }
0x96: {  	_ = 	snop  }
0x97: {  	[tilespmem:s18], [sflag:$0x2] =	stream.indirect.gather [hbm4b:s1+s17], $0x40, s17, s17, $0xb8;
	[tilespmem:$0x12400] =	vst v63  }
0x98: {  	_ = 	snop  }
0x99: {  	[tilespmem:s20], [sflag:$0x3] =	stream.indirect.gather [hbm4b:s1+s17], $0x40, s19, s17, $0xb8;
	[tilespmem:$0x12400] =	vst v63  }
0x9a: {  	_ = 	snop  }
0x9b: {  	[tilespmem:s22], [sflag:$0x4] =	stream.indirect.gather [hbm4b:s1+s17], $0x40, s21, s17, $0xb8;
	[tilespmem:$0x12400] =	vst v63  }
0x9c: {  	_ =	swait.ge [sflag:s23], $0x2000  }
0x9d: {  	[sflag:s23] =	ssyncset.done $0x0  }
0x9e: {  	[sflag:s23] =	ssyncadd.s32 $0xFFFFE000  }
0x9f: {  	[spmem:s3] =	stream.indirect.scatter.add.f32 [tilespmem:s14], [sflag:$0x5], $0x40, s16, s17, $0xb8;
	[tilespmem:$0x12400] =	vst v63  }
0xa0: {  	_ =	swait.ge [sflag:s24], $0x2000  }
0xa1: {  	[sflag:s24] =	ssyncset.done $0x0  }
0xa2: {  	[sflag:s24] =	ssyncadd.s32 $0xFFFFE000  }
0xa3: {  	[spmem:s3] =	stream.indirect.scatter.add.f32 [tilespmem:s18], [sflag:$0x6], $0x40, s25, s17, $0xb8;
	[tilespmem:$0x12400] =	vst v63  }
0xa4: {  	_ =	swait.ge [sflag:s26], $0x2000  }
0xa5: {  	[sflag:s26] =	ssyncset.done $0x0  }
0xa6: {  	[sflag:s26] =	ssyncadd.s32 $0xFFFFE000  }
0xa7: {  	[spmem:s3] =	stream.indirect.scatter.add.f32 [tilespmem:s20], [sflag:$0x7], $0x40, s28, s17, $0xb8;
	[tilespmem:$0x12400] =	vst v63  }
0xa8: {  	_ =	swait.ge [sflag:s29], $0x2000  }
0xa9: {  	[sflag:s29] =	ssyncset.done $0x0  }
0xaa: {  	[sflag:s29] =	ssyncadd.s32 $0xFFFFE000  }
0xab: {  	[spmem:s3] =	stream.indirect.scatter.add.f32 [tilespmem:s22], [sflag:$0x8], $0x40, s30, s17, $0xb8;
	[tilespmem:$0x12400] =	vst v63  }
0xac: {  	_ =	swait.ge [sflag:s31], $0x2000  }
0xad: {  	[sflag:s31] =	ssyncset.done $0x0  }
0xae: {  	[sflag:s31] =	ssyncadd.s32 $0xFFFFE000  }
0xaf: {  	_ =	swait.ge [sflag:s2], $0x2000  }
0xb0: {  	[sflag:s2] =	ssyncset.done $0x0  }
0xb1: {  	[sflag:s2] =	ssyncadd.s32 $0xFFFFE000  }
0xb2: {  	_ =	swait.ge [sflag:s0], $0x2000  }
0xb3: {  	[sflag:s0] =	ssyncset.done $0x0  }
0xb4: {  	[sflag:s0] =	ssyncadd.s32 $0xFFFFE000  }
0xb5: {  	_ =	swait.ge [sflag:s6], $0x2000  }
0xb6: {  	[sflag:s6] =	ssyncset.done $0x0  }
0xb7: {  	[sflag:s6] =	ssyncadd.s32 $0xFFFFE000  }
0xb8: {  	s9 =	stileid.u32;
	[bflag:$0x0] =	sbarrier.arrive $0xFFFF  }
0xb9: {  	s5 =	sshll.u32 s9, $0x6;
	s11 =	rddreg [dreg:$0x4]  }
0xba: {  	s5 =	sor.u32 $0x1C09, s5;
	s9 =	rddreg [dreg:$0xa];
	s10 =	sshrl.u32 s11, $0x3  }
0xbb: {  	[hbm:s9], [sflag:s5] =	dma.local [spmem:s10], $0x1400  }
0xbc: {  	_ =	swait.ge [sflag:s15], $0x1400  }
0xbd: {  	s7 =	sadd.s32 $0x1, s7;
	s10 =	rddreg [dreg:$0x9]  }
0xbe: {  	p0 =	sne.s32 s7, s10  }
.Ltmp2:
0xbf: {  	_ = 	snop;
	(pc) =	sbr.rel @p0 .LBB2_1-.Ltmp2, $3  }
0xc0: {  	_ =	sdelay $0x1  }
0xc1: {  	[sflag:s15] =	ssyncset.done $0x0  }
0xc2: {  	[sflag:s15] =	ssyncadd.s32 $0xFFFFEC00  }
0xc3: {  	_ =	sfence.sel $0x180000  }
0xc4: {  	[bflag:$0x0] =	sbarrier.arrive $0xFFFF  }
0xc5: {  	_ =	strace $0x90000050  }
0xc6: {  	s0 =	stileid.u32;
	[bflag:$0x2] =	sbarrier.arrive $0xFFFF  }
0xc7: {  	p0 =	sne.s32 s0, $0x0;
	s0 =	rddreg [dreg:$0x3]  }
0xc8: {  	s0 =	sadd.s32 @!p0 $0x100000, s0  }
0xc9: {  	[sflag:s0] =	ssyncadd.tile.s32 @!p0 $0x1;
	_ =	shalt  }
.Lfunc_end2:
_tile_overlayer_lowered:
.L_overlay_start_2:
0xca: {  	(tag) =	ssettag $0x2  }
0xcb: {  	s0 =	rddreg [dreg:$0x0];
	s2 =	stileid.u32  }
0xcc: {  	s1 =	rddreg [dreg:$0x1];
	p0 =	sne.s32 s2, $0x0  }
0xcd: {  	s3 =	rddreg [dreg:$0x2];
	[bflag:$0x3] =	sbarrier.arrive $0xFFFF;
	s2 =	simm.s32 @!p0 $0x1C09  }
0xce: {  	[timem:s3], [sflag:s2] =	dma.local @!p0 [hbm:s0], s1  }
0xcf: {  	s0 =	simm.s32 @!p0 $0x9  }
0xd0: {  	_ =	swait.ge @!p0 [sflag:s0], s1  }
0xd1: {  	s1 =	ssub.s32 @!p0 $0x0, s1;
	[sflag:s0] =	ssyncset.done @!p0 $0x0  }
0xd2: {  	[sflag:s0] =	ssyncadd.s32 @!p0 s1  }
0xd3: {  	[bflag:$0x3] =	sbarrier.arrive $0xFFFF  }
0xd4: {  	_ =	shalt  }

</sc_bundles>
